<compile_context>
chip_gen: v7x
topology: tpu7x:2x2x1
jax: 0.10.2.dev20260603
libtpu: 0.0.44.dev20260713+nightly
codegen_flags: <defaults>
</compile_context>

<pallas_src>
import dataclasses
import functools

import jax
import jax.numpy as jnp
from jax import lax
from jax.experimental import pallas as pl
from jax.experimental.pallas import tpu as pltpu
from jax.experimental.pallas import tpu_sc as plsc

C = 128
NC, NS = 2, 16
NW = NC * NS
CHUNK = 128
LANES = 16


def _sc_mesh():
    return plsc.VectorSubcoreMesh(core_axis_name="c", subcore_axis_name="s")


def _sc_compiler_params():
    cp = pltpu.CompilerParams()
    if "needs_layout_passes" in pltpu.CompilerParams.__dataclass_fields__:
        cp = dataclasses.replace(cp, needs_layout_passes=False)
    return cp


def _padded_rows(n_rows):
    per_tile = ((n_rows + NS * CHUNK - 1) // (NS * CHUNK)) * CHUNK
    return per_tile, NS * per_tile


def _zero_2d(ref, nrows, width):
    @pl.loop(0, nrows)
    def _(i):
        @pl.loop(0, width, step=LANES)
        def _(j):
            ref[i, pl.ds(j, LANES)] = jnp.zeros((LANES,), jnp.float32)


def _make_sc_stats(n_rows, nnz):
    _, n_pad = _padded_rows(n_rows)
    hr = n_pad // CHUNK
    share = nnz // NS
    out_t = jax.ShapeDtypeStruct((hr, CHUNK), jnp.float32)

    @functools.partial(
        pl.kernel,
        out_type=(out_t, out_t, out_t),
        mesh=_sc_mesh(),
        compiler_params=_sc_compiler_params(),
        scratch_types=[
            pltpu.VMEM((share,), jnp.int32),
            pltpu.VMEM((share,), jnp.int32),
            pltpu.VMEM((hr, CHUNK), jnp.float32),
            pltpu.VMEM((hr, CHUNK), jnp.float32),
            pltpu.VMEM((hr, CHUNK), jnp.float32),
            pltpu.VMEM((hr,), jnp.int32),
            pltpu.VMEM_SHARED((hr, CHUNK), jnp.float32),
            pltpu.VMEM_SHARED((hr, CHUNK), jnp.float32),
            pltpu.VMEM_SHARED((hr, CHUNK), jnp.float32),
            pltpu.SemaphoreType.DMA,
            pltpu.SemaphoreType.DMA,
        ],
    )
    def stats(v_hbm, e_hbm, dv_hbm, cnt_hbm, de_hbm,
              vsh, esh, h1, h2, dvfull, ident, acc_dv, acc_cnt, acc_de,
              sem_v, sem_e):
        cid = lax.axis_index("c")
        sid = lax.axis_index("s")
        ones = jnp.ones((LANES,), jnp.float32)

        ld_v = pltpu.make_async_copy(
            v_hbm.at[pl.ds(sid * share, share)], vsh, sem_v)
        ld_e = pltpu.make_async_copy(
            e_hbm.at[pl.ds(sid * share, share)], esh, sem_e)
        ld_v.start()
        ld_e.start()

        _zero_2d(h1, hr, CHUNK)
        _zero_2d(h2, hr, CHUNK)

        @pl.loop(0, hr, step=LANES)
        def _(k):
            ident[pl.ds(k, LANES)] = lax.iota(jnp.int32, LANES) + k

        @pl.when(sid < hr // 8)
        def _():
            pltpu.sync_copy(h1.at[pl.ds(0, 8)], acc_dv.at[pl.ds(sid * 8, 8)])
            pltpu.sync_copy(h1.at[pl.ds(0, 8)], acc_cnt.at[pl.ds(sid * 8, 8)])
            pltpu.sync_copy(h1.at[pl.ds(0, 8)], acc_de.at[pl.ds(sid * 8, 8)])

        ld_v.wait()
        plsc.subcore_barrier()

        @pl.loop(0, share, step=LANES)
        def _(i):
            iv = vsh[pl.ds(i, LANES)]
            plsc.addupdate_scatter(
                h1, [jnp.right_shift(iv, 7), jnp.bitwise_and(iv, 127)], ones)

        pltpu.sync_copy(h1, acc_dv.at[ident], add=True)
        plsc.subcore_barrier()
        pltpu.sync_copy(acc_dv, dvfull)
        _zero_2d(h1, hr, CHUNK)
        ld_e.wait()

        @pl.loop(0, share, step=LANES)
        def _(i):
            iv = vsh[pl.ds(i, LANES)]
            ie = esh[pl.ds(i, LANES)]
            er, ec = jnp.right_shift(ie, 7), jnp.bitwise_and(ie, 127)
            plsc.addupdate_scatter(h1, [er, ec], ones)
            dvv = plsc.load_gather(
                dvfull, [jnp.right_shift(iv, 7), jnp.bitwise_and(iv, 127)])
            plsc.addupdate_scatter(h2, [er, ec], dvv)

        pltpu.sync_copy(h1, acc_cnt.at[ident], add=True)
        pltpu.sync_copy(h2, acc_de.at[ident], add=True)
        plsc.subcore_barrier()

        @pl.when(jnp.logical_and(cid == 0, sid < hr // 8))
        def _():
            pltpu.sync_copy(acc_dv.at[pl.ds(sid * 8, 8)],
                            dv_hbm.at[pl.ds(sid * 8, 8)])
            pltpu.sync_copy(acc_cnt.at[pl.ds(sid * 8, 8)],
                            cnt_hbm.at[pl.ds(sid * 8, 8)])
            pltpu.sync_copy(acc_de.at[pl.ds(sid * 8, 8)],
                            de_hbm.at[pl.ds(sid * 8, 8)])

    return stats


def _make_sc_segsum(n_rows, nch):
    rpt, n_pad = _padded_rows(n_rows)

    @functools.partial(
        pl.kernel,
        out_type=jax.ShapeDtypeStruct((NC * n_pad, C), jnp.float32),
        mesh=_sc_mesh(),
        compiler_params=_sc_compiler_params(),
        scratch_types=(
            [pltpu.VMEM((CHUNK,), jnp.int32) for _ in range(8)]
            + [pltpu.VMEM((CHUNK, C), jnp.float32) for _ in range(2)]
            + [pltpu.VMEM_SHARED((n_pad, C), jnp.float32)]
            + [pltpu.SemaphoreType.DMA for _ in range(12)]
        ),
    )
    def segsum(table_hbm, src_hbm, dst_hbm, out_hbm, *refs):
        svb, dvb = refs[0:4], refs[4:8]
        rows = refs[8:10]
        acc_s = refs[10]
        ivs, ies = refs[11:15], refs[15:19]
        gsem = refs[19:21]
        ssem = refs[21:23]
        cid = lax.axis_index("c")
        sid = lax.axis_index("s")
        wid = sid * NC + cid

        def ld_src(p, j):
            return pltpu.make_async_copy(
                src_hbm.at[pl.ds((wid + j * NW) * CHUNK, CHUNK)],
                svb[p], ivs[p])

        def ld_dst(p, j):
            return pltpu.make_async_copy(
                dst_hbm.at[pl.ds((wid + j * NW) * CHUNK, CHUNK)],
                dvb[p], ies[p])

        def gather(p, b):
            return pltpu.make_async_copy(
                table_hbm.at[svb[p]], rows[b], gsem[b])

        def scatter(p, b):
            return pltpu.make_async_copy(rows[b], acc_s.at[dvb[p]], ssem[b])

        for p in range(3):
            ld_src(p, p).start()
            ld_dst(p, p).start()

        _zero_2d(rows[0], CHUNK, C)

        @pl.loop(0, rpt // CHUNK)
        def _(z):
            pltpu.sync_copy(
                rows[0], acc_s.at[pl.ds(sid * rpt + z * CHUNK, CHUNK)])

        plsc.subcore_barrier()

        ld_src(0, 0).wait()
        gather(0, 0).start()

        @pl.loop(0, nch // 4)
        def _(q):
            for p in range(4):
                j = 4 * q + p
                gather(p, p % 2).wait()
                ld_dst(p, 0).wait()
                scatter(p, p % 2).start(add=True)

                @pl.when(j + 1 < nch)
                def _():
                    @pl.when(j > 0)
                    def _():
                        scatter((p + 1) % 4, (p + 1) % 2).wait()
                    ld_src((p + 1) % 4, 0).wait()
                    gather((p + 1) % 4, (p + 1) % 2).start()

                @pl.when(j + 3 < nch)
                def _():
                    ld_src((p + 3) % 4, j + 3).start()
                    ld_dst((p + 3) % 4, j + 3).start()

        scatter(0, 0).wait()
        scatter(1, 1).wait()

        plsc.subcore_barrier()
        pltpu.sync_copy(
            acc_s.at[pl.ds(sid * rpt, rpt)],
            out_hbm.at[pl.ds(cid * n_pad + sid * rpt, rpt)],
        )

    return segsum


def _tc_linear(Xp, W_w, W_b):
    n = Xp.shape[0]

    def body(x_ref, w_ref, b_ref, out_ref):
        out_ref[...] = lax.dot_general(
            x_ref[...], w_ref[...], (((1,), (1,)), ((), ())),
            preferred_element_type=jnp.float32,
        ) + b_ref[...][None, :]

    return pl.pallas_call(
        body, out_shape=jax.ShapeDtypeStruct((n, C), jnp.float32)
    )(Xp, W_w, W_b)


def _tc_normalize(a0, a1, cnt, de_sum):
    n = a0.shape[0]

    def body(a0_ref, a1_ref, cnt_ref, de_ref, y_ref):
        sums = a0_ref[...] + a1_ref[...]
        cnt = cnt_ref[...]
        mean = jnp.where(cnt > 0, sums / jnp.maximum(cnt, 1.0), 0.0)
        de = de_ref[...] / (cnt + 1.0)
        de_r = jnp.where(cnt > 0, lax.rsqrt(jnp.maximum(de, 1e-30)), 1.0)
        y_ref[...] = de_r * mean

    return pl.pallas_call(
        body, out_shape=jax.ShapeDtypeStruct((n, C), jnp.float32)
    )(a0, a1, cnt, de_sum)


def _tc_finalize(b0, b1, dv):
    n = b0.shape[0]

    def body(b0_ref, b1_ref, dv_ref, out_ref):
        xn = b0_ref[...] + b1_ref[...]
        d = dv_ref[...]
        dv_r = jnp.where(d > 0, lax.rsqrt(jnp.maximum(d, 1.0)), 0.0)
        out_ref[...] = jnp.maximum(dv_r * xn, 0.0)

    return pl.pallas_call(
        body, out_shape=jax.ShapeDtypeStruct((n, C), jnp.float32)
    )(b0, b1, dv)


def kernel(X, hyperedge_index, S_features, W_w, W_b):
    del S_features
    n = X.shape[0]
    nnz = hyperedge_index.shape[1]
    V = hyperedge_index[0]
    E = hyperedge_index[1]
    _, n_pad = _padded_rows(n)

    grp = 4 * NW * CHUNK
    nnz_pad = ((nnz + grp - 1) // grp) * grp
    nch = nnz_pad // (NW * CHUNK)
    sent = n + jnp.arange(nnz_pad - nnz, dtype=jnp.int32) % (n_pad - n)
    V2 = jnp.concatenate([V, sent])
    E2 = jnp.concatenate([E, sent])

    Xp = jnp.concatenate([X, jnp.zeros((n_pad - n, C), X.dtype)])
    xl = _tc_linear(Xp, W_w, W_b)

    acc_a = _make_sc_segsum(n, nch)(xl, V2, E2)

    dv, cnt, de = _make_sc_stats(n, nnz)(V, E)
    dv = dv.reshape(-1, 1)
    cnt = cnt.reshape(-1, 1)
    de = de.reshape(-1, 1)
    y = _tc_normalize(acc_a[:n_pad], acc_a[n_pad:], cnt, de)

    acc_b = _make_sc_segsum(n, nch)(y, E2, V2)
    out = _tc_finalize(acc_b[:n_pad], acc_b[n_pad:], dv)
    return out[:n]

# --- scband reference (transcript-rebuilt; emitter-appended) ---
"""Pipeline reference for scband-hypergraph-conv-67619965108632 (READ-ONLY COPY).

The authoritative reference and input builder live on the scoring server;
editing this copy changes nothing except your own understanding.
"""

import jax, jax.numpy as jnp
import numpy as np

IN_C = 128
OUT_C = 128
N_NODES = 10000
NNZ = 320000

def setup_inputs(seed: int = 0) -> dict:
    key = jax.random.key(seed)
    k1, k2, k3, k4, k5 = jax.random.split(key, 5)
    X = jax.random.normal(k1, (N_NODES, IN_C), dtype=jnp.float32)
    hyperedge_index = jax.random.randint(k2, (2, NNZ), 0, N_NODES, dtype=jnp.int32)
    S_features = jax.random.normal(k3, (N_NODES, IN_C), dtype=jnp.float32)
    # nn.Linear(in_channels, out_channels) params, kaiming-uniform-ish init
    bound = 1.0 / np.sqrt(IN_C)
    W_w = jax.random.uniform(k4, (OUT_C, IN_C), minval=-bound, maxval=bound, dtype=jnp.float32)
    W_b = jax.random.uniform(k5, (OUT_C,), minval=-bound, maxval=bound, dtype=jnp.float32)
    return {"X": X, "hyperedge_index": hyperedge_index, "S_features": S_features, "W_w": W_w, "W_b": W_b}

def reference(X, hyperedge_index, S_features, W_w, W_b):
    V = hyperedge_index[0]
    E = hyperedge_index[1]
    num_nodes = X.shape[0]
    num_edges = X.shape[0]
    # X = self.W(X)
    Xl = X @ W_w.T + W_b
    # Xve = X[V]; Y = scatter_mean(Xve, E, dim_size=num_edges)
    Xve = Xl[V]
    sums = jax.ops.segment_sum(Xve, E, num_segments=num_edges)
    cnt = jax.ops.segment_sum(jnp.ones((V.shape[0],), jnp.float32), E, num_segments=num_edges)
    Y = jnp.where(cnt[:, None] > 0, sums / jnp.maximum(cnt, 1.0)[:, None], 0.0)
    # D_v = scatter_add(ones, V)
    D_v = jax.ops.segment_sum(jnp.ones((V.shape[0],), jnp.float32), V, num_segments=num_nodes)
    # _De = zeros.scatter_reduce(0, E, D_v[V], reduce='mean')  (include_self=True -> denom = count+1)
    de_sum = jax.ops.segment_sum(D_v[V], E, num_segments=num_edges)
    _De = jnp.where(cnt > 0, de_sum / (cnt + 1.0), 0.0)
    _De = jnp.power(_De, -0.5)
    _De = jnp.where(jnp.isinf(_De), 1.0, _De)
    Y = _De[:, None] * Y
    # Xev = Y[E]; X = scatter_add(Xev, V, dim_size=num_nodes)
    Xev = Y[E]
    Xn = jax.ops.segment_sum(Xev, V, num_segments=num_nodes)
    _Dv = jnp.power(D_v, -0.5)
    _Dv = jnp.where(jnp.isinf(_Dv), 0.0, _Dv)
    Xn = _Dv[:, None] * Xn
    # not is_last -> relu; dropout is identity in eval mode
    Xn = jax.nn.relu(Xn)
    return Xn

if __name__ == "__main__":
    import jax
    _d = setup_inputs()
    print(jax.jit(kernel)(*tuple(_d.values())))

</pallas_src>

<mosaic_0001>
#map = affine_map<(d0, d1) -> (0)>
#map1 = affine_map<(d0, d1) -> (0, 0)>
module attributes {stable_mosaic.version = 14 : i64} {
  func.func @stats(%arg0: i32, %arg1: i32, %arg2: memref<320000xi32, #tpu.memory_space<hbm>>, %arg3: memref<320000xi32, #tpu.memory_space<hbm>>, %arg4: memref<80x128xf32, #tpu.memory_space<hbm>>, %arg5: memref<80x128xf32, #tpu.memory_space<hbm>>, %arg6: memref<80x128xf32, #tpu.memory_space<hbm>>, %arg7: memref<20000xi32, #tpu.memory_space<vmem>>, %arg8: memref<20000xi32, #tpu.memory_space<vmem>>, %arg9: memref<80x128xf32, #tpu.memory_space<vmem>>, %arg10: memref<80x128xf32, #tpu.memory_space<vmem>>, %arg11: memref<80x128xf32, #tpu.memory_space<vmem>>, %arg12: memref<80xi32, #tpu.memory_space<vmem>>, %arg13: memref<80x128xf32, #tpu.memory_space<vmem_shared>>, %arg14: memref<80x128xf32, #tpu.memory_space<vmem_shared>>, %arg15: memref<80x128xf32, #tpu.memory_space<vmem_shared>>, %arg16: memref<!tpu.dma_semaphore, #tpu.memory_space<semaphore_mem>>, %arg17: memref<!tpu.dma_semaphore, #tpu.memory_space<semaphore_mem>>) attributes {dimension_semantics = [#tpu.dimension_semantics<core_parallel>, #tpu.dimension_semantics<subcore_parallel>], iteration_bounds = array<i64: 2, 16>, scalar_prefetch = 0 : i64, scratch_operands = 11 : i64, tpu.core_type = #tpu.core_type<sc_vector_subcore>, window_params = [{transform_indices = #map}, {transform_indices = #map}, {transform_indices = #map1}, {transform_indices = #map1}, {transform_indices = #map1}]} {
    %broadcast_in_dim3A = arith.constant 1.000000e+00 : f32
    %broadcast_in_dim3A_0 = vector.broadcast %broadcast_in_dim3A : f32 to vector<16xf32>
    %mul3A = arith.constant 20000 : i32
    %mul3A_1 = arith.muli %arg1, %mul3A : i32
    %mul3A_2 = arith.constant 20000 : i32
    %mul3A_3 = arith.muli %arg1, %mul3A_2 : i32
    %dma_start3A = tpu.memref_slice %arg2[%mul3A_1] : memref<320000xi32, #tpu.memory_space<hbm>> -> memref<20000xi32, #tpu.memory_space<hbm>>
    %dma_start3A_4 = tpu.memref_slice %arg2[%mul3A_1] : memref<320000xi32, #tpu.memory_space<hbm>> -> memref<20000xi32, #tpu.memory_space<hbm>>
    tpu.enqueue_dma source(%dma_start3A_4 : memref<20000xi32, #tpu.memory_space<hbm>>) target(%arg7 : memref<20000xi32, #tpu.memory_space<vmem>>) target_semaphore(%arg16 : memref<!tpu.dma_semaphore, #tpu.memory_space<semaphore_mem>>)
    %dma_start3A_5 = tpu.memref_slice %arg3[%mul3A_3] : memref<320000xi32, #tpu.memory_space<hbm>> -> memref<20000xi32, #tpu.memory_space<hbm>>
    %dma_start3A_6 = tpu.memref_slice %arg3[%mul3A_3] : memref<320000xi32, #tpu.memory_space<hbm>> -> memref<20000xi32, #tpu.memory_space<hbm>>
    tpu.enqueue_dma source(%dma_start3A_6 : memref<20000xi32, #tpu.memory_space<hbm>>) target(%arg8 : memref<20000xi32, #tpu.memory_space<vmem>>) target_semaphore(%arg17 : memref<!tpu.dma_semaphore, #tpu.memory_space<semaphore_mem>>)
    %scan3A = arith.constant 0 : i32
    %scan3A_7 = arith.constant 80 : i32
    %scan3A_8 = arith.addi %scan3A, %scan3A_7 : i32
    %scan3A_9 = arith.constant 1 : i32
    scf.for %scan3A_49 = %scan3A to %scan3A_8 step %scan3A_9  : i32 {
      %mul3A_50 = arith.constant 1 : i32
      %mul3A_51 = arith.muli %scan3A_49, %mul3A_50 : i32
      %add3A = arith.constant 0 : i32
      %add3A_52 = arith.addi %add3A, %mul3A_51 : i32
      %scan3A_53 = arith.constant 0 : i32
      %scan3A_54 = arith.constant 8 : i32
      %scan3A_55 = arith.addi %scan3A_53, %scan3A_54 : i32
      %scan3A_56 = arith.constant 1 : i32
      scf.for %scan3A_58 = %scan3A_53 to %scan3A_55 step %scan3A_56  : i32 {
        %mul3A_59 = arith.constant 16 : i32
        %mul3A_60 = arith.muli %scan3A_58, %mul3A_59 : i32
        %add3A_61 = arith.constant 0 : i32
        %add3A_62 = arith.addi %add3A_61, %mul3A_60 : i32
        %broadcast_in_dim3A_63 = arith.constant 0.000000e+00 : f32
        %broadcast_in_dim3A_64 = vector.broadcast %broadcast_in_dim3A_63 : f32 to vector<16xf32>
        %swap3A = arith.index_cast %add3A_52 : i32 to index
        %swap3A_65 = arith.index_cast %add3A_62 : i32 to index
        %swap3A_66 = tpu.vector_load %arg9[%swap3A, %swap3A_65] {strides = array<i32>} : memref<80x128xf32, #tpu.memory_space<vmem>>, vector<16xf32>,
        tpu.vector_store %arg9[%swap3A, %swap3A_65], %broadcast_in_dim3A_64 {strides = array<i32>} : memref<80x128xf32, #tpu.memory_space<vmem>>, vector<16xf32>,
      }
      %scan3A_57 = arith.constant 8 : i32
    }
    %scan3A_10 = arith.constant 80 : i32
    %scan3A_11 = arith.constant 0 : i32
    %scan3A_12 = arith.constant 80 : i32
    %scan3A_13 = arith.addi %scan3A_11, %scan3A_12 : i32
    %scan3A_14 = arith.constant 1 : i32
    scf.for %scan3A_49 = %scan3A_11 to %scan3A_13 step %scan3A_14  : i32 {
      %mul3A_50 = arith.constant 1 : i32
      %mul3A_51 = arith.muli %scan3A_49, %mul3A_50 : i32
      %add3A = arith.constant 0 : i32
      %add3A_52 = arith.addi %add3A, %mul3A_51 : i32
      %scan3A_53 = arith.constant 0 : i32
      %scan3A_54 = arith.constant 8 : i32
      %scan3A_55 = arith.addi %scan3A_53, %scan3A_54 : i32
      %scan3A_56 = arith.constant 1 : i32
      scf.for %scan3A_58 = %scan3A_53 to %scan3A_55 step %scan3A_56  : i32 {
        %mul3A_59 = arith.constant 16 : i32
        %mul3A_60 = arith.muli %scan3A_58, %mul3A_59 : i32
        %add3A_61 = arith.constant 0 : i32
        %add3A_62 = arith.addi %add3A_61, %mul3A_60 : i32
        %broadcast_in_dim3A_63 = arith.constant 0.000000e+00 : f32
        %broadcast_in_dim3A_64 = vector.broadcast %broadcast_in_dim3A_63 : f32 to vector<16xf32>
        %swap3A = arith.index_cast %add3A_52 : i32 to index
        %swap3A_65 = arith.index_cast %add3A_62 : i32 to index
        %swap3A_66 = tpu.vector_load %arg10[%swap3A, %swap3A_65] {strides = array<i32>} : memref<80x128xf32, #tpu.memory_space<vmem>>, vector<16xf32>,
        tpu.vector_store %arg10[%swap3A, %swap3A_65], %broadcast_in_dim3A_64 {strides = array<i32>} : memref<80x128xf32, #tpu.memory_space<vmem>>, vector<16xf32>,
      }
      %scan3A_57 = arith.constant 8 : i32
    }
    %scan3A_15 = arith.constant 80 : i32
    %scan3A_16 = arith.constant 0 : i32
    %scan3A_17 = arith.constant 5 : i32
    %scan3A_18 = arith.addi %scan3A_16, %scan3A_17 : i32
    %scan3A_19 = arith.constant 1 : i32
    scf.for %scan3A_49 = %scan3A_16 to %scan3A_18 step %scan3A_19  : i32 {
      %mul3A_50 = arith.constant 16 : i32
      %mul3A_51 = arith.muli %scan3A_49, %mul3A_50 : i32
      %add3A = arith.constant 0 : i32
      %add3A_52 = arith.addi %add3A, %mul3A_51 : i32
      %iota3A = tpu.iota {dimensions = array<i32: 0>} : vector<16xi32>
      %add3A_53 = vector.broadcast %add3A_52 : i32 to vector<16xi32>
      %add3A_54 = arith.addi %iota3A, %add3A_53 : vector<16xi32>
      %swap3A = arith.index_cast %add3A_52 : i32 to index
      %swap3A_55 = tpu.vector_load %arg12[%swap3A] {strides = array<i32>} : memref<80xi32, #tpu.memory_space<vmem>>, vector<16xi32>,
      tpu.vector_store %arg12[%swap3A], %add3A_54 {strides = array<i32>} : memref<80xi32, #tpu.memory_space<vmem>>, vector<16xi32>,
    }
    %scan3A_20 = arith.constant 5 : i32
    %lt3A = arith.constant 10 : i32
    %lt3A_21 = arith.cmpi slt, %arg1, %lt3A : i32
    %convert_element_type3A = arith.extui %lt3A_21 : i1 to i32
    %cond3A = arith.constant 0 : i32
    %cond3A_22 = arith.cmpi ne, %convert_element_type3A, %cond3A : i32
    scf.if %cond3A_22 {
      %mul3A_49 = arith.constant 8 : i32
      %mul3A_50 = arith.muli %arg1, %mul3A_49 : i32
      "tpu.region"() ({
        %run_scoped3A = tpu.sem_alloc : memref<!tpu.dma_semaphore, #tpu.memory_space<semaphore_mem>>
        %dma_start3A_55 = arith.constant 0 : i32
        %dma_start3A_56 = arith.constant 0 : i32
        %dma_start3A_57 = tpu.memref_slice %arg9[%dma_start3A_55, %dma_start3A_56] : memref<80x128xf32, #tpu.memory_space<vmem>> -> memref<8x128xf32, #tpu.memory_space<vmem>>
        %dma_start3A_58 = arith.constant 0 : i32
        %dma_start3A_59 = tpu.memref_slice %arg13[%mul3A_50, %dma_start3A_58] : memref<80x128xf32, #tpu.memory_space<vmem_shared>> -> memref<8x128xf32, #tpu.memory_space<vmem_shared>>
        %dma_start3A_60 = arith.constant 0 : i32
        %dma_start3A_61 = tpu.memref_slice %arg13[%mul3A_50, %dma_start3A_60] : memref<80x128xf32, #tpu.memory_space<vmem_shared>> -> memref<8x128xf32, #tpu.memory_space<vmem_shared>>
        %dma_start3A_62 = arith.constant 0 : i32
        %dma_start3A_63 = arith.constant 0 : i32
        %dma_start3A_64 = tpu.memref_slice %arg9[%dma_start3A_62, %dma_start3A_63] : memref<80x128xf32, #tpu.memory_space<vmem>> -> memref<8x128xf32, #tpu.memory_space<vmem>>
        tpu.enqueue_dma source(%dma_start3A_64 : memref<8x128xf32, #tpu.memory_space<vmem>>) target(%dma_start3A_61 : memref<8x128xf32, #tpu.memory_space<vmem_shared>>) target_semaphore(%run_scoped3A : memref<!tpu.dma_semaphore, #tpu.memory_space<semaphore_mem>>)
        %dma_wait3A_65 = arith.constant 0 : i32
        %dma_wait3A_66 = arith.constant 0 : i32
        %dma_wait3A_67 = tpu.memref_slice %arg9[%dma_wait3A_65, %dma_wait3A_66] : memref<80x128xf32, #tpu.memory_space<vmem>> -> memref<8x128xf32, #tpu.memory_space<vmem>>
        %dma_wait3A_68 = arith.constant 0 : i32
        %dma_wait3A_69 = tpu.memref_slice %arg13[%mul3A_50, %dma_wait3A_68] : memref<80x128xf32, #tpu.memory_space<vmem_shared>> -> memref<8x128xf32, #tpu.memory_space<vmem_shared>>
        %dma_wait3A_70 = arith.constant 0 : i32
        %dma_wait3A_71 = tpu.memref_slice %arg13[%mul3A_50, %dma_wait3A_70] : memref<80x128xf32, #tpu.memory_space<vmem_shared>> -> memref<8x128xf32, #tpu.memory_space<vmem_shared>>
        %dma_wait3A_72 = arith.constant 0 : i32
        %dma_wait3A_73 = arith.constant 0 : i32
        %dma_wait3A_74 = tpu.memref_slice %arg9[%dma_wait3A_72, %dma_wait3A_73] : memref<80x128xf32, #tpu.memory_space<vmem>> -> memref<8x128xf32, #tpu.memory_space<vmem>>
        tpu.wait_dma2 semaphore(%run_scoped3A : memref<!tpu.dma_semaphore, #tpu.memory_space<semaphore_mem>>) src(%dma_wait3A_74 : memref<8x128xf32, #tpu.memory_space<vmem>>) dst(%dma_wait3A_71 : memref<8x128xf32, #tpu.memory_space<vmem_shared>>)
        tpu.yield
      }) : () -> ()
      %mul3A_51 = arith.constant 8 : i32
      %mul3A_52 = arith.muli %arg1, %mul3A_51 : i32
      "tpu.region"() ({
        %run_scoped3A = tpu.sem_alloc : memref<!tpu.dma_semaphore, #tpu.memory_space<semaphore_mem>>
        %dma_start3A_55 = arith.constant 0 : i32
        %dma_start3A_56 = arith.constant 0 : i32
        %dma_start3A_57 = tpu.memref_slice %arg9[%dma_start3A_55, %dma_start3A_56] : memref<80x128xf32, #tpu.memory_space<vmem>> -> memref<8x128xf32, #tpu.memory_space<vmem>>
        %dma_start3A_58 = arith.constant 0 : i32
        %dma_start3A_59 = tpu.memref_slice %arg14[%mul3A_52, %dma_start3A_58] : memref<80x128xf32, #tpu.memory_space<vmem_shared>> -> memref<8x128xf32, #tpu.memory_space<vmem_shared>>
        %dma_start3A_60 = arith.constant 0 : i32
        %dma_start3A_61 = tpu.memref_slice %arg14[%mul3A_52, %dma_start3A_60] : memref<80x128xf32, #tpu.memory_space<vmem_shared>> -> memref<8x128xf32, #tpu.memory_space<vmem_shared>>
        %dma_start3A_62 = arith.constant 0 : i32
        %dma_start3A_63 = arith.constant 0 : i32
        %dma_start3A_64 = tpu.memref_slice %arg9[%dma_start3A_62, %dma_start3A_63] : memref<80x128xf32, #tpu.memory_space<vmem>> -> memref<8x128xf32, #tpu.memory_space<vmem>>
        tpu.enqueue_dma source(%dma_start3A_64 : memref<8x128xf32, #tpu.memory_space<vmem>>) target(%dma_start3A_61 : memref<8x128xf32, #tpu.memory_space<vmem_shared>>) target_semaphore(%run_scoped3A : memref<!tpu.dma_semaphore, #tpu.memory_space<semaphore_mem>>)
        %dma_wait3A_65 = arith.constant 0 : i32
        %dma_wait3A_66 = arith.constant 0 : i32
        %dma_wait3A_67 = tpu.memref_slice %arg9[%dma_wait3A_65, %dma_wait3A_66] : memref<80x128xf32, #tpu.memory_space<vmem>> -> memref<8x128xf32, #tpu.memory_space<vmem>>
        %dma_wait3A_68 = arith.constant 0 : i32
        %dma_wait3A_69 = tpu.memref_slice %arg14[%mul3A_52, %dma_wait3A_68] : memref<80x128xf32, #tpu.memory_space<vmem_shared>> -> memref<8x128xf32, #tpu.memory_space<vmem_shared>>
        %dma_wait3A_70 = arith.constant 0 : i32
        %dma_wait3A_71 = tpu.memref_slice %arg14[%mul3A_52, %dma_wait3A_70] : memref<80x128xf32, #tpu.memory_space<vmem_shared>> -> memref<8x128xf32, #tpu.memory_space<vmem_shared>>
        %dma_wait3A_72 = arith.constant 0 : i32
        %dma_wait3A_73 = arith.constant 0 : i32
        %dma_wait3A_74 = tpu.memref_slice %arg9[%dma_wait3A_72, %dma_wait3A_73] : memref<80x128xf32, #tpu.memory_space<vmem>> -> memref<8x128xf32, #tpu.memory_space<vmem>>
        tpu.wait_dma2 semaphore(%run_scoped3A : memref<!tpu.dma_semaphore, #tpu.memory_space<semaphore_mem>>) src(%dma_wait3A_74 : memref<8x128xf32, #tpu.memory_space<vmem>>) dst(%dma_wait3A_71 : memref<8x128xf32, #tpu.memory_space<vmem_shared>>)
        tpu.yield
      }) : () -> ()
      %mul3A_53 = arith.constant 8 : i32
      %mul3A_54 = arith.muli %arg1, %mul3A_53 : i32
      "tpu.region"() ({
        %run_scoped3A = tpu.sem_alloc : memref<!tpu.dma_semaphore, #tpu.memory_space<semaphore_mem>>
        %dma_start3A_55 = arith.constant 0 : i32
        %dma_start3A_56 = arith.constant 0 : i32
        %dma_start3A_57 = tpu.memref_slice %arg9[%dma_start3A_55, %dma_start3A_56] : memref<80x128xf32, #tpu.memory_space<vmem>> -> memref<8x128xf32, #tpu.memory_space<vmem>>
        %dma_start3A_58 = arith.constant 0 : i32
        %dma_start3A_59 = tpu.memref_slice %arg15[%mul3A_54, %dma_start3A_58] : memref<80x128xf32, #tpu.memory_space<vmem_shared>> -> memref<8x128xf32, #tpu.memory_space<vmem_shared>>
        %dma_start3A_60 = arith.constant 0 : i32
        %dma_start3A_61 = tpu.memref_slice %arg15[%mul3A_54, %dma_start3A_60] : memref<80x128xf32, #tpu.memory_space<vmem_shared>> -> memref<8x128xf32, #tpu.memory_space<vmem_shared>>
        %dma_start3A_62 = arith.constant 0 : i32
        %dma_start3A_63 = arith.constant 0 : i32
        %dma_start3A_64 = tpu.memref_slice %arg9[%dma_start3A_62, %dma_start3A_63] : memref<80x128xf32, #tpu.memory_space<vmem>> -> memref<8x128xf32, #tpu.memory_space<vmem>>
        tpu.enqueue_dma source(%dma_start3A_64 : memref<8x128xf32, #tpu.memory_space<vmem>>) target(%dma_start3A_61 : memref<8x128xf32, #tpu.memory_space<vmem_shared>>) target_semaphore(%run_scoped3A : memref<!tpu.dma_semaphore, #tpu.memory_space<semaphore_mem>>)
        %dma_wait3A_65 = arith.constant 0 : i32
        %dma_wait3A_66 = arith.constant 0 : i32
        %dma_wait3A_67 = tpu.memref_slice %arg9[%dma_wait3A_65, %dma_wait3A_66] : memref<80x128xf32, #tpu.memory_space<vmem>> -> memref<8x128xf32, #tpu.memory_space<vmem>>
        %dma_wait3A_68 = arith.constant 0 : i32
        %dma_wait3A_69 = tpu.memref_slice %arg15[%mul3A_54, %dma_wait3A_68] : memref<80x128xf32, #tpu.memory_space<vmem_shared>> -> memref<8x128xf32, #tpu.memory_space<vmem_shared>>
        %dma_wait3A_70 = arith.constant 0 : i32
        %dma_wait3A_71 = tpu.memref_slice %arg15[%mul3A_54, %dma_wait3A_70] : memref<80x128xf32, #tpu.memory_space<vmem_shared>> -> memref<8x128xf32, #tpu.memory_space<vmem_shared>>
        %dma_wait3A_72 = arith.constant 0 : i32
        %dma_wait3A_73 = arith.constant 0 : i32
        %dma_wait3A_74 = tpu.memref_slice %arg9[%dma_wait3A_72, %dma_wait3A_73] : memref<80x128xf32, #tpu.memory_space<vmem>> -> memref<8x128xf32, #tpu.memory_space<vmem>>
        tpu.wait_dma2 semaphore(%run_scoped3A : memref<!tpu.dma_semaphore, #tpu.memory_space<semaphore_mem>>) src(%dma_wait3A_74 : memref<8x128xf32, #tpu.memory_space<vmem>>) dst(%dma_wait3A_71 : memref<8x128xf32, #tpu.memory_space<vmem_shared>>)
        tpu.yield
      }) : () -> ()
    } else {
    }
    %dma_wait3A = tpu.memref_slice %arg2[%mul3A_1] : memref<320000xi32, #tpu.memory_space<hbm>> -> memref<20000xi32, #tpu.memory_space<hbm>>
    %dma_wait3A_23 = tpu.memref_slice %arg2[%mul3A_1] : memref<320000xi32, #tpu.memory_space<hbm>> -> memref<20000xi32, #tpu.memory_space<hbm>>
    tpu.wait_dma2 semaphore(%arg16 : memref<!tpu.dma_semaphore, #tpu.memory_space<semaphore_mem>>) src(%dma_wait3A_23 : memref<20000xi32, #tpu.memory_space<hbm>>) dst(%arg7 : memref<20000xi32, #tpu.memory_space<vmem>>)
    %barrier3A = arith.constant 0 : index
    tpu.barrier barrier_id(%barrier3A)
    %scan3A_24 = arith.constant 0 : i32
    %scan3A_25 = arith.constant 1250 : i32
    %scan3A_26 = arith.addi %scan3A_24, %scan3A_25 : i32
    %scan3A_27 = arith.constant 1 : i32
    scf.for %scan3A_49 = %scan3A_24 to %scan3A_26 step %scan3A_27  : i32 {
      %mul3A_50 = arith.constant 16 : i32
      %mul3A_51 = arith.muli %scan3A_49, %mul3A_50 : i32
      %add3A = arith.constant 0 : i32
      %add3A_52 = arith.addi %add3A, %mul3A_51 : i32
      %get3A = arith.index_cast %add3A_52 : i32 to index
      %get3A_53 = tpu.vector_load %arg7[%get3A] {strides = array<i32>} : memref<20000xi32, #tpu.memory_space<vmem>>, vector<16xi32>,
      %shift_right_arithmetic3A = arith.constant 7 : i32
      %shift_right_arithmetic3A_54 = vector.broadcast %shift_right_arithmetic3A : i32 to vector<16xi32>
      %shift_right_arithmetic3A_55 = arith.shrsi %get3A_53, %shift_right_arithmetic3A_54 : vector<16xi32>
      %and3A_56 = arith.constant 127 : i32
      %and3A_57 = vector.broadcast %and3A_56 : i32 to vector<16xi32>
      %and3A_58 = arith.andi %get3A_53, %and3A_57 : vector<16xi32>
      tpu.vector_store_idx %arg9[%shift_right_arithmetic3A_55, %and3A_58], %broadcast_in_dim3A_0 {add = true} : memref<80x128xf32, #tpu.memory_space<vmem>>[vector<16xi32>, vector<16xi32>], vector<16xf32>,
    }
    %scan3A_28 = arith.constant 1250 : i32
    "tpu.region"() ({
      %run_scoped3A = tpu.sem_alloc : memref<!tpu.dma_semaphore, #tpu.memory_space<semaphore_mem>>
      %dma_start3A_49 = arith.constant 0 : i32
      %dma_start3A_50 = arith.constant 0 : i32
      %dma_start3A_51 = tpu.memref_slice %arg13[%dma_start3A_49, %dma_start3A_50] : memref<80x128xf32, #tpu.memory_space<vmem_shared>> -> memref<80x128xf32, #tpu.memory_space<vmem_shared>>
      tpu.enqueue_indirect_dma source(%arg9 : memref<80x128xf32, #tpu.memory_space<vmem>>) target(%dma_start3A_51 : memref<80x128xf32, #tpu.memory_space<vmem_shared>>) offsets(%arg12 : memref<80xi32, #tpu.memory_space<vmem>>) semaphore(%run_scoped3A : memref<!tpu.dma_semaphore, #tpu.memory_space<semaphore_mem>>) {add = true}
      %dma_wait3A_52 = arith.constant 0 : i32
      %dma_wait3A_53 = arith.constant 0 : i32
      %dma_wait3A_54 = tpu.memref_slice %arg13[%dma_wait3A_52, %dma_wait3A_53] : memref<80x128xf32, #tpu.memory_space<vmem_shared>> -> memref<80x128xf32, #tpu.memory_space<vmem_shared>>
      tpu.wait_indirect_dma semaphore(%run_scoped3A : memref<!tpu.dma_semaphore, #tpu.memory_space<semaphore_mem>>) src(%arg9 : memref<80x128xf32, #tpu.memory_space<vmem>>) dst(%dma_wait3A_54 : memref<80x128xf32, #tpu.memory_space<vmem_shared>>)
      tpu.yield
    }) : () -> ()
    %barrier3A_29 = arith.constant 0 : index
    tpu.barrier barrier_id(%barrier3A_29)
    "tpu.region"() ({
      %run_scoped3A = tpu.sem_alloc : memref<!tpu.dma_semaphore, #tpu.memory_space<semaphore_mem>>
      tpu.enqueue_dma source(%arg13 : memref<80x128xf32, #tpu.memory_space<vmem_shared>>) target(%arg11 : memref<80x128xf32, #tpu.memory_space<vmem>>) target_semaphore(%run_scoped3A : memref<!tpu.dma_semaphore, #tpu.memory_space<semaphore_mem>>)
      tpu.wait_dma2 semaphore(%run_scoped3A : memref<!tpu.dma_semaphore, #tpu.memory_space<semaphore_mem>>) src(%arg13 : memref<80x128xf32, #tpu.memory_space<vmem_shared>>) dst(%arg11 : memref<80x128xf32, #tpu.memory_space<vmem>>)
      tpu.yield
    }) : () -> ()
    %scan3A_30 = arith.constant 0 : i32
    %scan3A_31 = arith.constant 80 : i32
    %scan3A_32 = arith.addi %scan3A_30, %scan3A_31 : i32
    %scan3A_33 = arith.constant 1 : i32
    scf.for %scan3A_49 = %scan3A_30 to %scan3A_32 step %scan3A_33  : i32 {
      %mul3A_50 = arith.constant 1 : i32
      %mul3A_51 = arith.muli %scan3A_49, %mul3A_50 : i32
      %add3A = arith.constant 0 : i32
      %add3A_52 = arith.addi %add3A, %mul3A_51 : i32
      %scan3A_53 = arith.constant 0 : i32
      %scan3A_54 = arith.constant 8 : i32
      %scan3A_55 = arith.addi %scan3A_53, %scan3A_54 : i32
      %scan3A_56 = arith.constant 1 : i32
      scf.for %scan3A_58 = %scan3A_53 to %scan3A_55 step %scan3A_56  : i32 {
        %mul3A_59 = arith.constant 16 : i32
        %mul3A_60 = arith.muli %scan3A_58, %mul3A_59 : i32
        %add3A_61 = arith.constant 0 : i32
        %add3A_62 = arith.addi %add3A_61, %mul3A_60 : i32
        %broadcast_in_dim3A_63 = arith.constant 0.000000e+00 : f32
        %broadcast_in_dim3A_64 = vector.broadcast %broadcast_in_dim3A_63 : f32 to vector<16xf32>
        %swap3A = arith.index_cast %add3A_52 : i32 to index
        %swap3A_65 = arith.index_cast %add3A_62 : i32 to index
        %swap3A_66 = tpu.vector_load %arg9[%swap3A, %swap3A_65] {strides = array<i32>} : memref<80x128xf32, #tpu.memory_space<vmem>>, vector<16xf32>,
        tpu.vector_store %arg9[%swap3A, %swap3A_65], %broadcast_in_dim3A_64 {strides = array<i32>} : memref<80x128xf32, #tpu.memory_space<vmem>>, vector<16xf32>,
      }
      %scan3A_57 = arith.constant 8 : i32
    }
    %scan3A_34 = arith.constant 80 : i32
    %dma_wait3A_35 = tpu.memref_slice %arg3[%mul3A_3] : memref<320000xi32, #tpu.memory_space<hbm>> -> memref<20000xi32, #tpu.memory_space<hbm>>
    %dma_wait3A_36 = tpu.memref_slice %arg3[%mul3A_3] : memref<320000xi32, #tpu.memory_space<hbm>> -> memref<20000xi32, #tpu.memory_space<hbm>>
    tpu.wait_dma2 semaphore(%arg17 : memref<!tpu.dma_semaphore, #tpu.memory_space<semaphore_mem>>) src(%dma_wait3A_36 : memref<20000xi32, #tpu.memory_space<hbm>>) dst(%arg8 : memref<20000xi32, #tpu.memory_space<vmem>>)
    %scan3A_37 = arith.constant 0 : i32
    %scan3A_38 = arith.constant 1250 : i32
    %scan3A_39 = arith.addi %scan3A_37, %scan3A_38 : i32
    %scan3A_40 = arith.constant 1 : i32
    scf.for %scan3A_49 = %scan3A_37 to %scan3A_39 step %scan3A_40  : i32 {
      %mul3A_50 = arith.constant 16 : i32
      %mul3A_51 = arith.muli %scan3A_49, %mul3A_50 : i32
      %add3A = arith.constant 0 : i32
      %add3A_52 = arith.addi %add3A, %mul3A_51 : i32
      %get3A = arith.index_cast %add3A_52 : i32 to index
      %get3A_53 = tpu.vector_load %arg7[%get3A] {strides = array<i32>} : memref<20000xi32, #tpu.memory_space<vmem>>, vector<16xi32>,
      %get3A_54 = arith.index_cast %add3A_52 : i32 to index
      %get3A_55 = tpu.vector_load %arg8[%get3A_54] {strides = array<i32>} : memref<20000xi32, #tpu.memory_space<vmem>>, vector<16xi32>,
      %shift_right_arithmetic3A = arith.constant 7 : i32
      %shift_right_arithmetic3A_56 = vector.broadcast %shift_right_arithmetic3A : i32 to vector<16xi32>
      %shift_right_arithmetic3A_57 = arith.shrsi %get3A_55, %shift_right_arithmetic3A_56 : vector<16xi32>
      %and3A_58 = arith.constant 127 : i32
      %and3A_59 = vector.broadcast %and3A_58 : i32 to vector<16xi32>
      %and3A_60 = arith.andi %get3A_55, %and3A_59 : vector<16xi32>
      tpu.vector_store_idx %arg9[%shift_right_arithmetic3A_57, %and3A_60], %broadcast_in_dim3A_0 {add = true} : memref<80x128xf32, #tpu.memory_space<vmem>>[vector<16xi32>, vector<16xi32>], vector<16xf32>,
      %shift_right_arithmetic3A_61 = arith.constant 7 : i32
      %shift_right_arithmetic3A_62 = vector.broadcast %shift_right_arithmetic3A_61 : i32 to vector<16xi32>
      %shift_right_arithmetic3A_63 = arith.shrsi %get3A_53, %shift_right_arithmetic3A_62 : vector<16xi32>
      %and3A_64 = arith.constant 127 : i32
      %and3A_65 = vector.broadcast %and3A_64 : i32 to vector<16xi32>
      %and3A_66 = arith.andi %get3A_53, %and3A_65 : vector<16xi32>
      %gather3A = tpu.vector_load_idx %arg11[%shift_right_arithmetic3A_63, %and3A_66] : memref<80x128xf32, #tpu.memory_space<vmem>>[vector<16xi32>, vector<16xi32>], vector<16xf32>,
      tpu.vector_store_idx %arg10[%shift_right_arithmetic3A_57, %and3A_60], %gather3A {add = true} : memref<80x128xf32, #tpu.memory_space<vmem>>[vector<16xi32>, vector<16xi32>], vector<16xf32>,
    }
    %scan3A_41 = arith.constant 1250 : i32
    "tpu.region"() ({
      %run_scoped3A = tpu.sem_alloc : memref<!tpu.dma_semaphore, #tpu.memory_space<semaphore_mem>>
      %dma_start3A_49 = arith.constant 0 : i32
      %dma_start3A_50 = arith.constant 0 : i32
      %dma_start3A_51 = tpu.memref_slice %arg14[%dma_start3A_49, %dma_start3A_50] : memref<80x128xf32, #tpu.memory_space<vmem_shared>> -> memref<80x128xf32, #tpu.memory_space<vmem_shared>>
      tpu.enqueue_indirect_dma source(%arg9 : memref<80x128xf32, #tpu.memory_space<vmem>>) target(%dma_start3A_51 : memref<80x128xf32, #tpu.memory_space<vmem_shared>>) offsets(%arg12 : memref<80xi32, #tpu.memory_space<vmem>>) semaphore(%run_scoped3A : memref<!tpu.dma_semaphore, #tpu.memory_space<semaphore_mem>>) {add = true}
      %dma_wait3A_52 = arith.constant 0 : i32
      %dma_wait3A_53 = arith.constant 0 : i32
      %dma_wait3A_54 = tpu.memref_slice %arg14[%dma_wait3A_52, %dma_wait3A_53] : memref<80x128xf32, #tpu.memory_space<vmem_shared>> -> memref<80x128xf32, #tpu.memory_space<vmem_shared>>
      tpu.wait_indirect_dma semaphore(%run_scoped3A : memref<!tpu.dma_semaphore, #tpu.memory_space<semaphore_mem>>) src(%arg9 : memref<80x128xf32, #tpu.memory_space<vmem>>) dst(%dma_wait3A_54 : memref<80x128xf32, #tpu.memory_space<vmem_shared>>)
      tpu.yield
    }) : () -> ()
    "tpu.region"() ({
      %run_scoped3A = tpu.sem_alloc : memref<!tpu.dma_semaphore, #tpu.memory_space<semaphore_mem>>
      %dma_start3A_49 = arith.constant 0 : i32
      %dma_start3A_50 = arith.constant 0 : i32
      %dma_start3A_51 = tpu.memref_slice %arg15[%dma_start3A_49, %dma_start3A_50] : memref<80x128xf32, #tpu.memory_space<vmem_shared>> -> memref<80x128xf32, #tpu.memory_space<vmem_shared>>
      tpu.enqueue_indirect_dma source(%arg10 : memref<80x128xf32, #tpu.memory_space<vmem>>) target(%dma_start3A_51 : memref<80x128xf32, #tpu.memory_space<vmem_shared>>) offsets(%arg12 : memref<80xi32, #tpu.memory_space<vmem>>) semaphore(%run_scoped3A : memref<!tpu.dma_semaphore, #tpu.memory_space<semaphore_mem>>) {add = true}
      %dma_wait3A_52 = arith.constant 0 : i32
      %dma_wait3A_53 = arith.constant 0 : i32
      %dma_wait3A_54 = tpu.memref_slice %arg15[%dma_wait3A_52, %dma_wait3A_53] : memref<80x128xf32, #tpu.memory_space<vmem_shared>> -> memref<80x128xf32, #tpu.memory_space<vmem_shared>>
      tpu.wait_indirect_dma semaphore(%run_scoped3A : memref<!tpu.dma_semaphore, #tpu.memory_space<semaphore_mem>>) src(%arg10 : memref<80x128xf32, #tpu.memory_space<vmem>>) dst(%dma_wait3A_54 : memref<80x128xf32, #tpu.memory_space<vmem_shared>>)
      tpu.yield
    }) : () -> ()
    %barrier3A_42 = arith.constant 0 : index
    tpu.barrier barrier_id(%barrier3A_42)
    %eq3A = arith.constant 0 : i32
    %eq3A_43 = arith.cmpi eq, %arg0, %eq3A : i32
    %lt3A_44 = arith.constant 10 : i32
    %lt3A_45 = arith.cmpi slt, %arg1, %lt3A_44 : i32
    %and3A = arith.andi %eq3A_43, %lt3A_45 : i1
    %convert_element_type3A_46 = arith.extui %and3A : i1 to i32
    %cond3A_47 = arith.constant 0 : i32
    %cond3A_48 = arith.cmpi ne, %convert_element_type3A_46, %cond3A_47 : i32
    scf.if %cond3A_48 {
      %mul3A_49 = arith.constant 8 : i32
      %mul3A_50 = arith.muli %arg1, %mul3A_49 : i32
      %mul3A_51 = arith.constant 8 : i32
      %mul3A_52 = arith.muli %arg1, %mul3A_51 : i32
      "tpu.region"() ({
        %run_scoped3A = tpu.sem_alloc : memref<!tpu.dma_semaphore, #tpu.memory_space<semaphore_mem>>
        %dma_start3A_61 = arith.constant 0 : i32
        %dma_start3A_62 = tpu.memref_slice %arg4[%mul3A_52, %dma_start3A_61] : memref<80x128xf32, #tpu.memory_space<hbm>> -> memref<8x128xf32, #tpu.memory_space<hbm>>
        %dma_start3A_63 = arith.constant 0 : i32
        %dma_start3A_64 = tpu.memref_slice %arg13[%mul3A_50, %dma_start3A_63] : memref<80x128xf32, #tpu.memory_space<vmem_shared>> -> memref<8x128xf32, #tpu.memory_space<vmem_shared>>
        tpu.enqueue_dma source(%dma_start3A_64 : memref<8x128xf32, #tpu.memory_space<vmem_shared>>) target(%dma_start3A_62 : memref<8x128xf32, #tpu.memory_space<hbm>>) target_semaphore(%run_scoped3A : memref<!tpu.dma_semaphore, #tpu.memory_space<semaphore_mem>>)
        %dma_wait3A_65 = arith.constant 0 : i32
        %dma_wait3A_66 = tpu.memref_slice %arg4[%mul3A_52, %dma_wait3A_65] : memref<80x128xf32, #tpu.memory_space<hbm>> -> memref<8x128xf32, #tpu.memory_space<hbm>>
        %dma_wait3A_67 = arith.constant 0 : i32
        %dma_wait3A_68 = tpu.memref_slice %arg13[%mul3A_50, %dma_wait3A_67] : memref<80x128xf32, #tpu.memory_space<vmem_shared>> -> memref<8x128xf32, #tpu.memory_space<vmem_shared>>
        tpu.wait_dma2 semaphore(%run_scoped3A : memref<!tpu.dma_semaphore, #tpu.memory_space<semaphore_mem>>) src(%dma_wait3A_68 : memref<8x128xf32, #tpu.memory_space<vmem_shared>>) dst(%dma_wait3A_66 : memref<8x128xf32, #tpu.memory_space<hbm>>)
        tpu.yield
      }) : () -> ()
      %mul3A_53 = arith.constant 8 : i32
      %mul3A_54 = arith.muli %arg1, %mul3A_53 : i32
      %mul3A_55 = arith.constant 8 : i32
      %mul3A_56 = arith.muli %arg1, %mul3A_55 : i32
      "tpu.region"() ({
        %run_scoped3A = tpu.sem_alloc : memref<!tpu.dma_semaphore, #tpu.memory_space<semaphore_mem>>
        %dma_start3A_61 = arith.constant 0 : i32
        %dma_start3A_62 = tpu.memref_slice %arg5[%mul3A_56, %dma_start3A_61] : memref<80x128xf32, #tpu.memory_space<hbm>> -> memref<8x128xf32, #tpu.memory_space<hbm>>
        %dma_start3A_63 = arith.constant 0 : i32
        %dma_start3A_64 = tpu.memref_slice %arg14[%mul3A_54, %dma_start3A_63] : memref<80x128xf32, #tpu.memory_space<vmem_shared>> -> memref<8x128xf32, #tpu.memory_space<vmem_shared>>
        tpu.enqueue_dma source(%dma_start3A_64 : memref<8x128xf32, #tpu.memory_space<vmem_shared>>) target(%dma_start3A_62 : memref<8x128xf32, #tpu.memory_space<hbm>>) target_semaphore(%run_scoped3A : memref<!tpu.dma_semaphore, #tpu.memory_space<semaphore_mem>>)
        %dma_wait3A_65 = arith.constant 0 : i32
        %dma_wait3A_66 = tpu.memref_slice %arg5[%mul3A_56, %dma_wait3A_65] : memref<80x128xf32, #tpu.memory_space<hbm>> -> memref<8x128xf32, #tpu.memory_space<hbm>>
        %dma_wait3A_67 = arith.constant 0 : i32
        %dma_wait3A_68 = tpu.memref_slice %arg14[%mul3A_54, %dma_wait3A_67] : memref<80x128xf32, #tpu.memory_space<vmem_shared>> -> memref<8x128xf32, #tpu.memory_space<vmem_shared>>
        tpu.wait_dma2 semaphore(%run_scoped3A : memref<!tpu.dma_semaphore, #tpu.memory_space<semaphore_mem>>) src(%dma_wait3A_68 : memref<8x128xf32, #tpu.memory_space<vmem_shared>>) dst(%dma_wait3A_66 : memref<8x128xf32, #tpu.memory_space<hbm>>)
        tpu.yield
      }) : () -> ()
      %mul3A_57 = arith.constant 8 : i32
      %mul3A_58 = arith.muli %arg1, %mul3A_57 : i32
      %mul3A_59 = arith.constant 8 : i32
      %mul3A_60 = arith.muli %arg1, %mul3A_59 : i32
      "tpu.region"() ({
        %run_scoped3A = tpu.sem_alloc : memref<!tpu.dma_semaphore, #tpu.memory_space<semaphore_mem>>
        %dma_start3A_61 = arith.constant 0 : i32
        %dma_start3A_62 = tpu.memref_slice %arg6[%mul3A_60, %dma_start3A_61] : memref<80x128xf32, #tpu.memory_space<hbm>> -> memref<8x128xf32, #tpu.memory_space<hbm>>
        %dma_start3A_63 = arith.constant 0 : i32
        %dma_start3A_64 = tpu.memref_slice %arg15[%mul3A_58, %dma_start3A_63] : memref<80x128xf32, #tpu.memory_space<vmem_shared>> -> memref<8x128xf32, #tpu.memory_space<vmem_shared>>
        tpu.enqueue_dma source(%dma_start3A_64 : memref<8x128xf32, #tpu.memory_space<vmem_shared>>) target(%dma_start3A_62 : memref<8x128xf32, #tpu.memory_space<hbm>>) target_semaphore(%run_scoped3A : memref<!tpu.dma_semaphore, #tpu.memory_space<semaphore_mem>>)
        %dma_wait3A_65 = arith.constant 0 : i32
        %dma_wait3A_66 = tpu.memref_slice %arg6[%mul3A_60, %dma_wait3A_65] : memref<80x128xf32, #tpu.memory_space<hbm>> -> memref<8x128xf32, #tpu.memory_space<hbm>>
        %dma_wait3A_67 = arith.constant 0 : i32
        %dma_wait3A_68 = tpu.memref_slice %arg15[%mul3A_58, %dma_wait3A_67] : memref<80x128xf32, #tpu.memory_space<vmem_shared>> -> memref<8x128xf32, #tpu.memory_space<vmem_shared>>
        tpu.wait_dma2 semaphore(%run_scoped3A : memref<!tpu.dma_semaphore, #tpu.memory_space<semaphore_mem>>) src(%dma_wait3A_68 : memref<8x128xf32, #tpu.memory_space<vmem_shared>>) dst(%dma_wait3A_66 : memref<8x128xf32, #tpu.memory_space<hbm>>)
        tpu.yield
      }) : () -> ()
    } else {
    }
    return
  }
}

#map = affine_map<(d0, d1) -> (0, 0)>
#map1 = affine_map<(d0, d1) -> (0)>
module attributes {stable_mosaic.version = 14 : i64} {
  func.func @segsum(%arg0: i32, %arg1: i32, %arg2: memref<10240x128xf32, #tpu.memory_space<hbm>>, %arg3: memref<327680xi32, #tpu.memory_space<hbm>>, %arg4: memref<327680xi32, #tpu.memory_space<hbm>>, %arg5: memref<20480x128xf32, #tpu.memory_space<hbm>>, %arg6: memref<128xi32, #tpu.memory_space<vmem>>, %arg7: memref<128xi32, #tpu.memory_space<vmem>>, %arg8: memref<128xi32, #tpu.memory_space<vmem>>, %arg9: memref<128xi32, #tpu.memory_space<vmem>>, %arg10: memref<128xi32, #tpu.memory_space<vmem>>, %arg11: memref<128xi32, #tpu.memory_space<vmem>>, %arg12: memref<128xi32, #tpu.memory_space<vmem>>, %arg13: memref<128xi32, #tpu.memory_space<vmem>>, %arg14: memref<128x128xf32, #tpu.memory_space<vmem>>, %arg15: memref<128x128xf32, #tpu.memory_space<vmem>>, %arg16: memref<10240x128xf32, #tpu.memory_space<vmem_shared>>, %arg17: memref<!tpu.dma_semaphore, #tpu.memory_space<semaphore_mem>>, %arg18: memref<!tpu.dma_semaphore, #tpu.memory_space<semaphore_mem>>, %arg19: memref<!tpu.dma_semaphore, #tpu.memory_space<semaphore_mem>>, %arg20: memref<!tpu.dma_semaphore, #tpu.memory_space<semaphore_mem>>, %arg21: memref<!tpu.dma_semaphore, #tpu.memory_space<semaphore_mem>>, %arg22: memref<!tpu.dma_semaphore, #tpu.memory_space<semaphore_mem>>, %arg23: memref<!tpu.dma_semaphore, #tpu.memory_space<semaphore_mem>>, %arg24: memref<!tpu.dma_semaphore, #tpu.memory_space<semaphore_mem>>, %arg25: memref<!tpu.dma_semaphore, #tpu.memory_space<semaphore_mem>>, %arg26: memref<!tpu.dma_semaphore, #tpu.memory_space<semaphore_mem>>, %arg27: memref<!tpu.dma_semaphore, #tpu.memory_space<semaphore_mem>>, %arg28: memref<!tpu.dma_semaphore, #tpu.memory_space<semaphore_mem>>) attributes {dimension_semantics = [#tpu.dimension_semantics<core_parallel>, #tpu.dimension_semantics<subcore_parallel>], iteration_bounds = array<i64: 2, 16>, scalar_prefetch = 0 : i64, scratch_operands = 23 : i64, tpu.core_type = #tpu.core_type<sc_vector_subcore>, window_params = [{transform_indices = #map}, {transform_indices = #map1}, {transform_indices = #map1}, {transform_indices = #map}]} {
    %mul3A = arith.constant 2 : i32
    %mul3A_0 = arith.muli %arg1, %mul3A : i32
    %add3A = arith.addi %mul3A_0, %arg0 : i32
    %add3A_1 = arith.constant 0 : i32
    %add3A_2 = arith.addi %add3A, %add3A_1 : i32
    %mul3A_3 = arith.constant 128 : i32
    %mul3A_4 = arith.muli %add3A_2, %mul3A_3 : i32
    %dma_start3A = tpu.memref_slice %arg3[%mul3A_4] : memref<327680xi32, #tpu.memory_space<hbm>> -> memref<128xi32, #tpu.memory_space<hbm>>
    %dma_start3A_5 = tpu.memref_slice %arg3[%mul3A_4] : memref<327680xi32, #tpu.memory_space<hbm>> -> memref<128xi32, #tpu.memory_space<hbm>>
    tpu.enqueue_dma source(%dma_start3A_5 : memref<128xi32, #tpu.memory_space<hbm>>) target(%arg6 : memref<128xi32, #tpu.memory_space<vmem>>) target_semaphore(%arg17 : memref<!tpu.dma_semaphore, #tpu.memory_space<semaphore_mem>>)
    %add3A_6 = arith.constant 0 : i32
    %add3A_7 = arith.addi %add3A, %add3A_6 : i32
    %mul3A_8 = arith.constant 128 : i32
    %mul3A_9 = arith.muli %add3A_7, %mul3A_8 : i32
    %dma_start3A_10 = tpu.memref_slice %arg4[%mul3A_9] : memref<327680xi32, #tpu.memory_space<hbm>> -> memref<128xi32, #tpu.memory_space<hbm>>
    %dma_start3A_11 = tpu.memref_slice %arg4[%mul3A_9] : memref<327680xi32, #tpu.memory_space<hbm>> -> memref<128xi32, #tpu.memory_space<hbm>>
    tpu.enqueue_dma source(%dma_start3A_11 : memref<128xi32, #tpu.memory_space<hbm>>) target(%arg10 : memref<128xi32, #tpu.memory_space<vmem>>) target_semaphore(%arg21 : memref<!tpu.dma_semaphore, #tpu.memory_space<semaphore_mem>>)
    %add3A_12 = arith.constant 32 : i32
    %add3A_13 = arith.addi %add3A, %add3A_12 : i32
    %mul3A_14 = arith.constant 128 : i32
    %mul3A_15 = arith.muli %add3A_13, %mul3A_14 : i32
    %dma_start3A_16 = tpu.memref_slice %arg3[%mul3A_15] : memref<327680xi32, #tpu.memory_space<hbm>> -> memref<128xi32, #tpu.memory_space<hbm>>
    %dma_start3A_17 = tpu.memref_slice %arg3[%mul3A_15] : memref<327680xi32, #tpu.memory_space<hbm>> -> memref<128xi32, #tpu.memory_space<hbm>>
    tpu.enqueue_dma source(%dma_start3A_17 : memref<128xi32, #tpu.memory_space<hbm>>) target(%arg7 : memref<128xi32, #tpu.memory_space<vmem>>) target_semaphore(%arg18 : memref<!tpu.dma_semaphore, #tpu.memory_space<semaphore_mem>>)
    %add3A_18 = arith.constant 32 : i32
    %add3A_19 = arith.addi %add3A, %add3A_18 : i32
    %mul3A_20 = arith.constant 128 : i32
    %mul3A_21 = arith.muli %add3A_19, %mul3A_20 : i32
    %dma_start3A_22 = tpu.memref_slice %arg4[%mul3A_21] : memref<327680xi32, #tpu.memory_space<hbm>> -> memref<128xi32, #tpu.memory_space<hbm>>
    %dma_start3A_23 = tpu.memref_slice %arg4[%mul3A_21] : memref<327680xi32, #tpu.memory_space<hbm>> -> memref<128xi32, #tpu.memory_space<hbm>>
    tpu.enqueue_dma source(%dma_start3A_23 : memref<128xi32, #tpu.memory_space<hbm>>) target(%arg11 : memref<128xi32, #tpu.memory_space<vmem>>) target_semaphore(%arg22 : memref<!tpu.dma_semaphore, #tpu.memory_space<semaphore_mem>>)
    %add3A_24 = arith.constant 64 : i32
    %add3A_25 = arith.addi %add3A, %add3A_24 : i32
    %mul3A_26 = arith.constant 128 : i32
    %mul3A_27 = arith.muli %add3A_25, %mul3A_26 : i32
    %dma_start3A_28 = tpu.memref_slice %arg3[%mul3A_27] : memref<327680xi32, #tpu.memory_space<hbm>> -> memref<128xi32, #tpu.memory_space<hbm>>
    %dma_start3A_29 = tpu.memref_slice %arg3[%mul3A_27] : memref<327680xi32, #tpu.memory_space<hbm>> -> memref<128xi32, #tpu.memory_space<hbm>>
    tpu.enqueue_dma source(%dma_start3A_29 : memref<128xi32, #tpu.memory_space<hbm>>) target(%arg8 : memref<128xi32, #tpu.memory_space<vmem>>) target_semaphore(%arg19 : memref<!tpu.dma_semaphore, #tpu.memory_space<semaphore_mem>>)
    %add3A_30 = arith.constant 64 : i32
    %add3A_31 = arith.addi %add3A, %add3A_30 : i32
    %mul3A_32 = arith.constant 128 : i32
    %mul3A_33 = arith.muli %add3A_31, %mul3A_32 : i32
    %dma_start3A_34 = tpu.memref_slice %arg4[%mul3A_33] : memref<327680xi32, #tpu.memory_space<hbm>> -> memref<128xi32, #tpu.memory_space<hbm>>
    %dma_start3A_35 = tpu.memref_slice %arg4[%mul3A_33] : memref<327680xi32, #tpu.memory_space<hbm>> -> memref<128xi32, #tpu.memory_space<hbm>>
    tpu.enqueue_dma source(%dma_start3A_35 : memref<128xi32, #tpu.memory_space<hbm>>) target(%arg12 : memref<128xi32, #tpu.memory_space<vmem>>) target_semaphore(%arg23 : memref<!tpu.dma_semaphore, #tpu.memory_space<semaphore_mem>>)
    %scan3A = arith.constant 0 : i32
    %scan3A_36 = arith.constant 128 : i32
    %scan3A_37 = arith.addi %scan3A, %scan3A_36 : i32
    %scan3A_38 = arith.constant 1 : i32
    scf.for %scan3A_72 = %scan3A to %scan3A_37 step %scan3A_38  : i32 {
      %mul3A_73 = arith.constant 1 : i32
      %mul3A_74 = arith.muli %scan3A_72, %mul3A_73 : i32
      %add3A_75 = arith.constant 0 : i32
      %add3A_76 = arith.addi %add3A_75, %mul3A_74 : i32
      %scan3A_77 = arith.constant 0 : i32
      %scan3A_78 = arith.constant 8 : i32
      %scan3A_79 = arith.addi %scan3A_77, %scan3A_78 : i32
      %scan3A_80 = arith.constant 1 : i32
      scf.for %scan3A_82 = %scan3A_77 to %scan3A_79 step %scan3A_80  : i32 {
        %mul3A_83 = arith.constant 16 : i32
        %mul3A_84 = arith.muli %scan3A_82, %mul3A_83 : i32
        %add3A_85 = arith.constant 0 : i32
        %add3A_86 = arith.addi %add3A_85, %mul3A_84 : i32
        %broadcast_in_dim3A = arith.constant 0.000000e+00 : f32
        %broadcast_in_dim3A_87 = vector.broadcast %broadcast_in_dim3A : f32 to vector<16xf32>
        %swap3A = arith.index_cast %add3A_76 : i32 to index
        %swap3A_88 = arith.index_cast %add3A_86 : i32 to index
        %swap3A_89 = tpu.vector_load %arg14[%swap3A, %swap3A_88] {strides = array<i32>} : memref<128x128xf32, #tpu.memory_space<vmem>>, vector<16xf32>,
        tpu.vector_store %arg14[%swap3A, %swap3A_88], %broadcast_in_dim3A_87 {strides = array<i32>} : memref<128x128xf32, #tpu.memory_space<vmem>>, vector<16xf32>,
      }
      %scan3A_81 = arith.constant 8 : i32
    }
    %scan3A_39 = arith.constant 128 : i32
    %scan3A_40 = arith.constant 0 : i32
    %scan3A_41 = arith.constant 5 : i32
    %scan3A_42 = arith.addi %scan3A_40, %scan3A_41 : i32
    %scan3A_43 = arith.constant 1 : i32
    scf.for %scan3A_72 = %scan3A_40 to %scan3A_42 step %scan3A_43  : i32 {
      %mul3A_73 = arith.constant 1 : i32
      %mul3A_74 = arith.muli %scan3A_72, %mul3A_73 : i32
      %add3A_75 = arith.constant 0 : i32
      %add3A_76 = arith.addi %add3A_75, %mul3A_74 : i32
      %mul3A_77 = arith.constant 640 : i32
      %mul3A_78 = arith.muli %arg1, %mul3A_77 : i32
      %mul3A_79 = arith.constant 128 : i32
      %mul3A_80 = arith.muli %add3A_76, %mul3A_79 : i32
      %add3A_81 = arith.addi %mul3A_78, %mul3A_80 : i32
      "tpu.region"() ({
        %run_scoped3A = tpu.sem_alloc : memref<!tpu.dma_semaphore, #tpu.memory_space<semaphore_mem>>
        %dma_start3A_82 = arith.constant 0 : i32
        %dma_start3A_83 = tpu.memref_slice %arg16[%add3A_81, %dma_start3A_82] : memref<10240x128xf32, #tpu.memory_space<vmem_shared>> -> memref<128x128xf32, #tpu.memory_space<vmem_shared>>
        %dma_start3A_84 = arith.constant 0 : i32
        %dma_start3A_85 = tpu.memref_slice %arg16[%add3A_81, %dma_start3A_84] : memref<10240x128xf32, #tpu.memory_space<vmem_shared>> -> memref<128x128xf32, #tpu.memory_space<vmem_shared>>
        tpu.enqueue_dma source(%arg14 : memref<128x128xf32, #tpu.memory_space<vmem>>) target(%dma_start3A_85 : memref<128x128xf32, #tpu.memory_space<vmem_shared>>) target_semaphore(%run_scoped3A : memref<!tpu.dma_semaphore, #tpu.memory_space<semaphore_mem>>)
        %dma_wait3A_86 = arith.constant 0 : i32
        %dma_wait3A_87 = tpu.memref_slice %arg16[%add3A_81, %dma_wait3A_86] : memref<10240x128xf32, #tpu.memory_space<vmem_shared>> -> memref<128x128xf32, #tpu.memory_space<vmem_shared>>
        %dma_wait3A_88 = arith.constant 0 : i32
        %dma_wait3A_89 = tpu.memref_slice %arg16[%add3A_81, %dma_wait3A_88] : memref<10240x128xf32, #tpu.memory_space<vmem_shared>> -> memref<128x128xf32, #tpu.memory_space<vmem_shared>>
        tpu.wait_dma2 semaphore(%run_scoped3A : memref<!tpu.dma_semaphore, #tpu.memory_space<semaphore_mem>>) src(%arg14 : memref<128x128xf32, #tpu.memory_space<vmem>>) dst(%dma_wait3A_89 : memref<128x128xf32, #tpu.memory_space<vmem_shared>>)
        tpu.yield
      }) : () -> ()
    }
    %scan3A_44 = arith.constant 5 : i32
    %barrier3A = arith.constant 0 : index
    tpu.barrier barrier_id(%barrier3A)
    %add3A_45 = arith.constant 0 : i32
    %add3A_46 = arith.addi %add3A, %add3A_45 : i32
    %mul3A_47 = arith.constant 128 : i32
    %mul3A_48 = arith.muli %add3A_46, %mul3A_47 : i32
    %dma_wait3A = tpu.memref_slice %arg3[%mul3A_48] : memref<327680xi32, #tpu.memory_space<hbm>> -> memref<128xi32, #tpu.memory_space<hbm>>
    %dma_wait3A_49 = tpu.memref_slice %arg3[%mul3A_48] : memref<327680xi32, #tpu.memory_space<hbm>> -> memref<128xi32, #tpu.memory_space<hbm>>
    tpu.wait_dma2 semaphore(%arg17 : memref<!tpu.dma_semaphore, #tpu.memory_space<semaphore_mem>>) src(%dma_wait3A_49 : memref<128xi32, #tpu.memory_space<hbm>>) dst(%arg6 : memref<128xi32, #tpu.memory_space<vmem>>)
    %dma_start3A_50 = arith.constant 0 : i32
    %dma_start3A_51 = arith.constant 0 : i32
    %dma_start3A_52 = tpu.memref_slice %arg2[%dma_start3A_50, %dma_start3A_51] : memref<10240x128xf32, #tpu.memory_space<hbm>> -> memref<10240x128xf32, #tpu.memory_space<hbm>>
    tpu.enqueue_indirect_dma source(%dma_start3A_52 : memref<10240x128xf32, #tpu.memory_space<hbm>>) target(%arg14 : memref<128x128xf32, #tpu.memory_space<vmem>>) offsets(%arg6 : memref<128xi32, #tpu.memory_space<vmem>>) semaphore(%arg25 : memref<!tpu.dma_semaphore, #tpu.memory_space<semaphore_mem>>)
    %scan3A_53 = arith.constant 0 : i32
    %scan3A_54 = arith.constant 20 : i32
    %scan3A_55 = arith.addi %scan3A_53, %scan3A_54 : i32
    %scan3A_56 = arith.constant 1 : i32
    scf.for %scan3A_72 = %scan3A_53 to %scan3A_55 step %scan3A_56  : i32 {
      %mul3A_73 = arith.constant 1 : i32
      %mul3A_74 = arith.muli %scan3A_72, %mul3A_73 : i32
      %add3A_75 = arith.constant 0 : i32
      %add3A_76 = arith.addi %add3A_75, %mul3A_74 : i32
      %mul3A_77 = arith.constant 4 : i32
      %mul3A_78 = arith.muli %mul3A_77, %add3A_76 : i32
      %add3A_79 = arith.constant 0 : i32
      %add3A_80 = arith.addi %mul3A_78, %add3A_79 : i32
      %dma_wait3A_81 = arith.constant 0 : i32
      %dma_wait3A_82 = arith.constant 0 : i32
      %dma_wait3A_83 = tpu.memref_slice %arg2[%dma_wait3A_81, %dma_wait3A_82] : memref<10240x128xf32, #tpu.memory_space<hbm>> -> memref<10240x128xf32, #tpu.memory_space<hbm>>
      tpu.wait_indirect_dma semaphore(%arg25 : memref<!tpu.dma_semaphore, #tpu.memory_space<semaphore_mem>>) src(%dma_wait3A_83 : memref<10240x128xf32, #tpu.memory_space<hbm>>) dst(%arg14 : memref<128x128xf32, #tpu.memory_space<vmem>>)
      %add3A_84 = arith.constant 0 : i32
      %add3A_85 = arith.addi %add3A, %add3A_84 : i32
      %mul3A_86 = arith.constant 128 : i32
      %mul3A_87 = arith.muli %add3A_85, %mul3A_86 : i32
      %dma_wait3A_88 = tpu.memref_slice %arg4[%mul3A_87] : memref<327680xi32, #tpu.memory_space<hbm>> -> memref<128xi32, #tpu.memory_space<hbm>>
      %dma_wait3A_89 = tpu.memref_slice %arg4[%mul3A_87] : memref<327680xi32, #tpu.memory_space<hbm>> -> memref<128xi32, #tpu.memory_space<hbm>>
      tpu.wait_dma2 semaphore(%arg21 : memref<!tpu.dma_semaphore, #tpu.memory_space<semaphore_mem>>) src(%dma_wait3A_89 : memref<128xi32, #tpu.memory_space<hbm>>) dst(%arg10 : memref<128xi32, #tpu.memory_space<vmem>>)
      %dma_start3A_90 = arith.constant 0 : i32
      %dma_start3A_91 = arith.constant 0 : i32
      %dma_start3A_92 = tpu.memref_slice %arg16[%dma_start3A_90, %dma_start3A_91] : memref<10240x128xf32, #tpu.memory_space<vmem_shared>> -> memref<10240x128xf32, #tpu.memory_space<vmem_shared>>
      tpu.enqueue_indirect_dma source(%arg14 : memref<128x128xf32, #tpu.memory_space<vmem>>) target(%dma_start3A_92 : memref<10240x128xf32, #tpu.memory_space<vmem_shared>>) offsets(%arg10 : memref<128xi32, #tpu.memory_space<vmem>>) semaphore(%arg27 : memref<!tpu.dma_semaphore, #tpu.memory_space<semaphore_mem>>) {add = true}
      %add3A_93 = arith.constant 1 : i32
      %add3A_94 = arith.addi %add3A_80, %add3A_93 : i32
      %lt3A = arith.constant 80 : i32
      %lt3A_95 = arith.cmpi slt, %add3A_94, %lt3A : i32
      %convert_element_type3A = arith.extui %lt3A_95 : i1 to i32
      %cond3A = arith.constant 0 : i32
      %cond3A_96 = arith.cmpi ne, %convert_element_type3A, %cond3A : i32
      scf.if %cond3A_96 {
        %gt3A = arith.constant 0 : i32
        %gt3A_194 = arith.cmpi sgt, %add3A_80, %gt3A : i32
        %convert_element_type3A_195 = arith.extui %gt3A_194 : i1 to i32
        %cond3A_196 = arith.constant 0 : i32
        %cond3A_197 = arith.cmpi ne, %convert_element_type3A_195, %cond3A_196 : i32
        scf.if %cond3A_197 {
          %dma_wait3A_207 = arith.constant 0 : i32
          %dma_wait3A_208 = arith.constant 0 : i32
          %dma_wait3A_209 = tpu.memref_slice %arg16[%dma_wait3A_207, %dma_wait3A_208] : memref<10240x128xf32, #tpu.memory_space<vmem_shared>> -> memref<10240x128xf32, #tpu.memory_space<vmem_shared>>
          tpu.wait_indirect_dma semaphore(%arg28 : memref<!tpu.dma_semaphore, #tpu.memory_space<semaphore_mem>>) src(%arg15 : memref<128x128xf32, #tpu.memory_space<vmem>>) dst(%dma_wait3A_209 : memref<10240x128xf32, #tpu.memory_space<vmem_shared>>)
        } else {
        }
        %add3A_198 = arith.constant 0 : i32
        %add3A_199 = arith.addi %add3A, %add3A_198 : i32
        %mul3A_200 = arith.constant 128 : i32
        %mul3A_201 = arith.muli %add3A_199, %mul3A_200 : i32
        %dma_wait3A_202 = tpu.memref_slice %arg3[%mul3A_201] : memref<327680xi32, #tpu.memory_space<hbm>> -> memref<128xi32, #tpu.memory_space<hbm>>
        %dma_wait3A_203 = tpu.memref_slice %arg3[%mul3A_201] : memref<327680xi32, #tpu.memory_space<hbm>> -> memref<128xi32, #tpu.memory_space<hbm>>
        tpu.wait_dma2 semaphore(%arg18 : memref<!tpu.dma_semaphore, #tpu.memory_space<semaphore_mem>>) src(%dma_wait3A_203 : memref<128xi32, #tpu.memory_space<hbm>>) dst(%arg7 : memref<128xi32, #tpu.memory_space<vmem>>)
        %dma_start3A_204 = arith.constant 0 : i32
        %dma_start3A_205 = arith.constant 0 : i32
        %dma_start3A_206 = tpu.memref_slice %arg2[%dma_start3A_204, %dma_start3A_205] : memref<10240x128xf32, #tpu.memory_space<hbm>> -> memref<10240x128xf32, #tpu.memory_space<hbm>>
        tpu.enqueue_indirect_dma source(%dma_start3A_206 : memref<10240x128xf32, #tpu.memory_space<hbm>>) target(%arg15 : memref<128x128xf32, #tpu.memory_space<vmem>>) offsets(%arg7 : memref<128xi32, #tpu.memory_space<vmem>>) semaphore(%arg26 : memref<!tpu.dma_semaphore, #tpu.memory_space<semaphore_mem>>)
      } else {
      }
      %add3A_97 = arith.constant 3 : i32
      %add3A_98 = arith.addi %add3A_80, %add3A_97 : i32
      %lt3A_99 = arith.constant 80 : i32
      %lt3A_100 = arith.cmpi slt, %add3A_98, %lt3A_99 : i32
      %convert_element_type3A_101 = arith.extui %lt3A_100 : i1 to i32
      %cond3A_102 = arith.constant 0 : i32
      %cond3A_103 = arith.cmpi ne, %convert_element_type3A_101, %cond3A_102 : i32
      scf.if %cond3A_103 {
        %add3A_194 = arith.constant 3 : i32
        %add3A_195 = arith.addi %add3A_80, %add3A_194 : i32
        %mul3A_196 = arith.constant 32 : i32
        %mul3A_197 = arith.muli %add3A_195, %mul3A_196 : i32
        %add3A_198 = arith.addi %add3A, %mul3A_197 : i32
        %mul3A_199 = arith.constant 128 : i32
        %mul3A_200 = arith.muli %add3A_198, %mul3A_199 : i32
        %dma_start3A_201 = tpu.memref_slice %arg3[%mul3A_200] : memref<327680xi32, #tpu.memory_space<hbm>> -> memref<128xi32, #tpu.memory_space<hbm>>
        %dma_start3A_202 = tpu.memref_slice %arg3[%mul3A_200] : memref<327680xi32, #tpu.memory_space<hbm>> -> memref<128xi32, #tpu.memory_space<hbm>>
        tpu.enqueue_dma source(%dma_start3A_202 : memref<128xi32, #tpu.memory_space<hbm>>) target(%arg9 : memref<128xi32, #tpu.memory_space<vmem>>) target_semaphore(%arg20 : memref<!tpu.dma_semaphore, #tpu.memory_space<semaphore_mem>>)
        %add3A_203 = arith.constant 3 : i32
        %add3A_204 = arith.addi %add3A_80, %add3A_203 : i32
        %mul3A_205 = arith.constant 32 : i32
        %mul3A_206 = arith.muli %add3A_204, %mul3A_205 : i32
        %add3A_207 = arith.addi %add3A, %mul3A_206 : i32
        %mul3A_208 = arith.constant 128 : i32
        %mul3A_209 = arith.muli %add3A_207, %mul3A_208 : i32
        %dma_start3A_210 = tpu.memref_slice %arg4[%mul3A_209] : memref<327680xi32, #tpu.memory_space<hbm>> -> memref<128xi32, #tpu.memory_space<hbm>>
        %dma_start3A_211 = tpu.memref_slice %arg4[%mul3A_209] : memref<327680xi32, #tpu.memory_space<hbm>> -> memref<128xi32, #tpu.memory_space<hbm>>
        tpu.enqueue_dma source(%dma_start3A_211 : memref<128xi32, #tpu.memory_space<hbm>>) target(%arg13 : memref<128xi32, #tpu.memory_space<vmem>>) target_semaphore(%arg24 : memref<!tpu.dma_semaphore, #tpu.memory_space<semaphore_mem>>)
      } else {
      }
      %mul3A_104 = arith.constant 4 : i32
      %mul3A_105 = arith.muli %mul3A_104, %add3A_76 : i32
      %add3A_106 = arith.constant 1 : i32
      %add3A_107 = arith.addi %mul3A_105, %add3A_106 : i32
      %dma_wait3A_108 = arith.constant 0 : i32
      %dma_wait3A_109 = arith.constant 0 : i32
      %dma_wait3A_110 = tpu.memref_slice %arg2[%dma_wait3A_108, %dma_wait3A_109] : memref<10240x128xf32, #tpu.memory_space<hbm>> -> memref<10240x128xf32, #tpu.memory_space<hbm>>
      tpu.wait_indirect_dma semaphore(%arg26 : memref<!tpu.dma_semaphore, #tpu.memory_space<semaphore_mem>>) src(%dma_wait3A_110 : memref<10240x128xf32, #tpu.memory_space<hbm>>) dst(%arg15 : memref<128x128xf32, #tpu.memory_space<vmem>>)
      %add3A_111 = arith.constant 0 : i32
      %add3A_112 = arith.addi %add3A, %add3A_111 : i32
      %mul3A_113 = arith.constant 128 : i32
      %mul3A_114 = arith.muli %add3A_112, %mul3A_113 : i32
      %dma_wait3A_115 = tpu.memref_slice %arg4[%mul3A_114] : memref<327680xi32, #tpu.memory_space<hbm>> -> memref<128xi32, #tpu.memory_space<hbm>>
      %dma_wait3A_116 = tpu.memref_slice %arg4[%mul3A_114] : memref<327680xi32, #tpu.memory_space<hbm>> -> memref<128xi32, #tpu.memory_space<hbm>>
      tpu.wait_dma2 semaphore(%arg22 : memref<!tpu.dma_semaphore, #tpu.memory_space<semaphore_mem>>) src(%dma_wait3A_116 : memref<128xi32, #tpu.memory_space<hbm>>) dst(%arg11 : memref<128xi32, #tpu.memory_space<vmem>>)
      %dma_start3A_117 = arith.constant 0 : i32
      %dma_start3A_118 = arith.constant 0 : i32
      %dma_start3A_119 = tpu.memref_slice %arg16[%dma_start3A_117, %dma_start3A_118] : memref<10240x128xf32, #tpu.memory_space<vmem_shared>> -> memref<10240x128xf32, #tpu.memory_space<vmem_shared>>
      tpu.enqueue_indirect_dma source(%arg15 : memref<128x128xf32, #tpu.memory_space<vmem>>) target(%dma_start3A_119 : memref<10240x128xf32, #tpu.memory_space<vmem_shared>>) offsets(%arg11 : memref<128xi32, #tpu.memory_space<vmem>>) semaphore(%arg28 : memref<!tpu.dma_semaphore, #tpu.memory_space<semaphore_mem>>) {add = true}
      %add3A_120 = arith.constant 1 : i32
      %add3A_121 = arith.addi %add3A_107, %add3A_120 : i32
      %lt3A_122 = arith.constant 80 : i32
      %lt3A_123 = arith.cmpi slt, %add3A_121, %lt3A_122 : i32
      %convert_element_type3A_124 = arith.extui %lt3A_123 : i1 to i32
      %cond3A_125 = arith.constant 0 : i32
      %cond3A_126 = arith.cmpi ne, %convert_element_type3A_124, %cond3A_125 : i32
      scf.if %cond3A_126 {
        %gt3A = arith.constant 0 : i32
        %gt3A_194 = arith.cmpi sgt, %add3A_107, %gt3A : i32
        %convert_element_type3A_195 = arith.extui %gt3A_194 : i1 to i32
        %cond3A_196 = arith.constant 0 : i32
        %cond3A_197 = arith.cmpi ne, %convert_element_type3A_195, %cond3A_196 : i32
        scf.if %cond3A_197 {
          %dma_wait3A_207 = arith.constant 0 : i32
          %dma_wait3A_208 = arith.constant 0 : i32
          %dma_wait3A_209 = tpu.memref_slice %arg16[%dma_wait3A_207, %dma_wait3A_208] : memref<10240x128xf32, #tpu.memory_space<vmem_shared>> -> memref<10240x128xf32, #tpu.memory_space<vmem_shared>>
          tpu.wait_indirect_dma semaphore(%arg27 : memref<!tpu.dma_semaphore, #tpu.memory_space<semaphore_mem>>) src(%arg14 : memref<128x128xf32, #tpu.memory_space<vmem>>) dst(%dma_wait3A_209 : memref<10240x128xf32, #tpu.memory_space<vmem_shared>>)
        } else {
        }
        %add3A_198 = arith.constant 0 : i32
        %add3A_199 = arith.addi %add3A, %add3A_198 : i32
        %mul3A_200 = arith.constant 128 : i32
        %mul3A_201 = arith.muli %add3A_199, %mul3A_200 : i32
        %dma_wait3A_202 = tpu.memref_slice %arg3[%mul3A_201] : memref<327680xi32, #tpu.memory_space<hbm>> -> memref<128xi32, #tpu.memory_space<hbm>>
        %dma_wait3A_203 = tpu.memref_slice %arg3[%mul3A_201] : memref<327680xi32, #tpu.memory_space<hbm>> -> memref<128xi32, #tpu.memory_space<hbm>>
        tpu.wait_dma2 semaphore(%arg19 : memref<!tpu.dma_semaphore, #tpu.memory_space<semaphore_mem>>) src(%dma_wait3A_203 : memref<128xi32, #tpu.memory_space<hbm>>) dst(%arg8 : memref<128xi32, #tpu.memory_space<vmem>>)
        %dma_start3A_204 = arith.constant 0 : i32
        %dma_start3A_205 = arith.constant 0 : i32
        %dma_start3A_206 = tpu.memref_slice %arg2[%dma_start3A_204, %dma_start3A_205] : memref<10240x128xf32, #tpu.memory_space<hbm>> -> memref<10240x128xf32, #tpu.memory_space<hbm>>
        tpu.enqueue_indirect_dma source(%dma_start3A_206 : memref<10240x128xf32, #tpu.memory_space<hbm>>) target(%arg14 : memref<128x128xf32, #tpu.memory_space<vmem>>) offsets(%arg8 : memref<128xi32, #tpu.memory_space<vmem>>) semaphore(%arg25 : memref<!tpu.dma_semaphore, #tpu.memory_space<semaphore_mem>>)
      } else {
      }
      %add3A_127 = arith.constant 3 : i32
      %add3A_128 = arith.addi %add3A_107, %add3A_127 : i32
      %lt3A_129 = arith.constant 80 : i32
      %lt3A_130 = arith.cmpi slt, %add3A_128, %lt3A_129 : i32
      %convert_element_type3A_131 = arith.extui %lt3A_130 : i1 to i32
      %cond3A_132 = arith.constant 0 : i32
      %cond3A_133 = arith.cmpi ne, %convert_element_type3A_131, %cond3A_132 : i32
      scf.if %cond3A_133 {
        %add3A_194 = arith.constant 3 : i32
        %add3A_195 = arith.addi %add3A_107, %add3A_194 : i32
        %mul3A_196 = arith.constant 32 : i32
        %mul3A_197 = arith.muli %add3A_195, %mul3A_196 : i32
        %add3A_198 = arith.addi %add3A, %mul3A_197 : i32
        %mul3A_199 = arith.constant 128 : i32
        %mul3A_200 = arith.muli %add3A_198, %mul3A_199 : i32
        %dma_start3A_201 = tpu.memref_slice %arg3[%mul3A_200] : memref<327680xi32, #tpu.memory_space<hbm>> -> memref<128xi32, #tpu.memory_space<hbm>>
        %dma_start3A_202 = tpu.memref_slice %arg3[%mul3A_200] : memref<327680xi32, #tpu.memory_space<hbm>> -> memref<128xi32, #tpu.memory_space<hbm>>
        tpu.enqueue_dma source(%dma_start3A_202 : memref<128xi32, #tpu.memory_space<hbm>>) target(%arg6 : memref<128xi32, #tpu.memory_space<vmem>>) target_semaphore(%arg17 : memref<!tpu.dma_semaphore, #tpu.memory_space<semaphore_mem>>)
        %add3A_203 = arith.constant 3 : i32
        %add3A_204 = arith.addi %add3A_107, %add3A_203 : i32
        %mul3A_205 = arith.constant 32 : i32
        %mul3A_206 = arith.muli %add3A_204, %mul3A_205 : i32
        %add3A_207 = arith.addi %add3A, %mul3A_206 : i32
        %mul3A_208 = arith.constant 128 : i32
        %mul3A_209 = arith.muli %add3A_207, %mul3A_208 : i32
        %dma_start3A_210 = tpu.memref_slice %arg4[%mul3A_209] : memref<327680xi32, #tpu.memory_space<hbm>> -> memref<128xi32, #tpu.memory_space<hbm>>
        %dma_start3A_211 = tpu.memref_slice %arg4[%mul3A_209] : memref<327680xi32, #tpu.memory_space<hbm>> -> memref<128xi32, #tpu.memory_space<hbm>>
        tpu.enqueue_dma source(%dma_start3A_211 : memref<128xi32, #tpu.memory_space<hbm>>) target(%arg10 : memref<128xi32, #tpu.memory_space<vmem>>) target_semaphore(%arg21 : memref<!tpu.dma_semaphore, #tpu.memory_space<semaphore_mem>>)
      } else {
      }
      %mul3A_134 = arith.constant 4 : i32
      %mul3A_135 = arith.muli %mul3A_134, %add3A_76 : i32
      %add3A_136 = arith.constant 2 : i32
      %add3A_137 = arith.addi %mul3A_135, %add3A_136 : i32
      %dma_wait3A_138 = arith.constant 0 : i32
      %dma_wait3A_139 = arith.constant 0 : i32
      %dma_wait3A_140 = tpu.memref_slice %arg2[%dma_wait3A_138, %dma_wait3A_139] : memref<10240x128xf32, #tpu.memory_space<hbm>> -> memref<10240x128xf32, #tpu.memory_space<hbm>>
      tpu.wait_indirect_dma semaphore(%arg25 : memref<!tpu.dma_semaphore, #tpu.memory_space<semaphore_mem>>) src(%dma_wait3A_140 : memref<10240x128xf32, #tpu.memory_space<hbm>>) dst(%arg14 : memref<128x128xf32, #tpu.memory_space<vmem>>)
      %add3A_141 = arith.constant 0 : i32
      %add3A_142 = arith.addi %add3A, %add3A_141 : i32
      %mul3A_143 = arith.constant 128 : i32
      %mul3A_144 = arith.muli %add3A_142, %mul3A_143 : i32
      %dma_wait3A_145 = tpu.memref_slice %arg4[%mul3A_144] : memref<327680xi32, #tpu.memory_space<hbm>> -> memref<128xi32, #tpu.memory_space<hbm>>
      %dma_wait3A_146 = tpu.memref_slice %arg4[%mul3A_144] : memref<327680xi32, #tpu.memory_space<hbm>> -> memref<128xi32, #tpu.memory_space<hbm>>
      tpu.wait_dma2 semaphore(%arg23 : memref<!tpu.dma_semaphore, #tpu.memory_space<semaphore_mem>>) src(%dma_wait3A_146 : memref<128xi32, #tpu.memory_space<hbm>>) dst(%arg12 : memref<128xi32, #tpu.memory_space<vmem>>)
      %dma_start3A_147 = arith.constant 0 : i32
      %dma_start3A_148 = arith.constant 0 : i32
      %dma_start3A_149 = tpu.memref_slice %arg16[%dma_start3A_147, %dma_start3A_148] : memref<10240x128xf32, #tpu.memory_space<vmem_shared>> -> memref<10240x128xf32, #tpu.memory_space<vmem_shared>>
      tpu.enqueue_indirect_dma source(%arg14 : memref<128x128xf32, #tpu.memory_space<vmem>>) target(%dma_start3A_149 : memref<10240x128xf32, #tpu.memory_space<vmem_shared>>) offsets(%arg12 : memref<128xi32, #tpu.memory_space<vmem>>) semaphore(%arg27 : memref<!tpu.dma_semaphore, #tpu.memory_space<semaphore_mem>>) {add = true}
      %add3A_150 = arith.constant 1 : i32
      %add3A_151 = arith.addi %add3A_137, %add3A_150 : i32
      %lt3A_152 = arith.constant 80 : i32
      %lt3A_153 = arith.cmpi slt, %add3A_151, %lt3A_152 : i32
      %convert_element_type3A_154 = arith.extui %lt3A_153 : i1 to i32
      %cond3A_155 = arith.constant 0 : i32
      %cond3A_156 = arith.cmpi ne, %convert_element_type3A_154, %cond3A_155 : i32
      scf.if %cond3A_156 {
        %gt3A = arith.constant 0 : i32
        %gt3A_194 = arith.cmpi sgt, %add3A_137, %gt3A : i32
        %convert_element_type3A_195 = arith.extui %gt3A_194 : i1 to i32
        %cond3A_196 = arith.constant 0 : i32
        %cond3A_197 = arith.cmpi ne, %convert_element_type3A_195, %cond3A_196 : i32
        scf.if %cond3A_197 {
          %dma_wait3A_207 = arith.constant 0 : i32
          %dma_wait3A_208 = arith.constant 0 : i32
          %dma_wait3A_209 = tpu.memref_slice %arg16[%dma_wait3A_207, %dma_wait3A_208] : memref<10240x128xf32, #tpu.memory_space<vmem_shared>> -> memref<10240x128xf32, #tpu.memory_space<vmem_shared>>
          tpu.wait_indirect_dma semaphore(%arg28 : memref<!tpu.dma_semaphore, #tpu.memory_space<semaphore_mem>>) src(%arg15 : memref<128x128xf32, #tpu.memory_space<vmem>>) dst(%dma_wait3A_209 : memref<10240x128xf32, #tpu.memory_space<vmem_shared>>)
        } else {
        }
        %add3A_198 = arith.constant 0 : i32
        %add3A_199 = arith.addi %add3A, %add3A_198 : i32
        %mul3A_200 = arith.constant 128 : i32
        %mul3A_201 = arith.muli %add3A_199, %mul3A_200 : i32
        %dma_wait3A_202 = tpu.memref_slice %arg3[%mul3A_201] : memref<327680xi32, #tpu.memory_space<hbm>> -> memref<128xi32, #tpu.memory_space<hbm>>
        %dma_wait3A_203 = tpu.memref_slice %arg3[%mul3A_201] : memref<327680xi32, #tpu.memory_space<hbm>> -> memref<128xi32, #tpu.memory_space<hbm>>
        tpu.wait_dma2 semaphore(%arg20 : memref<!tpu.dma_semaphore, #tpu.memory_space<semaphore_mem>>) src(%dma_wait3A_203 : memref<128xi32, #tpu.memory_space<hbm>>) dst(%arg9 : memref<128xi32, #tpu.memory_space<vmem>>)
        %dma_start3A_204 = arith.constant 0 : i32
        %dma_start3A_205 = arith.constant 0 : i32
        %dma_start3A_206 = tpu.memref_slice %arg2[%dma_start3A_204, %dma_start3A_205] : memref<10240x128xf32, #tpu.memory_space<hbm>> -> memref<10240x128xf32, #tpu.memory_space<hbm>>
        tpu.enqueue_indirect_dma source(%dma_start3A_206 : memref<10240x128xf32, #tpu.memory_space<hbm>>) target(%arg15 : memref<128x128xf32, #tpu.memory_space<vmem>>) offsets(%arg9 : memref<128xi32, #tpu.memory_space<vmem>>) semaphore(%arg26 : memref<!tpu.dma_semaphore, #tpu.memory_space<semaphore_mem>>)
      } else {
      }
      %add3A_157 = arith.constant 3 : i32
      %add3A_158 = arith.addi %add3A_137, %add3A_157 : i32
      %lt3A_159 = arith.constant 80 : i32
      %lt3A_160 = arith.cmpi slt, %add3A_158, %lt3A_159 : i32
      %convert_element_type3A_161 = arith.extui %lt3A_160 : i1 to i32
      %cond3A_162 = arith.constant 0 : i32
      %cond3A_163 = arith.cmpi ne, %convert_element_type3A_161, %cond3A_162 : i32
      scf.if %cond3A_163 {
        %add3A_194 = arith.constant 3 : i32
        %add3A_195 = arith.addi %add3A_137, %add3A_194 : i32
        %mul3A_196 = arith.constant 32 : i32
        %mul3A_197 = arith.muli %add3A_195, %mul3A_196 : i32
        %add3A_198 = arith.addi %add3A, %mul3A_197 : i32
        %mul3A_199 = arith.constant 128 : i32
        %mul3A_200 = arith.muli %add3A_198, %mul3A_199 : i32
        %dma_start3A_201 = tpu.memref_slice %arg3[%mul3A_200] : memref<327680xi32, #tpu.memory_space<hbm>> -> memref<128xi32, #tpu.memory_space<hbm>>
        %dma_start3A_202 = tpu.memref_slice %arg3[%mul3A_200] : memref<327680xi32, #tpu.memory_space<hbm>> -> memref<128xi32, #tpu.memory_space<hbm>>
        tpu.enqueue_dma source(%dma_start3A_202 : memref<128xi32, #tpu.memory_space<hbm>>) target(%arg7 : memref<128xi32, #tpu.memory_space<vmem>>) target_semaphore(%arg18 : memref<!tpu.dma_semaphore, #tpu.memory_space<semaphore_mem>>)
        %add3A_203 = arith.constant 3 : i32
        %add3A_204 = arith.addi %add3A_137, %add3A_203 : i32
        %mul3A_205 = arith.constant 32 : i32
        %mul3A_206 = arith.muli %add3A_204, %mul3A_205 : i32
        %add3A_207 = arith.addi %add3A, %mul3A_206 : i32
        %mul3A_208 = arith.constant 128 : i32
        %mul3A_209 = arith.muli %add3A_207, %mul3A_208 : i32
        %dma_start3A_210 = tpu.memref_slice %arg4[%mul3A_209] : memref<327680xi32, #tpu.memory_space<hbm>> -> memref<128xi32, #tpu.memory_space<hbm>>
        %dma_start3A_211 = tpu.memref_slice %arg4[%mul3A_209] : memref<327680xi32, #tpu.memory_space<hbm>> -> memref<128xi32, #tpu.memory_space<hbm>>
        tpu.enqueue_dma source(%dma_start3A_211 : memref<128xi32, #tpu.memory_space<hbm>>) target(%arg11 : memref<128xi32, #tpu.memory_space<vmem>>) target_semaphore(%arg22 : memref<!tpu.dma_semaphore, #tpu.memory_space<semaphore_mem>>)
      } else {
      }
      %mul3A_164 = arith.constant 4 : i32
      %mul3A_165 = arith.muli %mul3A_164, %add3A_76 : i32
      %add3A_166 = arith.constant 3 : i32
      %add3A_167 = arith.addi %mul3A_165, %add3A_166 : i32
      %dma_wait3A_168 = arith.constant 0 : i32
      %dma_wait3A_169 = arith.constant 0 : i32
      %dma_wait3A_170 = tpu.memref_slice %arg2[%dma_wait3A_168, %dma_wait3A_169] : memref<10240x128xf32, #tpu.memory_space<hbm>> -> memref<10240x128xf32, #tpu.memory_space<hbm>>
      tpu.wait_indirect_dma semaphore(%arg26 : memref<!tpu.dma_semaphore, #tpu.memory_space<semaphore_mem>>) src(%dma_wait3A_170 : memref<10240x128xf32, #tpu.memory_space<hbm>>) dst(%arg15 : memref<128x128xf32, #tpu.memory_space<vmem>>)
      %add3A_171 = arith.constant 0 : i32
      %add3A_172 = arith.addi %add3A, %add3A_171 : i32
      %mul3A_173 = arith.constant 128 : i32
      %mul3A_174 = arith.muli %add3A_172, %mul3A_173 : i32
      %dma_wait3A_175 = tpu.memref_slice %arg4[%mul3A_174] : memref<327680xi32, #tpu.memory_space<hbm>> -> memref<128xi32, #tpu.memory_space<hbm>>
      %dma_wait3A_176 = tpu.memref_slice %arg4[%mul3A_174] : memref<327680xi32, #tpu.memory_space<hbm>> -> memref<128xi32, #tpu.memory_space<hbm>>
      tpu.wait_dma2 semaphore(%arg24 : memref<!tpu.dma_semaphore, #tpu.memory_space<semaphore_mem>>) src(%dma_wait3A_176 : memref<128xi32, #tpu.memory_space<hbm>>) dst(%arg13 : memref<128xi32, #tpu.memory_space<vmem>>)
      %dma_start3A_177 = arith.constant 0 : i32
      %dma_start3A_178 = arith.constant 0 : i32
      %dma_start3A_179 = tpu.memref_slice %arg16[%dma_start3A_177, %dma_start3A_178] : memref<10240x128xf32, #tpu.memory_space<vmem_shared>> -> memref<10240x128xf32, #tpu.memory_space<vmem_shared>>
      tpu.enqueue_indirect_dma source(%arg15 : memref<128x128xf32, #tpu.memory_space<vmem>>) target(%dma_start3A_179 : memref<10240x128xf32, #tpu.memory_space<vmem_shared>>) offsets(%arg13 : memref<128xi32, #tpu.memory_space<vmem>>) semaphore(%arg28 : memref<!tpu.dma_semaphore, #tpu.memory_space<semaphore_mem>>) {add = true}
      %add3A_180 = arith.constant 1 : i32
      %add3A_181 = arith.addi %add3A_167, %add3A_180 : i32
      %lt3A_182 = arith.constant 80 : i32
      %lt3A_183 = arith.cmpi slt, %add3A_181, %lt3A_182 : i32
      %convert_element_type3A_184 = arith.extui %lt3A_183 : i1 to i32
      %cond3A_185 = arith.constant 0 : i32
      %cond3A_186 = arith.cmpi ne, %convert_element_type3A_184, %cond3A_185 : i32
      scf.if %cond3A_186 {
        %gt3A = arith.constant 0 : i32
        %gt3A_194 = arith.cmpi sgt, %add3A_167, %gt3A : i32
        %convert_element_type3A_195 = arith.extui %gt3A_194 : i1 to i32
        %cond3A_196 = arith.constant 0 : i32
        %cond3A_197 = arith.cmpi ne, %convert_element_type3A_195, %cond3A_196 : i32
        scf.if %cond3A_197 {
          %dma_wait3A_207 = arith.constant 0 : i32
          %dma_wait3A_208 = arith.constant 0 : i32
          %dma_wait3A_209 = tpu.memref_slice %arg16[%dma_wait3A_207, %dma_wait3A_208] : memref<10240x128xf32, #tpu.memory_space<vmem_shared>> -> memref<10240x128xf32, #tpu.memory_space<vmem_shared>>
          tpu.wait_indirect_dma semaphore(%arg27 : memref<!tpu.dma_semaphore, #tpu.memory_space<semaphore_mem>>) src(%arg14 : memref<128x128xf32, #tpu.memory_space<vmem>>) dst(%dma_wait3A_209 : memref<10240x128xf32, #tpu.memory_space<vmem_shared>>)
        } else {
        }
        %add3A_198 = arith.constant 0 : i32
        %add3A_199 = arith.addi %add3A, %add3A_198 : i32
        %mul3A_200 = arith.constant 128 : i32
        %mul3A_201 = arith.muli %add3A_199, %mul3A_200 : i32
        %dma_wait3A_202 = tpu.memref_slice %arg3[%mul3A_201] : memref<327680xi32, #tpu.memory_space<hbm>> -> memref<128xi32, #tpu.memory_space<hbm>>
        %dma_wait3A_203 = tpu.memref_slice %arg3[%mul3A_201] : memref<327680xi32, #tpu.memory_space<hbm>> -> memref<128xi32, #tpu.memory_space<hbm>>
        tpu.wait_dma2 semaphore(%arg17 : memref<!tpu.dma_semaphore, #tpu.memory_space<semaphore_mem>>) src(%dma_wait3A_203 : memref<128xi32, #tpu.memory_space<hbm>>) dst(%arg6 : memref<128xi32, #tpu.memory_space<vmem>>)
        %dma_start3A_204 = arith.constant 0 : i32
        %dma_start3A_205 = arith.constant 0 : i32
        %dma_start3A_206 = tpu.memref_slice %arg2[%dma_start3A_204, %dma_start3A_205] : memref<10240x128xf32, #tpu.memory_space<hbm>> -> memref<10240x128xf32, #tpu.memory_space<hbm>>
        tpu.enqueue_indirect_dma source(%dma_start3A_206 : memref<10240x128xf32, #tpu.memory_space<hbm>>) target(%arg14 : memref<128x128xf32, #tpu.memory_space<vmem>>) offsets(%arg6 : memref<128xi32, #tpu.memory_space<vmem>>) semaphore(%arg25 : memref<!tpu.dma_semaphore, #tpu.memory_space<semaphore_mem>>)
      } else {
      }
      %add3A_187 = arith.constant 3 : i32
      %add3A_188 = arith.addi %add3A_167, %add3A_187 : i32
      %lt3A_189 = arith.constant 80 : i32
      %lt3A_190 = arith.cmpi slt, %add3A_188, %lt3A_189 : i32
      %convert_element_type3A_191 = arith.extui %lt3A_190 : i1 to i32
      %cond3A_192 = arith.constant 0 : i32
      %cond3A_193 = arith.cmpi ne, %convert_element_type3A_191, %cond3A_192 : i32
      scf.if %cond3A_193 {
        %add3A_194 = arith.constant 3 : i32
        %add3A_195 = arith.addi %add3A_167, %add3A_194 : i32
        %mul3A_196 = arith.constant 32 : i32
        %mul3A_197 = arith.muli %add3A_195, %mul3A_196 : i32
        %add3A_198 = arith.addi %add3A, %mul3A_197 : i32
        %mul3A_199 = arith.constant 128 : i32
        %mul3A_200 = arith.muli %add3A_198, %mul3A_199 : i32
        %dma_start3A_201 = tpu.memref_slice %arg3[%mul3A_200] : memref<327680xi32, #tpu.memory_space<hbm>> -> memref<128xi32, #tpu.memory_space<hbm>>
        %dma_start3A_202 = tpu.memref_slice %arg3[%mul3A_200] : memref<327680xi32, #tpu.memory_space<hbm>> -> memref<128xi32, #tpu.memory_space<hbm>>
        tpu.enqueue_dma source(%dma_start3A_202 : memref<128xi32, #tpu.memory_space<hbm>>) target(%arg8 : memref<128xi32, #tpu.memory_space<vmem>>) target_semaphore(%arg19 : memref<!tpu.dma_semaphore, #tpu.memory_space<semaphore_mem>>)
        %add3A_203 = arith.constant 3 : i32
        %add3A_204 = arith.addi %add3A_167, %add3A_203 : i32
        %mul3A_205 = arith.constant 32 : i32
        %mul3A_206 = arith.muli %add3A_204, %mul3A_205 : i32
        %add3A_207 = arith.addi %add3A, %mul3A_206 : i32
        %mul3A_208 = arith.constant 128 : i32
        %mul3A_209 = arith.muli %add3A_207, %mul3A_208 : i32
        %dma_start3A_210 = tpu.memref_slice %arg4[%mul3A_209] : memref<327680xi32, #tpu.memory_space<hbm>> -> memref<128xi32, #tpu.memory_space<hbm>>
        %dma_start3A_211 = tpu.memref_slice %arg4[%mul3A_209] : memref<327680xi32, #tpu.memory_space<hbm>> -> memref<128xi32, #tpu.memory_space<hbm>>
        tpu.enqueue_dma source(%dma_start3A_211 : memref<128xi32, #tpu.memory_space<hbm>>) target(%arg12 : memref<128xi32, #tpu.memory_space<vmem>>) target_semaphore(%arg23 : memref<!tpu.dma_semaphore, #tpu.memory_space<semaphore_mem>>)
      } else {
      }
    }
    %scan3A_57 = arith.constant 20 : i32
    %dma_wait3A_58 = arith.constant 0 : i32
    %dma_wait3A_59 = arith.constant 0 : i32
    %dma_wait3A_60 = tpu.memref_slice %arg16[%dma_wait3A_58, %dma_wait3A_59] : memref<10240x128xf32, #tpu.memory_space<vmem_shared>> -> memref<10240x128xf32, #tpu.memory_space<vmem_shared>>
    tpu.wait_indirect_dma semaphore(%arg27 : memref<!tpu.dma_semaphore, #tpu.memory_space<semaphore_mem>>) src(%arg14 : memref<128x128xf32, #tpu.memory_space<vmem>>) dst(%dma_wait3A_60 : memref<10240x128xf32, #tpu.memory_space<vmem_shared>>)
    %dma_wait3A_61 = arith.constant 0 : i32
    %dma_wait3A_62 = arith.constant 0 : i32
    %dma_wait3A_63 = tpu.memref_slice %arg16[%dma_wait3A_61, %dma_wait3A_62] : memref<10240x128xf32, #tpu.memory_space<vmem_shared>> -> memref<10240x128xf32, #tpu.memory_space<vmem_shared>>
    tpu.wait_indirect_dma semaphore(%arg28 : memref<!tpu.dma_semaphore, #tpu.memory_space<semaphore_mem>>) src(%arg15 : memref<128x128xf32, #tpu.memory_space<vmem>>) dst(%dma_wait3A_63 : memref<10240x128xf32, #tpu.memory_space<vmem_shared>>)
    %barrier3A_64 = arith.constant 0 : index
    tpu.barrier barrier_id(%barrier3A_64)
    %mul3A_65 = arith.constant 640 : i32
    %mul3A_66 = arith.muli %arg1, %mul3A_65 : i32
    %mul3A_67 = arith.constant 10240 : i32
    %mul3A_68 = arith.muli %arg0, %mul3A_67 : i32
    %mul3A_69 = arith.constant 640 : i32
    %mul3A_70 = arith.muli %arg1, %mul3A_69 : i32
    %add3A_71 = arith.addi %mul3A_68, %mul3A_70 : i32
    "tpu.region"() ({
      %run_scoped3A = tpu.sem_alloc : memref<!tpu.dma_semaphore, #tpu.memory_space<semaphore_mem>>
      %dma_start3A_72 = arith.constant 0 : i32
      %dma_start3A_73 = tpu.memref_slice %arg5[%add3A_71, %dma_start3A_72] : memref<20480x128xf32, #tpu.memory_space<hbm>> -> memref<640x128xf32, #tpu.memory_space<hbm>>
      %dma_start3A_74 = arith.constant 0 : i32
      %dma_start3A_75 = tpu.memref_slice %arg16[%mul3A_66, %dma_start3A_74] : memref<10240x128xf32, #tpu.memory_space<vmem_shared>> -> memref<640x128xf32, #tpu.memory_space<vmem_shared>>
      tpu.enqueue_dma source(%dma_start3A_75 : memref<640x128xf32, #tpu.memory_space<vmem_shared>>) target(%dma_start3A_73 : memref<640x128xf32, #tpu.memory_space<hbm>>) target_semaphore(%run_scoped3A : memref<!tpu.dma_semaphore, #tpu.memory_space<semaphore_mem>>)
      %dma_wait3A_76 = arith.constant 0 : i32
      %dma_wait3A_77 = tpu.memref_slice %arg5[%add3A_71, %dma_wait3A_76] : memref<20480x128xf32, #tpu.memory_space<hbm>> -> memref<640x128xf32, #tpu.memory_space<hbm>>
      %dma_wait3A_78 = arith.constant 0 : i32
      %dma_wait3A_79 = tpu.memref_slice %arg16[%mul3A_66, %dma_wait3A_78] : memref<10240x128xf32, #tpu.memory_space<vmem_shared>> -> memref<640x128xf32, #tpu.memory_space<vmem_shared>>
      tpu.wait_dma2 semaphore(%run_scoped3A : memref<!tpu.dma_semaphore, #tpu.memory_space<semaphore_mem>>) src(%dma_wait3A_79 : memref<640x128xf32, #tpu.memory_space<vmem_shared>>) dst(%dma_wait3A_77 : memref<640x128xf32, #tpu.memory_space<hbm>>)
      tpu.yield
    }) : () -> ()
    return
  }
}

#map = affine_map<(d0, d1) -> (0, 0)>
#map1 = affine_map<(d0, d1) -> (0)>
module attributes {stable_mosaic.version = 14 : i64} {
  func.func @segsum(%arg0: i32, %arg1: i32, %arg2: memref<10240x128xf32, #tpu.memory_space<hbm>>, %arg3: memref<327680xi32, #tpu.memory_space<hbm>>, %arg4: memref<327680xi32, #tpu.memory_space<hbm>>, %arg5: memref<20480x128xf32, #tpu.memory_space<hbm>>, %arg6: memref<128xi32, #tpu.memory_space<vmem>>, %arg7: memref<128xi32, #tpu.memory_space<vmem>>, %arg8: memref<128xi32, #tpu.memory_space<vmem>>, %arg9: memref<128xi32, #tpu.memory_space<vmem>>, %arg10: memref<128xi32, #tpu.memory_space<vmem>>, %arg11: memref<128xi32, #tpu.memory_space<vmem>>, %arg12: memref<128xi32, #tpu.memory_space<vmem>>, %arg13: memref<128xi32, #tpu.memory_space<vmem>>, %arg14: memref<128x128xf32, #tpu.memory_space<vmem>>, %arg15: memref<128x128xf32, #tpu.memory_space<vmem>>, %arg16: memref<10240x128xf32, #tpu.memory_space<vmem_shared>>, %arg17: memref<!tpu.dma_semaphore, #tpu.memory_space<semaphore_mem>>, %arg18: memref<!tpu.dma_semaphore, #tpu.memory_space<semaphore_mem>>, %arg19: memref<!tpu.dma_semaphore, #tpu.memory_space<semaphore_mem>>, %arg20: memref<!tpu.dma_semaphore, #tpu.memory_space<semaphore_mem>>, %arg21: memref<!tpu.dma_semaphore, #tpu.memory_space<semaphore_mem>>, %arg22: memref<!tpu.dma_semaphore, #tpu.memory_space<semaphore_mem>>, %arg23: memref<!tpu.dma_semaphore, #tpu.memory_space<semaphore_mem>>, %arg24: memref<!tpu.dma_semaphore, #tpu.memory_space<semaphore_mem>>, %arg25: memref<!tpu.dma_semaphore, #tpu.memory_space<semaphore_mem>>, %arg26: memref<!tpu.dma_semaphore, #tpu.memory_space<semaphore_mem>>, %arg27: memref<!tpu.dma_semaphore, #tpu.memory_space<semaphore_mem>>, %arg28: memref<!tpu.dma_semaphore, #tpu.memory_space<semaphore_mem>>) attributes {dimension_semantics = [#tpu.dimension_semantics<core_parallel>, #tpu.dimension_semantics<subcore_parallel>], iteration_bounds = array<i64: 2, 16>, scalar_prefetch = 0 : i64, scratch_operands = 23 : i64, tpu.core_type = #tpu.core_type<sc_vector_subcore>, window_params = [{transform_indices = #map}, {transform_indices = #map1}, {transform_indices = #map1}, {transform_indices = #map}]} {
    %mul3A = arith.constant 2 : i32
    %mul3A_0 = arith.muli %arg1, %mul3A : i32
    %add3A = arith.addi %mul3A_0, %arg0 : i32
    %add3A_1 = arith.constant 0 : i32
    %add3A_2 = arith.addi %add3A, %add3A_1 : i32
    %mul3A_3 = arith.constant 128 : i32
    %mul3A_4 = arith.muli %add3A_2, %mul3A_3 : i32
    %dma_start3A = tpu.memref_slice %arg3[%mul3A_4] : memref<327680xi32, #tpu.memory_space<hbm>> -> memref<128xi32, #tpu.memory_space<hbm>>
    %dma_start3A_5 = tpu.memref_slice %arg3[%mul3A_4] : memref<327680xi32, #tpu.memory_space<hbm>> -> memref<128xi32, #tpu.memory_space<hbm>>
    tpu.enqueue_dma source(%dma_start3A_5 : memref<128xi32, #tpu.memory_space<hbm>>) target(%arg6 : memref<128xi32, #tpu.memory_space<vmem>>) target_semaphore(%arg17 : memref<!tpu.dma_semaphore, #tpu.memory_space<semaphore_mem>>)
    %add3A_6 = arith.constant 0 : i32
    %add3A_7 = arith.addi %add3A, %add3A_6 : i32
    %mul3A_8 = arith.constant 128 : i32
    %mul3A_9 = arith.muli %add3A_7, %mul3A_8 : i32
    %dma_start3A_10 = tpu.memref_slice %arg4[%mul3A_9] : memref<327680xi32, #tpu.memory_space<hbm>> -> memref<128xi32, #tpu.memory_space<hbm>>
    %dma_start3A_11 = tpu.memref_slice %arg4[%mul3A_9] : memref<327680xi32, #tpu.memory_space<hbm>> -> memref<128xi32, #tpu.memory_space<hbm>>
    tpu.enqueue_dma source(%dma_start3A_11 : memref<128xi32, #tpu.memory_space<hbm>>) target(%arg10 : memref<128xi32, #tpu.memory_space<vmem>>) target_semaphore(%arg21 : memref<!tpu.dma_semaphore, #tpu.memory_space<semaphore_mem>>)
    %add3A_12 = arith.constant 32 : i32
    %add3A_13 = arith.addi %add3A, %add3A_12 : i32
    %mul3A_14 = arith.constant 128 : i32
    %mul3A_15 = arith.muli %add3A_13, %mul3A_14 : i32
    %dma_start3A_16 = tpu.memref_slice %arg3[%mul3A_15] : memref<327680xi32, #tpu.memory_space<hbm>> -> memref<128xi32, #tpu.memory_space<hbm>>
    %dma_start3A_17 = tpu.memref_slice %arg3[%mul3A_15] : memref<327680xi32, #tpu.memory_space<hbm>> -> memref<128xi32, #tpu.memory_space<hbm>>
    tpu.enqueue_dma source(%dma_start3A_17 : memref<128xi32, #tpu.memory_space<hbm>>) target(%arg7 : memref<128xi32, #tpu.memory_space<vmem>>) target_semaphore(%arg18 : memref<!tpu.dma_semaphore, #tpu.memory_space<semaphore_mem>>)
    %add3A_18 = arith.constant 32 : i32
    %add3A_19 = arith.addi %add3A, %add3A_18 : i32
    %mul3A_20 = arith.constant 128 : i32
    %mul3A_21 = arith.muli %add3A_19, %mul3A_20 : i32
    %dma_start3A_22 = tpu.memref_slice %arg4[%mul3A_21] : memref<327680xi32, #tpu.memory_space<hbm>> -> memref<128xi32, #tpu.memory_space<hbm>>
    %dma_start3A_23 = tpu.memref_slice %arg4[%mul3A_21] : memref<327680xi32, #tpu.memory_space<hbm>> -> memref<128xi32, #tpu.memory_space<hbm>>
    tpu.enqueue_dma source(%dma_start3A_23 : memref<128xi32, #tpu.memory_space<hbm>>) target(%arg11 : memref<128xi32, #tpu.memory_space<vmem>>) target_semaphore(%arg22 : memref<!tpu.dma_semaphore, #tpu.memory_space<semaphore_mem>>)
    %add3A_24 = arith.constant 64 : i32
    %add3A_25 = arith.addi %add3A, %add3A_24 : i32
    %mul3A_26 = arith.constant 128 : i32
    %mul3A_27 = arith.muli %add3A_25, %mul3A_26 : i32
    %dma_start3A_28 = tpu.memref_slice %arg3[%mul3A_27] : memref<327680xi32, #tpu.memory_space<hbm>> -> memref<128xi32, #tpu.memory_space<hbm>>
    %dma_start3A_29 = tpu.memref_slice %arg3[%mul3A_27] : memref<327680xi32, #tpu.memory_space<hbm>> -> memref<128xi32, #tpu.memory_space<hbm>>
    tpu.enqueue_dma source(%dma_start3A_29 : memref<128xi32, #tpu.memory_space<hbm>>) target(%arg8 : memref<128xi32, #tpu.memory_space<vmem>>) target_semaphore(%arg19 : memref<!tpu.dma_semaphore, #tpu.memory_space<semaphore_mem>>)
    %add3A_30 = arith.constant 64 : i32
    %add3A_31 = arith.addi %add3A, %add3A_30 : i32
    %mul3A_32 = arith.constant 128 : i32
    %mul3A_33 = arith.muli %add3A_31, %mul3A_32 : i32
    %dma_start3A_34 = tpu.memref_slice %arg4[%mul3A_33] : memref<327680xi32, #tpu.memory_space<hbm>> -> memref<128xi32, #tpu.memory_space<hbm>>
    %dma_start3A_35 = tpu.memref_slice %arg4[%mul3A_33] : memref<327680xi32, #tpu.memory_space<hbm>> -> memref<128xi32, #tpu.memory_space<hbm>>
    tpu.enqueue_dma source(%dma_start3A_35 : memref<128xi32, #tpu.memory_space<hbm>>) target(%arg12 : memref<128xi32, #tpu.memory_space<vmem>>) target_semaphore(%arg23 : memref<!tpu.dma_semaphore, #tpu.memory_space<semaphore_mem>>)
    %scan3A = arith.constant 0 : i32
    %scan3A_36 = arith.constant 128 : i32
    %scan3A_37 = arith.addi %scan3A, %scan3A_36 : i32
    %scan3A_38 = arith.constant 1 : i32
    scf.for %scan3A_72 = %scan3A to %scan3A_37 step %scan3A_38  : i32 {
      %mul3A_73 = arith.constant 1 : i32
      %mul3A_74 = arith.muli %scan3A_72, %mul3A_73 : i32
      %add3A_75 = arith.constant 0 : i32
      %add3A_76 = arith.addi %add3A_75, %mul3A_74 : i32
      %scan3A_77 = arith.constant 0 : i32
      %scan3A_78 = arith.constant 8 : i32
      %scan3A_79 = arith.addi %scan3A_77, %scan3A_78 : i32
      %scan3A_80 = arith.constant 1 : i32
      scf.for %scan3A_82 = %scan3A_77 to %scan3A_79 step %scan3A_80  : i32 {
        %mul3A_83 = arith.constant 16 : i32
        %mul3A_84 = arith.muli %scan3A_82, %mul3A_83 : i32
        %add3A_85 = arith.constant 0 : i32
        %add3A_86 = arith.addi %add3A_85, %mul3A_84 : i32
        %broadcast_in_dim3A = arith.constant 0.000000e+00 : f32
        %broadcast_in_dim3A_87 = vector.broadcast %broadcast_in_dim3A : f32 to vector<16xf32>
        %swap3A = arith.index_cast %add3A_76 : i32 to index
        %swap3A_88 = arith.index_cast %add3A_86 : i32 to index
        %swap3A_89 = tpu.vector_load %arg14[%swap3A, %swap3A_88] {strides = array<i32>} : memref<128x128xf32, #tpu.memory_space<vmem>>, vector<16xf32>,
        tpu.vector_store %arg14[%swap3A, %swap3A_88], %broadcast_in_dim3A_87 {strides = array<i32>} : memref<128x128xf32, #tpu.memory_space<vmem>>, vector<16xf32>,
      }
      %scan3A_81 = arith.constant 8 : i32
    }
    %scan3A_39 = arith.constant 128 : i32
    %scan3A_40 = arith.constant 0 : i32
    %scan3A_41 = arith.constant 5 : i32
    %scan3A_42 = arith.addi %scan3A_40, %scan3A_41 : i32
    %scan3A_43 = arith.constant 1 : i32
    scf.for %scan3A_72 = %scan3A_40 to %scan3A_42 step %scan3A_43  : i32 {
      %mul3A_73 = arith.constant 1 : i32
      %mul3A_74 = arith.muli %scan3A_72, %mul3A_73 : i32
      %add3A_75 = arith.constant 0 : i32
      %add3A_76 = arith.addi %add3A_75, %mul3A_74 : i32
      %mul3A_77 = arith.constant 640 : i32
      %mul3A_78 = arith.muli %arg1, %mul3A_77 : i32
      %mul3A_79 = arith.constant 128 : i32
      %mul3A_80 = arith.muli %add3A_76, %mul3A_79 : i32
      %add3A_81 = arith.addi %mul3A_78, %mul3A_80 : i32
      "tpu.region"() ({
        %run_scoped3A = tpu.sem_alloc : memref<!tpu.dma_semaphore, #tpu.memory_space<semaphore_mem>>
        %dma_start3A_82 = arith.constant 0 : i32
        %dma_start3A_83 = tpu.memref_slice %arg16[%add3A_81, %dma_start3A_82] : memref<10240x128xf32, #tpu.memory_space<vmem_shared>> -> memref<128x128xf32, #tpu.memory_space<vmem_shared>>
        %dma_start3A_84 = arith.constant 0 : i32
        %dma_start3A_85 = tpu.memref_slice %arg16[%add3A_81, %dma_start3A_84] : memref<10240x128xf32, #tpu.memory_space<vmem_shared>> -> memref<128x128xf32, #tpu.memory_space<vmem_shared>>
        tpu.enqueue_dma source(%arg14 : memref<128x128xf32, #tpu.memory_space<vmem>>) target(%dma_start3A_85 : memref<128x128xf32, #tpu.memory_space<vmem_shared>>) target_semaphore(%run_scoped3A : memref<!tpu.dma_semaphore, #tpu.memory_space<semaphore_mem>>)
        %dma_wait3A_86 = arith.constant 0 : i32
        %dma_wait3A_87 = tpu.memref_slice %arg16[%add3A_81, %dma_wait3A_86] : memref<10240x128xf32, #tpu.memory_space<vmem_shared>> -> memref<128x128xf32, #tpu.memory_space<vmem_shared>>
        %dma_wait3A_88 = arith.constant 0 : i32
        %dma_wait3A_89 = tpu.memref_slice %arg16[%add3A_81, %dma_wait3A_88] : memref<10240x128xf32, #tpu.memory_space<vmem_shared>> -> memref<128x128xf32, #tpu.memory_space<vmem_shared>>
        tpu.wait_dma2 semaphore(%run_scoped3A : memref<!tpu.dma_semaphore, #tpu.memory_space<semaphore_mem>>) src(%arg14 : memref<128x128xf32, #tpu.memory_space<vmem>>) dst(%dma_wait3A_89 : memref<128x128xf32, #tpu.memory_space<vmem_shared>>)
        tpu.yield
      }) : () -> ()
    }
    %scan3A_44 = arith.constant 5 : i32
    %barrier3A = arith.constant 0 : index
    tpu.barrier barrier_id(%barrier3A)
    %add3A_45 = arith.constant 0 : i32
    %add3A_46 = arith.addi %add3A, %add3A_45 : i32
    %mul3A_47 = arith.constant 128 : i32
    %mul3A_48 = arith.muli %add3A_46, %mul3A_47 : i32
    %dma_wait3A = tpu.memref_slice %arg3[%mul3A_48] : memref<327680xi32, #tpu.memory_space<hbm>> -> memref<128xi32, #tpu.memory_space<hbm>>
    %dma_wait3A_49 = tpu.memref_slice %arg3[%mul3A_48] : memref<327680xi32, #tpu.memory_space<hbm>> -> memref<128xi32, #tpu.memory_space<hbm>>
    tpu.wait_dma2 semaphore(%arg17 : memref<!tpu.dma_semaphore, #tpu.memory_space<semaphore_mem>>) src(%dma_wait3A_49 : memref<128xi32, #tpu.memory_space<hbm>>) dst(%arg6 : memref<128xi32, #tpu.memory_space<vmem>>)
    %dma_start3A_50 = arith.constant 0 : i32
    %dma_start3A_51 = arith.constant 0 : i32
    %dma_start3A_52 = tpu.memref_slice %arg2[%dma_start3A_50, %dma_start3A_51] : memref<10240x128xf32, #tpu.memory_space<hbm>> -> memref<10240x128xf32, #tpu.memory_space<hbm>>
    tpu.enqueue_indirect_dma source(%dma_start3A_52 : memref<10240x128xf32, #tpu.memory_space<hbm>>) target(%arg14 : memref<128x128xf32, #tpu.memory_space<vmem>>) offsets(%arg6 : memref<128xi32, #tpu.memory_space<vmem>>) semaphore(%arg25 : memref<!tpu.dma_semaphore, #tpu.memory_space<semaphore_mem>>)
    %scan3A_53 = arith.constant 0 : i32
    %scan3A_54 = arith.constant 20 : i32
    %scan3A_55 = arith.addi %scan3A_53, %scan3A_54 : i32
    %scan3A_56 = arith.constant 1 : i32
    scf.for %scan3A_72 = %scan3A_53 to %scan3A_55 step %scan3A_56  : i32 {
      %mul3A_73 = arith.constant 1 : i32
      %mul3A_74 = arith.muli %scan3A_72, %mul3A_73 : i32
      %add3A_75 = arith.constant 0 : i32
      %add3A_76 = arith.addi %add3A_75, %mul3A_74 : i32
      %mul3A_77 = arith.constant 4 : i32
      %mul3A_78 = arith.muli %mul3A_77, %add3A_76 : i32
      %add3A_79 = arith.constant 0 : i32
      %add3A_80 = arith.addi %mul3A_78, %add3A_79 : i32
      %dma_wait3A_81 = arith.constant 0 : i32
      %dma_wait3A_82 = arith.constant 0 : i32
      %dma_wait3A_83 = tpu.memref_slice %arg2[%dma_wait3A_81, %dma_wait3A_82] : memref<10240x128xf32, #tpu.memory_space<hbm>> -> memref<10240x128xf32, #tpu.memory_space<hbm>>
      tpu.wait_indirect_dma semaphore(%arg25 : memref<!tpu.dma_semaphore, #tpu.memory_space<semaphore_mem>>) src(%dma_wait3A_83 : memref<10240x128xf32, #tpu.memory_space<hbm>>) dst(%arg14 : memref<128x128xf32, #tpu.memory_space<vmem>>)
      %add3A_84 = arith.constant 0 : i32
      %add3A_85 = arith.addi %add3A, %add3A_84 : i32
      %mul3A_86 = arith.constant 128 : i32
      %mul3A_87 = arith.muli %add3A_85, %mul3A_86 : i32
      %dma_wait3A_88 = tpu.memref_slice %arg4[%mul3A_87] : memref<327680xi32, #tpu.memory_space<hbm>> -> memref<128xi32, #tpu.memory_space<hbm>>
      %dma_wait3A_89 = tpu.memref_slice %arg4[%mul3A_87] : memref<327680xi32, #tpu.memory_space<hbm>> -> memref<128xi32, #tpu.memory_space<hbm>>
      tpu.wait_dma2 semaphore(%arg21 : memref<!tpu.dma_semaphore, #tpu.memory_space<semaphore_mem>>) src(%dma_wait3A_89 : memref<128xi32, #tpu.memory_space<hbm>>) dst(%arg10 : memref<128xi32, #tpu.memory_space<vmem>>)
      %dma_start3A_90 = arith.constant 0 : i32
      %dma_start3A_91 = arith.constant 0 : i32
      %dma_start3A_92 = tpu.memref_slice %arg16[%dma_start3A_90, %dma_start3A_91] : memref<10240x128xf32, #tpu.memory_space<vmem_shared>> -> memref<10240x128xf32, #tpu.memory_space<vmem_shared>>
      tpu.enqueue_indirect_dma source(%arg14 : memref<128x128xf32, #tpu.memory_space<vmem>>) target(%dma_start3A_92 : memref<10240x128xf32, #tpu.memory_space<vmem_shared>>) offsets(%arg10 : memref<128xi32, #tpu.memory_space<vmem>>) semaphore(%arg27 : memref<!tpu.dma_semaphore, #tpu.memory_space<semaphore_mem>>) {add = true}
      %add3A_93 = arith.constant 1 : i32
      %add3A_94 = arith.addi %add3A_80, %add3A_93 : i32
      %lt3A = arith.constant 80 : i32
      %lt3A_95 = arith.cmpi slt, %add3A_94, %lt3A : i32
      %convert_element_type3A = arith.extui %lt3A_95 : i1 to i32
      %cond3A = arith.constant 0 : i32
      %cond3A_96 = arith.cmpi ne, %convert_element_type3A, %cond3A : i32
      scf.if %cond3A_96 {
        %gt3A = arith.constant 0 : i32
        %gt3A_194 = arith.cmpi sgt, %add3A_80, %gt3A : i32
        %convert_element_type3A_195 = arith.extui %gt3A_194 : i1 to i32
        %cond3A_196 = arith.constant 0 : i32
        %cond3A_197 = arith.cmpi ne, %convert_element_type3A_195, %cond3A_196 : i32
        scf.if %cond3A_197 {
          %dma_wait3A_207 = arith.constant 0 : i32
          %dma_wait3A_208 = arith.constant 0 : i32
          %dma_wait3A_209 = tpu.memref_slice %arg16[%dma_wait3A_207, %dma_wait3A_208] : memref<10240x128xf32, #tpu.memory_space<vmem_shared>> -> memref<10240x128xf32, #tpu.memory_space<vmem_shared>>
          tpu.wait_indirect_dma semaphore(%arg28 : memref<!tpu.dma_semaphore, #tpu.memory_space<semaphore_mem>>) src(%arg15 : memref<128x128xf32, #tpu.memory_space<vmem>>) dst(%dma_wait3A_209 : memref<10240x128xf32, #tpu.memory_space<vmem_shared>>)
        } else {
        }
        %add3A_198 = arith.constant 0 : i32
        %add3A_199 = arith.addi %add3A, %add3A_198 : i32
        %mul3A_200 = arith.constant 128 : i32
        %mul3A_201 = arith.muli %add3A_199, %mul3A_200 : i32
        %dma_wait3A_202 = tpu.memref_slice %arg3[%mul3A_201] : memref<327680xi32, #tpu.memory_space<hbm>> -> memref<128xi32, #tpu.memory_space<hbm>>
        %dma_wait3A_203 = tpu.memref_slice %arg3[%mul3A_201] : memref<327680xi32, #tpu.memory_space<hbm>> -> memref<128xi32, #tpu.memory_space<hbm>>
        tpu.wait_dma2 semaphore(%arg18 : memref<!tpu.dma_semaphore, #tpu.memory_space<semaphore_mem>>) src(%dma_wait3A_203 : memref<128xi32, #tpu.memory_space<hbm>>) dst(%arg7 : memref<128xi32, #tpu.memory_space<vmem>>)
        %dma_start3A_204 = arith.constant 0 : i32
        %dma_start3A_205 = arith.constant 0 : i32
        %dma_start3A_206 = tpu.memref_slice %arg2[%dma_start3A_204, %dma_start3A_205] : memref<10240x128xf32, #tpu.memory_space<hbm>> -> memref<10240x128xf32, #tpu.memory_space<hbm>>
        tpu.enqueue_indirect_dma source(%dma_start3A_206 : memref<10240x128xf32, #tpu.memory_space<hbm>>) target(%arg15 : memref<128x128xf32, #tpu.memory_space<vmem>>) offsets(%arg7 : memref<128xi32, #tpu.memory_space<vmem>>) semaphore(%arg26 : memref<!tpu.dma_semaphore, #tpu.memory_space<semaphore_mem>>)
      } else {
      }
      %add3A_97 = arith.constant 3 : i32
      %add3A_98 = arith.addi %add3A_80, %add3A_97 : i32
      %lt3A_99 = arith.constant 80 : i32
      %lt3A_100 = arith.cmpi slt, %add3A_98, %lt3A_99 : i32
      %convert_element_type3A_101 = arith.extui %lt3A_100 : i1 to i32
      %cond3A_102 = arith.constant 0 : i32
      %cond3A_103 = arith.cmpi ne, %convert_element_type3A_101, %cond3A_102 : i32
      scf.if %cond3A_103 {
        %add3A_194 = arith.constant 3 : i32
        %add3A_195 = arith.addi %add3A_80, %add3A_194 : i32
        %mul3A_196 = arith.constant 32 : i32
        %mul3A_197 = arith.muli %add3A_195, %mul3A_196 : i32
        %add3A_198 = arith.addi %add3A, %mul3A_197 : i32
        %mul3A_199 = arith.constant 128 : i32
        %mul3A_200 = arith.muli %add3A_198, %mul3A_199 : i32
        %dma_start3A_201 = tpu.memref_slice %arg3[%mul3A_200] : memref<327680xi32, #tpu.memory_space<hbm>> -> memref<128xi32, #tpu.memory_space<hbm>>
        %dma_start3A_202 = tpu.memref_slice %arg3[%mul3A_200] : memref<327680xi32, #tpu.memory_space<hbm>> -> memref<128xi32, #tpu.memory_space<hbm>>
        tpu.enqueue_dma source(%dma_start3A_202 : memref<128xi32, #tpu.memory_space<hbm>>) target(%arg9 : memref<128xi32, #tpu.memory_space<vmem>>) target_semaphore(%arg20 : memref<!tpu.dma_semaphore, #tpu.memory_space<semaphore_mem>>)
        %add3A_203 = arith.constant 3 : i32
        %add3A_204 = arith.addi %add3A_80, %add3A_203 : i32
        %mul3A_205 = arith.constant 32 : i32
        %mul3A_206 = arith.muli %add3A_204, %mul3A_205 : i32
        %add3A_207 = arith.addi %add3A, %mul3A_206 : i32
        %mul3A_208 = arith.constant 128 : i32
        %mul3A_209 = arith.muli %add3A_207, %mul3A_208 : i32
        %dma_start3A_210 = tpu.memref_slice %arg4[%mul3A_209] : memref<327680xi32, #tpu.memory_space<hbm>> -> memref<128xi32, #tpu.memory_space<hbm>>
        %dma_start3A_211 = tpu.memref_slice %arg4[%mul3A_209] : memref<327680xi32, #tpu.memory_space<hbm>> -> memref<128xi32, #tpu.memory_space<hbm>>
        tpu.enqueue_dma source(%dma_start3A_211 : memref<128xi32, #tpu.memory_space<hbm>>) target(%arg13 : memref<128xi32, #tpu.memory_space<vmem>>) target_semaphore(%arg24 : memref<!tpu.dma_semaphore, #tpu.memory_space<semaphore_mem>>)
      } else {
      }
      %mul3A_104 = arith.constant 4 : i32
      %mul3A_105 = arith.muli %mul3A_104, %add3A_76 : i32
      %add3A_106 = arith.constant 1 : i32
      %add3A_107 = arith.addi %mul3A_105, %add3A_106 : i32
      %dma_wait3A_108 = arith.constant 0 : i32
      %dma_wait3A_109 = arith.constant 0 : i32
      %dma_wait3A_110 = tpu.memref_slice %arg2[%dma_wait3A_108, %dma_wait3A_109] : memref<10240x128xf32, #tpu.memory_space<hbm>> -> memref<10240x128xf32, #tpu.memory_space<hbm>>
      tpu.wait_indirect_dma semaphore(%arg26 : memref<!tpu.dma_semaphore, #tpu.memory_space<semaphore_mem>>) src(%dma_wait3A_110 : memref<10240x128xf32, #tpu.memory_space<hbm>>) dst(%arg15 : memref<128x128xf32, #tpu.memory_space<vmem>>)
      %add3A_111 = arith.constant 0 : i32
      %add3A_112 = arith.addi %add3A, %add3A_111 : i32
      %mul3A_113 = arith.constant 128 : i32
      %mul3A_114 = arith.muli %add3A_112, %mul3A_113 : i32
      %dma_wait3A_115 = tpu.memref_slice %arg4[%mul3A_114] : memref<327680xi32, #tpu.memory_space<hbm>> -> memref<128xi32, #tpu.memory_space<hbm>>
      %dma_wait3A_116 = tpu.memref_slice %arg4[%mul3A_114] : memref<327680xi32, #tpu.memory_space<hbm>> -> memref<128xi32, #tpu.memory_space<hbm>>
      tpu.wait_dma2 semaphore(%arg22 : memref<!tpu.dma_semaphore, #tpu.memory_space<semaphore_mem>>) src(%dma_wait3A_116 : memref<128xi32, #tpu.memory_space<hbm>>) dst(%arg11 : memref<128xi32, #tpu.memory_space<vmem>>)
      %dma_start3A_117 = arith.constant 0 : i32
      %dma_start3A_118 = arith.constant 0 : i32
      %dma_start3A_119 = tpu.memref_slice %arg16[%dma_start3A_117, %dma_start3A_118] : memref<10240x128xf32, #tpu.memory_space<vmem_shared>> -> memref<10240x128xf32, #tpu.memory_space<vmem_shared>>
      tpu.enqueue_indirect_dma source(%arg15 : memref<128x128xf32, #tpu.memory_space<vmem>>) target(%dma_start3A_119 : memref<10240x128xf32, #tpu.memory_space<vmem_shared>>) offsets(%arg11 : memref<128xi32, #tpu.memory_space<vmem>>) semaphore(%arg28 : memref<!tpu.dma_semaphore, #tpu.memory_space<semaphore_mem>>) {add = true}
      %add3A_120 = arith.constant 1 : i32
      %add3A_121 = arith.addi %add3A_107, %add3A_120 : i32
      %lt3A_122 = arith.constant 80 : i32
      %lt3A_123 = arith.cmpi slt, %add3A_121, %lt3A_122 : i32
      %convert_element_type3A_124 = arith.extui %lt3A_123 : i1 to i32
      %cond3A_125 = arith.constant 0 : i32
      %cond3A_126 = arith.cmpi ne, %convert_element_type3A_124, %cond3A_125 : i32
      scf.if %cond3A_126 {
        %gt3A = arith.constant 0 : i32
        %gt3A_194 = arith.cmpi sgt, %add3A_107, %gt3A : i32
        %convert_element_type3A_195 = arith.extui %gt3A_194 : i1 to i32
        %cond3A_196 = arith.constant 0 : i32
        %cond3A_197 = arith.cmpi ne, %convert_element_type3A_195, %cond3A_196 : i32
        scf.if %cond3A_197 {
          %dma_wait3A_207 = arith.constant 0 : i32
          %dma_wait3A_208 = arith.constant 0 : i32
          %dma_wait3A_209 = tpu.memref_slice %arg16[%dma_wait3A_207, %dma_wait3A_208] : memref<10240x128xf32, #tpu.memory_space<vmem_shared>> -> memref<10240x128xf32, #tpu.memory_space<vmem_shared>>
          tpu.wait_indirect_dma semaphore(%arg27 : memref<!tpu.dma_semaphore, #tpu.memory_space<semaphore_mem>>) src(%arg14 : memref<128x128xf32, #tpu.memory_space<vmem>>) dst(%dma_wait3A_209 : memref<10240x128xf32, #tpu.memory_space<vmem_shared>>)
        } else {
        }
        %add3A_198 = arith.constant 0 : i32
        %add3A_199 = arith.addi %add3A, %add3A_198 : i32
        %mul3A_200 = arith.constant 128 : i32
        %mul3A_201 = arith.muli %add3A_199, %mul3A_200 : i32
        %dma_wait3A_202 = tpu.memref_slice %arg3[%mul3A_201] : memref<327680xi32, #tpu.memory_space<hbm>> -> memref<128xi32, #tpu.memory_space<hbm>>
        %dma_wait3A_203 = tpu.memref_slice %arg3[%mul3A_201] : memref<327680xi32, #tpu.memory_space<hbm>> -> memref<128xi32, #tpu.memory_space<hbm>>
        tpu.wait_dma2 semaphore(%arg19 : memref<!tpu.dma_semaphore, #tpu.memory_space<semaphore_mem>>) src(%dma_wait3A_203 : memref<128xi32, #tpu.memory_space<hbm>>) dst(%arg8 : memref<128xi32, #tpu.memory_space<vmem>>)
        %dma_start3A_204 = arith.constant 0 : i32
        %dma_start3A_205 = arith.constant 0 : i32
        %dma_start3A_206 = tpu.memref_slice %arg2[%dma_start3A_204, %dma_start3A_205] : memref<10240x128xf32, #tpu.memory_space<hbm>> -> memref<10240x128xf32, #tpu.memory_space<hbm>>
        tpu.enqueue_indirect_dma source(%dma_start3A_206 : memref<10240x128xf32, #tpu.memory_space<hbm>>) target(%arg14 : memref<128x128xf32, #tpu.memory_space<vmem>>) offsets(%arg8 : memref<128xi32, #tpu.memory_space<vmem>>) semaphore(%arg25 : memref<!tpu.dma_semaphore, #tpu.memory_space<semaphore_mem>>)
      } else {
      }
      %add3A_127 = arith.constant 3 : i32
      %add3A_128 = arith.addi %add3A_107, %add3A_127 : i32
      %lt3A_129 = arith.constant 80 : i32
      %lt3A_130 = arith.cmpi slt, %add3A_128, %lt3A_129 : i32
      %convert_element_type3A_131 = arith.extui %lt3A_130 : i1 to i32
      %cond3A_132 = arith.constant 0 : i32
      %cond3A_133 = arith.cmpi ne, %convert_element_type3A_131, %cond3A_132 : i32
      scf.if %cond3A_133 {
        %add3A_194 = arith.constant 3 : i32
        %add3A_195 = arith.addi %add3A_107, %add3A_194 : i32
        %mul3A_196 = arith.constant 32 : i32
        %mul3A_197 = arith.muli %add3A_195, %mul3A_196 : i32
        %add3A_198 = arith.addi %add3A, %mul3A_197 : i32
        %mul3A_199 = arith.constant 128 : i32
        %mul3A_200 = arith.muli %add3A_198, %mul3A_199 : i32
        %dma_start3A_201 = tpu.memref_slice %arg3[%mul3A_200] : memref<327680xi32, #tpu.memory_space<hbm>> -> memref<128xi32, #tpu.memory_space<hbm>>
        %dma_start3A_202 = tpu.memref_slice %arg3[%mul3A_200] : memref<327680xi32, #tpu.memory_space<hbm>> -> memref<128xi32, #tpu.memory_space<hbm>>
        tpu.enqueue_dma source(%dma_start3A_202 : memref<128xi32, #tpu.memory_space<hbm>>) target(%arg6 : memref<128xi32, #tpu.memory_space<vmem>>) target_semaphore(%arg17 : memref<!tpu.dma_semaphore, #tpu.memory_space<semaphore_mem>>)
        %add3A_203 = arith.constant 3 : i32
        %add3A_204 = arith.addi %add3A_107, %add3A_203 : i32
        %mul3A_205 = arith.constant 32 : i32
        %mul3A_206 = arith.muli %add3A_204, %mul3A_205 : i32
        %add3A_207 = arith.addi %add3A, %mul3A_206 : i32
        %mul3A_208 = arith.constant 128 : i32
        %mul3A_209 = arith.muli %add3A_207, %mul3A_208 : i32
        %dma_start3A_210 = tpu.memref_slice %arg4[%mul3A_209] : memref<327680xi32, #tpu.memory_space<hbm>> -> memref<128xi32, #tpu.memory_space<hbm>>
        %dma_start3A_211 = tpu.memref_slice %arg4[%mul3A_209] : memref<327680xi32, #tpu.memory_space<hbm>> -> memref<128xi32, #tpu.memory_space<hbm>>
        tpu.enqueue_dma source(%dma_start3A_211 : memref<128xi32, #tpu.memory_space<hbm>>) target(%arg10 : memref<128xi32, #tpu.memory_space<vmem>>) target_semaphore(%arg21 : memref<!tpu.dma_semaphore, #tpu.memory_space<semaphore_mem>>)
      } else {
      }
      %mul3A_134 = arith.constant 4 : i32
      %mul3A_135 = arith.muli %mul3A_134, %add3A_76 : i32
      %add3A_136 = arith.constant 2 : i32
      %add3A_137 = arith.addi %mul3A_135, %add3A_136 : i32
      %dma_wait3A_138 = arith.constant 0 : i32
      %dma_wait3A_139 = arith.constant 0 : i32
      %dma_wait3A_140 = tpu.memref_slice %arg2[%dma_wait3A_138, %dma_wait3A_139] : memref<10240x128xf32, #tpu.memory_space<hbm>> -> memref<10240x128xf32, #tpu.memory_space<hbm>>
      tpu.wait_indirect_dma semaphore(%arg25 : memref<!tpu.dma_semaphore, #tpu.memory_space<semaphore_mem>>) src(%dma_wait3A_140 : memref<10240x128xf32, #tpu.memory_space<hbm>>) dst(%arg14 : memref<128x128xf32, #tpu.memory_space<vmem>>)
      %add3A_141 = arith.constant 0 : i32
      %add3A_142 = arith.addi %add3A, %add3A_141 : i32
      %mul3A_143 = arith.constant 128 : i32
      %mul3A_144 = arith.muli %add3A_142, %mul3A_143 : i32
      %dma_wait3A_145 = tpu.memref_slice %arg4[%mul3A_144] : memref<327680xi32, #tpu.memory_space<hbm>> -> memref<128xi32, #tpu.memory_space<hbm>>
      %dma_wait3A_146 = tpu.memref_slice %arg4[%mul3A_144] : memref<327680xi32, #tpu.memory_space<hbm>> -> memref<128xi32, #tpu.memory_space<hbm>>
      tpu.wait_dma2 semaphore(%arg23 : memref<!tpu.dma_semaphore, #tpu.memory_space<semaphore_mem>>) src(%dma_wait3A_146 : memref<128xi32, #tpu.memory_space<hbm>>) dst(%arg12 : memref<128xi32, #tpu.memory_space<vmem>>)
      %dma_start3A_147 = arith.constant 0 : i32
      %dma_start3A_148 = arith.constant 0 : i32
      %dma_start3A_149 = tpu.memref_slice %arg16[%dma_start3A_147, %dma_start3A_148] : memref<10240x128xf32, #tpu.memory_space<vmem_shared>> -> memref<10240x128xf32, #tpu.memory_space<vmem_shared>>
      tpu.enqueue_indirect_dma source(%arg14 : memref<128x128xf32, #tpu.memory_space<vmem>>) target(%dma_start3A_149 : memref<10240x128xf32, #tpu.memory_space<vmem_shared>>) offsets(%arg12 : memref<128xi32, #tpu.memory_space<vmem>>) semaphore(%arg27 : memref<!tpu.dma_semaphore, #tpu.memory_space<semaphore_mem>>) {add = true}
      %add3A_150 = arith.constant 1 : i32
      %add3A_151 = arith.addi %add3A_137, %add3A_150 : i32
      %lt3A_152 = arith.constant 80 : i32
      %lt3A_153 = arith.cmpi slt, %add3A_151, %lt3A_152 : i32
      %convert_element_type3A_154 = arith.extui %lt3A_153 : i1 to i32
      %cond3A_155 = arith.constant 0 : i32
      %cond3A_156 = arith.cmpi ne, %convert_element_type3A_154, %cond3A_155 : i32
      scf.if %cond3A_156 {
        %gt3A = arith.constant 0 : i32
        %gt3A_194 = arith.cmpi sgt, %add3A_137, %gt3A : i32
        %convert_element_type3A_195 = arith.extui %gt3A_194 : i1 to i32
        %cond3A_196 = arith.constant 0 : i32
        %cond3A_197 = arith.cmpi ne, %convert_element_type3A_195, %cond3A_196 : i32
        scf.if %cond3A_197 {
          %dma_wait3A_207 = arith.constant 0 : i32
          %dma_wait3A_208 = arith.constant 0 : i32
          %dma_wait3A_209 = tpu.memref_slice %arg16[%dma_wait3A_207, %dma_wait3A_208] : memref<10240x128xf32, #tpu.memory_space<vmem_shared>> -> memref<10240x128xf32, #tpu.memory_space<vmem_shared>>
          tpu.wait_indirect_dma semaphore(%arg28 : memref<!tpu.dma_semaphore, #tpu.memory_space<semaphore_mem>>) src(%arg15 : memref<128x128xf32, #tpu.memory_space<vmem>>) dst(%dma_wait3A_209 : memref<10240x128xf32, #tpu.memory_space<vmem_shared>>)
        } else {
        }
        %add3A_198 = arith.constant 0 : i32
        %add3A_199 = arith.addi %add3A, %add3A_198 : i32
        %mul3A_200 = arith.constant 128 : i32
        %mul3A_201 = arith.muli %add3A_199, %mul3A_200 : i32
        %dma_wait3A_202 = tpu.memref_slice %arg3[%mul3A_201] : memref<327680xi32, #tpu.memory_space<hbm>> -> memref<128xi32, #tpu.memory_space<hbm>>
        %dma_wait3A_203 = tpu.memref_slice %arg3[%mul3A_201] : memref<327680xi32, #tpu.memory_space<hbm>> -> memref<128xi32, #tpu.memory_space<hbm>>
        tpu.wait_dma2 semaphore(%arg20 : memref<!tpu.dma_semaphore, #tpu.memory_space<semaphore_mem>>) src(%dma_wait3A_203 : memref<128xi32, #tpu.memory_space<hbm>>) dst(%arg9 : memref<128xi32, #tpu.memory_space<vmem>>)
        %dma_start3A_204 = arith.constant 0 : i32
        %dma_start3A_205 = arith.constant 0 : i32
        %dma_start3A_206 = tpu.memref_slice %arg2[%dma_start3A_204, %dma_start3A_205] : memref<10240x128xf32, #tpu.memory_space<hbm>> -> memref<10240x128xf32, #tpu.memory_space<hbm>>
        tpu.enqueue_indirect_dma source(%dma_start3A_206 : memref<10240x128xf32, #tpu.memory_space<hbm>>) target(%arg15 : memref<128x128xf32, #tpu.memory_space<vmem>>) offsets(%arg9 : memref<128xi32, #tpu.memory_space<vmem>>) semaphore(%arg26 : memref<!tpu.dma_semaphore, #tpu.memory_space<semaphore_mem>>)
      } else {
      }
      %add3A_157 = arith.constant 3 : i32
      %add3A_158 = arith.addi %add3A_137, %add3A_157 : i32
      %lt3A_159 = arith.constant 80 : i32
      %lt3A_160 = arith.cmpi slt, %add3A_158, %lt3A_159 : i32
      %convert_element_type3A_161 = arith.extui %lt3A_160 : i1 to i32
      %cond3A_162 = arith.constant 0 : i32
      %cond3A_163 = arith.cmpi ne, %convert_element_type3A_161, %cond3A_162 : i32
      scf.if %cond3A_163 {
        %add3A_194 = arith.constant 3 : i32
        %add3A_195 = arith.addi %add3A_137, %add3A_194 : i32
        %mul3A_196 = arith.constant 32 : i32
        %mul3A_197 = arith.muli %add3A_195, %mul3A_196 : i32
        %add3A_198 = arith.addi %add3A, %mul3A_197 : i32
        %mul3A_199 = arith.constant 128 : i32
        %mul3A_200 = arith.muli %add3A_198, %mul3A_199 : i32
        %dma_start3A_201 = tpu.memref_slice %arg3[%mul3A_200] : memref<327680xi32, #tpu.memory_space<hbm>> -> memref<128xi32, #tpu.memory_space<hbm>>
        %dma_start3A_202 = tpu.memref_slice %arg3[%mul3A_200] : memref<327680xi32, #tpu.memory_space<hbm>> -> memref<128xi32, #tpu.memory_space<hbm>>
        tpu.enqueue_dma source(%dma_start3A_202 : memref<128xi32, #tpu.memory_space<hbm>>) target(%arg7 : memref<128xi32, #tpu.memory_space<vmem>>) target_semaphore(%arg18 : memref<!tpu.dma_semaphore, #tpu.memory_space<semaphore_mem>>)
        %add3A_203 = arith.constant 3 : i32
        %add3A_204 = arith.addi %add3A_137, %add3A_203 : i32
        %mul3A_205 = arith.constant 32 : i32
        %mul3A_206 = arith.muli %add3A_204, %mul3A_205 : i32
        %add3A_207 = arith.addi %add3A, %mul3A_206 : i32
        %mul3A_208 = arith.constant 128 : i32
        %mul3A_209 = arith.muli %add3A_207, %mul3A_208 : i32
        %dma_start3A_210 = tpu.memref_slice %arg4[%mul3A_209] : memref<327680xi32, #tpu.memory_space<hbm>> -> memref<128xi32, #tpu.memory_space<hbm>>
        %dma_start3A_211 = tpu.memref_slice %arg4[%mul3A_209] : memref<327680xi32, #tpu.memory_space<hbm>> -> memref<128xi32, #tpu.memory_space<hbm>>
        tpu.enqueue_dma source(%dma_start3A_211 : memref<128xi32, #tpu.memory_space<hbm>>) target(%arg11 : memref<128xi32, #tpu.memory_space<vmem>>) target_semaphore(%arg22 : memref<!tpu.dma_semaphore, #tpu.memory_space<semaphore_mem>>)
      } else {
      }
      %mul3A_164 = arith.constant 4 : i32
      %mul3A_165 = arith.muli %mul3A_164, %add3A_76 : i32
      %add3A_166 = arith.constant 3 : i32
      %add3A_167 = arith.addi %mul3A_165, %add3A_166 : i32
      %dma_wait3A_168 = arith.constant 0 : i32
      %dma_wait3A_169 = arith.constant 0 : i32
      %dma_wait3A_170 = tpu.memref_slice %arg2[%dma_wait3A_168, %dma_wait3A_169] : memref<10240x128xf32, #tpu.memory_space<hbm>> -> memref<10240x128xf32, #tpu.memory_space<hbm>>
      tpu.wait_indirect_dma semaphore(%arg26 : memref<!tpu.dma_semaphore, #tpu.memory_space<semaphore_mem>>) src(%dma_wait3A_170 : memref<10240x128xf32, #tpu.memory_space<hbm>>) dst(%arg15 : memref<128x128xf32, #tpu.memory_space<vmem>>)
      %add3A_171 = arith.constant 0 : i32
      %add3A_172 = arith.addi %add3A, %add3A_171 : i32
      %mul3A_173 = arith.constant 128 : i32
      %mul3A_174 = arith.muli %add3A_172, %mul3A_173 : i32
      %dma_wait3A_175 = tpu.memref_slice %arg4[%mul3A_174] : memref<327680xi32, #tpu.memory_space<hbm>> -> memref<128xi32, #tpu.memory_space<hbm>>
      %dma_wait3A_176 = tpu.memref_slice %arg4[%mul3A_174] : memref<327680xi32, #tpu.memory_space<hbm>> -> memref<128xi32, #tpu.memory_space<hbm>>
      tpu.wait_dma2 semaphore(%arg24 : memref<!tpu.dma_semaphore, #tpu.memory_space<semaphore_mem>>) src(%dma_wait3A_176 : memref<128xi32, #tpu.memory_space<hbm>>) dst(%arg13 : memref<128xi32, #tpu.memory_space<vmem>>)
      %dma_start3A_177 = arith.constant 0 : i32
      %dma_start3A_178 = arith.constant 0 : i32
      %dma_start3A_179 = tpu.memref_slice %arg16[%dma_start3A_177, %dma_start3A_178] : memref<10240x128xf32, #tpu.memory_space<vmem_shared>> -> memref<10240x128xf32, #tpu.memory_space<vmem_shared>>
      tpu.enqueue_indirect_dma source(%arg15 : memref<128x128xf32, #tpu.memory_space<vmem>>) target(%dma_start3A_179 : memref<10240x128xf32, #tpu.memory_space<vmem_shared>>) offsets(%arg13 : memref<128xi32, #tpu.memory_space<vmem>>) semaphore(%arg28 : memref<!tpu.dma_semaphore, #tpu.memory_space<semaphore_mem>>) {add = true}
      %add3A_180 = arith.constant 1 : i32
      %add3A_181 = arith.addi %add3A_167, %add3A_180 : i32
      %lt3A_182 = arith.constant 80 : i32
      %lt3A_183 = arith.cmpi slt, %add3A_181, %lt3A_182 : i32
      %convert_element_type3A_184 = arith.extui %lt3A_183 : i1 to i32
      %cond3A_185 = arith.constant 0 : i32
      %cond3A_186 = arith.cmpi ne, %convert_element_type3A_184, %cond3A_185 : i32
      scf.if %cond3A_186 {
        %gt3A = arith.constant 0 : i32
        %gt3A_194 = arith.cmpi sgt, %add3A_167, %gt3A : i32
        %convert_element_type3A_195 = arith.extui %gt3A_194 : i1 to i32
        %cond3A_196 = arith.constant 0 : i32
        %cond3A_197 = arith.cmpi ne, %convert_element_type3A_195, %cond3A_196 : i32
        scf.if %cond3A_197 {
          %dma_wait3A_207 = arith.constant 0 : i32
          %dma_wait3A_208 = arith.constant 0 : i32
          %dma_wait3A_209 = tpu.memref_slice %arg16[%dma_wait3A_207, %dma_wait3A_208] : memref<10240x128xf32, #tpu.memory_space<vmem_shared>> -> memref<10240x128xf32, #tpu.memory_space<vmem_shared>>
          tpu.wait_indirect_dma semaphore(%arg27 : memref<!tpu.dma_semaphore, #tpu.memory_space<semaphore_mem>>) src(%arg14 : memref<128x128xf32, #tpu.memory_space<vmem>>) dst(%dma_wait3A_209 : memref<10240x128xf32, #tpu.memory_space<vmem_shared>>)
        } else {
        }
        %add3A_198 = arith.constant 0 : i32
        %add3A_199 = arith.addi %add3A, %add3A_198 : i32
        %mul3A_200 = arith.constant 128 : i32
        %mul3A_201 = arith.muli %add3A_199, %mul3A_200 : i32
        %dma_wait3A_202 = tpu.memref_slice %arg3[%mul3A_201] : memref<327680xi32, #tpu.memory_space<hbm>> -> memref<128xi32, #tpu.memory_space<hbm>>
        %dma_wait3A_203 = tpu.memref_slice %arg3[%mul3A_201] : memref<327680xi32, #tpu.memory_space<hbm>> -> memref<128xi32, #tpu.memory_space<hbm>>
        tpu.wait_dma2 semaphore(%arg17 : memref<!tpu.dma_semaphore, #tpu.memory_space<semaphore_mem>>) src(%dma_wait3A_203 : memref<128xi32, #tpu.memory_space<hbm>>) dst(%arg6 : memref<128xi32, #tpu.memory_space<vmem>>)
        %dma_start3A_204 = arith.constant 0 : i32
        %dma_start3A_205 = arith.constant 0 : i32
        %dma_start3A_206 = tpu.memref_slice %arg2[%dma_start3A_204, %dma_start3A_205] : memref<10240x128xf32, #tpu.memory_space<hbm>> -> memref<10240x128xf32, #tpu.memory_space<hbm>>
        tpu.enqueue_indirect_dma source(%dma_start3A_206 : memref<10240x128xf32, #tpu.memory_space<hbm>>) target(%arg14 : memref<128x128xf32, #tpu.memory_space<vmem>>) offsets(%arg6 : memref<128xi32, #tpu.memory_space<vmem>>) semaphore(%arg25 : memref<!tpu.dma_semaphore, #tpu.memory_space<semaphore_mem>>)
      } else {
      }
      %add3A_187 = arith.constant 3 : i32
      %add3A_188 = arith.addi %add3A_167, %add3A_187 : i32
      %lt3A_189 = arith.constant 80 : i32
      %lt3A_190 = arith.cmpi slt, %add3A_188, %lt3A_189 : i32
      %convert_element_type3A_191 = arith.extui %lt3A_190 : i1 to i32
      %cond3A_192 = arith.constant 0 : i32
      %cond3A_193 = arith.cmpi ne, %convert_element_type3A_191, %cond3A_192 : i32
      scf.if %cond3A_193 {
        %add3A_194 = arith.constant 3 : i32
        %add3A_195 = arith.addi %add3A_167, %add3A_194 : i32
        %mul3A_196 = arith.constant 32 : i32
        %mul3A_197 = arith.muli %add3A_195, %mul3A_196 : i32
        %add3A_198 = arith.addi %add3A, %mul3A_197 : i32
        %mul3A_199 = arith.constant 128 : i32
        %mul3A_200 = arith.muli %add3A_198, %mul3A_199 : i32
        %dma_start3A_201 = tpu.memref_slice %arg3[%mul3A_200] : memref<327680xi32, #tpu.memory_space<hbm>> -> memref<128xi32, #tpu.memory_space<hbm>>
        %dma_start3A_202 = tpu.memref_slice %arg3[%mul3A_200] : memref<327680xi32, #tpu.memory_space<hbm>> -> memref<128xi32, #tpu.memory_space<hbm>>
        tpu.enqueue_dma source(%dma_start3A_202 : memref<128xi32, #tpu.memory_space<hbm>>) target(%arg8 : memref<128xi32, #tpu.memory_space<vmem>>) target_semaphore(%arg19 : memref<!tpu.dma_semaphore, #tpu.memory_space<semaphore_mem>>)
        %add3A_203 = arith.constant 3 : i32
        %add3A_204 = arith.addi %add3A_167, %add3A_203 : i32
        %mul3A_205 = arith.constant 32 : i32
        %mul3A_206 = arith.muli %add3A_204, %mul3A_205 : i32
        %add3A_207 = arith.addi %add3A, %mul3A_206 : i32
        %mul3A_208 = arith.constant 128 : i32
        %mul3A_209 = arith.muli %add3A_207, %mul3A_208 : i32
        %dma_start3A_210 = tpu.memref_slice %arg4[%mul3A_209] : memref<327680xi32, #tpu.memory_space<hbm>> -> memref<128xi32, #tpu.memory_space<hbm>>
        %dma_start3A_211 = tpu.memref_slice %arg4[%mul3A_209] : memref<327680xi32, #tpu.memory_space<hbm>> -> memref<128xi32, #tpu.memory_space<hbm>>
        tpu.enqueue_dma source(%dma_start3A_211 : memref<128xi32, #tpu.memory_space<hbm>>) target(%arg12 : memref<128xi32, #tpu.memory_space<vmem>>) target_semaphore(%arg23 : memref<!tpu.dma_semaphore, #tpu.memory_space<semaphore_mem>>)
      } else {
      }
    }
    %scan3A_57 = arith.constant 20 : i32
    %dma_wait3A_58 = arith.constant 0 : i32
    %dma_wait3A_59 = arith.constant 0 : i32
    %dma_wait3A_60 = tpu.memref_slice %arg16[%dma_wait3A_58, %dma_wait3A_59] : memref<10240x128xf32, #tpu.memory_space<vmem_shared>> -> memref<10240x128xf32, #tpu.memory_space<vmem_shared>>
    tpu.wait_indirect_dma semaphore(%arg27 : memref<!tpu.dma_semaphore, #tpu.memory_space<semaphore_mem>>) src(%arg14 : memref<128x128xf32, #tpu.memory_space<vmem>>) dst(%dma_wait3A_60 : memref<10240x128xf32, #tpu.memory_space<vmem_shared>>)
    %dma_wait3A_61 = arith.constant 0 : i32
    %dma_wait3A_62 = arith.constant 0 : i32
    %dma_wait3A_63 = tpu.memref_slice %arg16[%dma_wait3A_61, %dma_wait3A_62] : memref<10240x128xf32, #tpu.memory_space<vmem_shared>> -> memref<10240x128xf32, #tpu.memory_space<vmem_shared>>
    tpu.wait_indirect_dma semaphore(%arg28 : memref<!tpu.dma_semaphore, #tpu.memory_space<semaphore_mem>>) src(%arg15 : memref<128x128xf32, #tpu.memory_space<vmem>>) dst(%dma_wait3A_63 : memref<10240x128xf32, #tpu.memory_space<vmem_shared>>)
    %barrier3A_64 = arith.constant 0 : index
    tpu.barrier barrier_id(%barrier3A_64)
    %mul3A_65 = arith.constant 640 : i32
    %mul3A_66 = arith.muli %arg1, %mul3A_65 : i32
    %mul3A_67 = arith.constant 10240 : i32
    %mul3A_68 = arith.muli %arg0, %mul3A_67 : i32
    %mul3A_69 = arith.constant 640 : i32
    %mul3A_70 = arith.muli %arg1, %mul3A_69 : i32
    %add3A_71 = arith.addi %mul3A_68, %mul3A_70 : i32
    "tpu.region"() ({
      %run_scoped3A = tpu.sem_alloc : memref<!tpu.dma_semaphore, #tpu.memory_space<semaphore_mem>>
      %dma_start3A_72 = arith.constant 0 : i32
      %dma_start3A_73 = tpu.memref_slice %arg5[%add3A_71, %dma_start3A_72] : memref<20480x128xf32, #tpu.memory_space<hbm>> -> memref<640x128xf32, #tpu.memory_space<hbm>>
      %dma_start3A_74 = arith.constant 0 : i32
      %dma_start3A_75 = tpu.memref_slice %arg16[%mul3A_66, %dma_start3A_74] : memref<10240x128xf32, #tpu.memory_space<vmem_shared>> -> memref<640x128xf32, #tpu.memory_space<vmem_shared>>
      tpu.enqueue_dma source(%dma_start3A_75 : memref<640x128xf32, #tpu.memory_space<vmem_shared>>) target(%dma_start3A_73 : memref<640x128xf32, #tpu.memory_space<hbm>>) target_semaphore(%run_scoped3A : memref<!tpu.dma_semaphore, #tpu.memory_space<semaphore_mem>>)
      %dma_wait3A_76 = arith.constant 0 : i32
      %dma_wait3A_77 = tpu.memref_slice %arg5[%add3A_71, %dma_wait3A_76] : memref<20480x128xf32, #tpu.memory_space<hbm>> -> memref<640x128xf32, #tpu.memory_space<hbm>>
      %dma_wait3A_78 = arith.constant 0 : i32
      %dma_wait3A_79 = tpu.memref_slice %arg16[%mul3A_66, %dma_wait3A_78] : memref<10240x128xf32, #tpu.memory_space<vmem_shared>> -> memref<640x128xf32, #tpu.memory_space<vmem_shared>>
      tpu.wait_dma2 semaphore(%run_scoped3A : memref<!tpu.dma_semaphore, #tpu.memory_space<semaphore_mem>>) src(%dma_wait3A_79 : memref<640x128xf32, #tpu.memory_space<vmem_shared>>) dst(%dma_wait3A_77 : memref<640x128xf32, #tpu.memory_space<hbm>>)
      tpu.yield
    }) : () -> ()
    return
  }
}

module attributes {stable_mosaic.version = 14 : i64} {
  func.func @body(%arg0: memref<10240x128xf32, #tpu.memory_space<vmem>>, %arg1: memref<128x128xf32, #tpu.memory_space<vmem>>, %arg2: memref<128xf32, #tpu.memory_space<vmem>>, %arg3: memref<10240x128xf32, #tpu.memory_space<vmem>>) attributes {dimension_semantics = [], scalar_prefetch = 0 : i64, scratch_operands = 0 : i64, tpu.core_type = #tpu.core_type<tc>} {
    %get3A = arith.constant 0 : index
    %get3A_0 = arith.constant 0 : index
    %get3A_1 = vector.load %arg0[%get3A, %get3A_0] : memref<10240x128xf32, #tpu.memory_space<vmem>>, vector<10240x128xf32>
    %get3A_2 = arith.constant 0 : index
    %get3A_3 = arith.constant 0 : index
    %get3A_4 = vector.load %arg1[%get3A_2, %get3A_3] : memref<128x128xf32, #tpu.memory_space<vmem>>, vector<128x128xf32>
    %dot_general3A = arith.constant dense<0.000000e+00> : vector<10240x128xf32>
    %dot_general3A_5 = tpu.matmul %get3A_1, %get3A_4, %dot_general3A {dimension_numbers = #tpu.dot_dimension_numbers<[1], [1], [0], [0], [0, 0, 1, 0], [], []>, transpose_lhs_hint = false} : vector<10240x128xf32>, vector<128x128xf32>, vector<10240x128xf32> -> vector<10240x128xf32>
    %get3A_6 = arith.constant 0 : index
    %get3A_7 = vector.load %arg2[%get3A_6] : memref<128xf32, #tpu.memory_space<vmem>>, vector<128xf32>
    %broadcast_in_dim3A = vector.shape_cast %get3A_7 : vector<128xf32> to vector<1x128xf32>
    %add3A = vector.broadcast %broadcast_in_dim3A : vector<1x128xf32> to vector<10240x128xf32>
    %add3A_8 = arith.addf %dot_general3A_5, %add3A : vector<10240x128xf32>
    %swap3A = arith.constant 0 : index
    %swap3A_9 = arith.constant 0 : index
    %swap3A_10 = vector.load %arg3[%swap3A, %swap3A_9] : memref<10240x128xf32, #tpu.memory_space<vmem>>, vector<10240x128xf32>
    tpu.vector_store %arg3[%swap3A, %swap3A_9], %add3A_8 {strides = array<i32>} : memref<10240x128xf32, #tpu.memory_space<vmem>>, vector<10240x128xf32>,
    return
  }
}

module attributes {stable_mosaic.version = 14 : i64} {
  func.func @body(%arg0: memref<10240x128xf32, #tpu.memory_space<vmem>>, %arg1: memref<10240x128xf32, #tpu.memory_space<vmem>>, %arg2: memref<10240x1xf32, #tpu.memory_space<vmem>>, %arg3: memref<10240x1xf32, #tpu.memory_space<vmem>>, %arg4: memref<10240x128xf32, #tpu.memory_space<vmem>>) attributes {dimension_semantics = [], scalar_prefetch = 0 : i64, scratch_operands = 0 : i64, tpu.core_type = #tpu.core_type<tc>} {
    %get3A = arith.constant 0 : index
    %get3A_0 = arith.constant 0 : index
    %get3A_1 = vector.load %arg0[%get3A, %get3A_0] : memref<10240x128xf32, #tpu.memory_space<vmem>>, vector<10240x128xf32>
    %get3A_2 = arith.constant 0 : index
    %get3A_3 = arith.constant 0 : index
    %get3A_4 = vector.load %arg1[%get3A_2, %get3A_3] : memref<10240x128xf32, #tpu.memory_space<vmem>>, vector<10240x128xf32>
    %add3A = arith.addf %get3A_1, %get3A_4 : vector<10240x128xf32>
    %get3A_5 = arith.constant 0 : index
    %get3A_6 = arith.constant 0 : index
    %get3A_7 = vector.load %arg2[%get3A_5, %get3A_6] : memref<10240x1xf32, #tpu.memory_space<vmem>>, vector<10240x1xf32>
    %gt3A = arith.constant 0.000000e+00 : f32
    %gt3A_8 = vector.broadcast %gt3A : f32 to vector<10240x1xf32>
    %gt3A_9 = arith.cmpf ogt, %get3A_7, %gt3A_8 : vector<10240x1xf32>
    %max3A = arith.constant 1.000000e+00 : f32
    %max3A_10 = vector.broadcast %max3A : f32 to vector<10240x1xf32>
    %max3A_11 = arith.maximumf %get3A_7, %max3A_10 : vector<10240x1xf32>
    %div3A = vector.broadcast %max3A_11 : vector<10240x1xf32> to vector<10240x128xf32>
    %div3A_12 = arith.divf %add3A, %div3A : vector<10240x128xf32>
    %jit3A = arith.constant 0.000000e+00 : f32
    %broadcast_in_dim3A = vector.shape_cast %gt3A_9 : vector<10240x1xi1> to vector<10240x1xi1>
    %broadcast_in_dim3A_13 = vector.broadcast %broadcast_in_dim3A : vector<10240x1xi1> to vector<10240x128xi1>
    %broadcast_in_dim3A_14 = vector.broadcast %jit3A : f32 to vector<10240x128xf32>
    %select_n3A = arith.select %broadcast_in_dim3A_13, %div3A_12, %broadcast_in_dim3A_14 : vector<10240x128xi1>, vector<10240x128xf32>
    %get3A_15 = arith.constant 0 : index
    %get3A_16 = arith.constant 0 : index
    %get3A_17 = vector.load %arg3[%get3A_15, %get3A_16] : memref<10240x1xf32, #tpu.memory_space<vmem>>, vector<10240x1xf32>
    %add3A_18 = arith.constant 1.000000e+00 : f32
    %add3A_19 = vector.broadcast %add3A_18 : f32 to vector<10240x1xf32>
    %add3A_20 = arith.addf %get3A_7, %add3A_19 : vector<10240x1xf32>
    %div3A_21 = arith.divf %get3A_17, %add3A_20 : vector<10240x1xf32>
    %gt3A_22 = arith.constant 0.000000e+00 : f32
    %gt3A_23 = vector.broadcast %gt3A_22 : f32 to vector<10240x1xf32>
    %gt3A_24 = arith.cmpf ogt, %get3A_7, %gt3A_23 : vector<10240x1xf32>
    %max3A_25 = arith.constant 1.000000e-30 : f32
    %max3A_26 = vector.broadcast %max3A_25 : f32 to vector<10240x1xf32>
    %max3A_27 = arith.maximumf %div3A_21, %max3A_26 : vector<10240x1xf32>
    %rsqrt3A = math.rsqrt %max3A_27 : vector<10240x1xf32>
    %jit3A_28 = arith.constant 1.000000e+00 : f32
    %broadcast_in_dim3A_29 = vector.broadcast %jit3A_28 : f32 to vector<10240x1xf32>
    %select_n3A_30 = arith.select %gt3A_24, %rsqrt3A, %broadcast_in_dim3A_29 : vector<10240x1xi1>, vector<10240x1xf32>
    %mul3A = vector.broadcast %select_n3A_30 : vector<10240x1xf32> to vector<10240x128xf32>
    %mul3A_31 = arith.mulf %mul3A, %select_n3A : vector<10240x128xf32>
    %swap3A = arith.constant 0 : index
    %swap3A_32 = arith.constant 0 : index
    %swap3A_33 = vector.load %arg4[%swap3A, %swap3A_32] : memref<10240x128xf32, #tpu.memory_space<vmem>>, vector<10240x128xf32>
    tpu.vector_store %arg4[%swap3A, %swap3A_32], %mul3A_31 {strides = array<i32>} : memref<10240x128xf32, #tpu.memory_space<vmem>>, vector<10240x128xf32>,
    return
  }
}

module attributes {stable_mosaic.version = 14 : i64} {
  func.func @body(%arg0: memref<10240x128xf32, #tpu.memory_space<vmem>>, %arg1: memref<10240x128xf32, #tpu.memory_space<vmem>>, %arg2: memref<10240x1xf32, #tpu.memory_space<vmem>>, %arg3: memref<10240x128xf32, #tpu.memory_space<vmem>>) attributes {dimension_semantics = [], scalar_prefetch = 0 : i64, scratch_operands = 0 : i64, tpu.core_type = #tpu.core_type<tc>} {
    %get3A = arith.constant 0 : index
    %get3A_0 = arith.constant 0 : index
    %get3A_1 = vector.load %arg0[%get3A, %get3A_0] : memref<10240x128xf32, #tpu.memory_space<vmem>>, vector<10240x128xf32>
    %get3A_2 = arith.constant 0 : index
    %get3A_3 = arith.constant 0 : index
    %get3A_4 = vector.load %arg1[%get3A_2, %get3A_3] : memref<10240x128xf32, #tpu.memory_space<vmem>>, vector<10240x128xf32>
    %add3A = arith.addf %get3A_1, %get3A_4 : vector<10240x128xf32>
    %get3A_5 = arith.constant 0 : index
    %get3A_6 = arith.constant 0 : index
    %get3A_7 = vector.load %arg2[%get3A_5, %get3A_6] : memref<10240x1xf32, #tpu.memory_space<vmem>>, vector<10240x1xf32>
    %gt3A = arith.constant 0.000000e+00 : f32
    %gt3A_8 = vector.broadcast %gt3A : f32 to vector<10240x1xf32>
    %gt3A_9 = arith.cmpf ogt, %get3A_7, %gt3A_8 : vector<10240x1xf32>
    %max3A = arith.constant 1.000000e+00 : f32
    %max3A_10 = vector.broadcast %max3A : f32 to vector<10240x1xf32>
    %max3A_11 = arith.maximumf %get3A_7, %max3A_10 : vector<10240x1xf32>
    %rsqrt3A = math.rsqrt %max3A_11 : vector<10240x1xf32>
    %jit3A = arith.constant 0.000000e+00 : f32
    %broadcast_in_dim3A = vector.broadcast %jit3A : f32 to vector<10240x1xf32>
    %select_n3A = arith.select %gt3A_9, %rsqrt3A, %broadcast_in_dim3A : vector<10240x1xi1>, vector<10240x1xf32>
    %mul3A = vector.broadcast %select_n3A : vector<10240x1xf32> to vector<10240x128xf32>
    %mul3A_12 = arith.mulf %mul3A, %add3A : vector<10240x128xf32>
    %max3A_13 = arith.constant 0.000000e+00 : f32
    %max3A_14 = vector.broadcast %max3A_13 : f32 to vector<10240x128xf32>
    %max3A_15 = arith.maximumf %mul3A_12, %max3A_14 : vector<10240x128xf32>
    %swap3A = arith.constant 0 : index
    %swap3A_16 = arith.constant 0 : index
    %swap3A_17 = vector.load %arg3[%swap3A, %swap3A_16] : memref<10240x128xf32, #tpu.memory_space<vmem>>, vector<10240x128xf32>
    tpu.vector_store %arg3[%swap3A, %swap3A_16], %max3A_15 {strides = array<i32>} : memref<10240x128xf32, #tpu.memory_space<vmem>>, vector<10240x128xf32>,
    return
  }
}

</mosaic_0001>

<sc_bundles>
// kernel: kernel.11.cloned.1.call-start
scs
__scs_entry_jumppad:
0x0: {  	(pc) =	sbr.rel $0x88, $3  }
0x1: {  	(tag) =	ssettag $0x0;
	lr =	simm.s32 $0x1  }
0x2: {  	[smem:$0x3F9D] =	sst lr;
	_ =	strace $0xD0000000  }
0x3: {  	_ = 	snop  }
0x4: {  	_ = 	snop  }
0x5: {  	_ = 	snop  }
0x6: {  	_ = 	snop  }
0x7: {  	_ = 	snop  }
__scs_overlays_trampoline_lowered:
0x8: {  	[smem:$0x3FAC] =	sst s0  }
0x9: {  	[smem:$0x3FAD] =	sst s1  }
0xa: {  	[smem:$0x3FAE] =	sst s2  }
0xb: {  	[smem:$0x3FAF] =	sst s3  }
0xc: {  	[smem:$0x3FB0] =	sst s4  }
0xd: {  	[smem:$0x3FB1] =	sst s5  }
0xe: {  	[smem:$0x3FB2] =	sst s6  }
0xf: {  	[smem:$0x3FB3] =	sst s7  }
0x10: {  	[smem:$0x3FB4] =	sst s8  }
0x11: {  	[smem:$0x3FB5] =	sst s9;
	s0 =	simm.s32 @!p0 $0x0  }
0x12: {  	s1 =	sld [smem:$0x3F9B];
	s0 =	simm.s32 @p0 $0x1  }
0x13: {  	[smem:$0x3FB6] =	sst s0;
	s0 =	simm.s32 @!p1 $0x0  }
0x14: {  	s2 =	sld [smem:$0x3F9A];
	s0 =	simm.s32 @p1 $0x1  }
0x15: {  	[smem:$0x3FB7] =	sst s0;
	s0 =	simm.s32 @!p2 $0x0  }
0x16: {  	s3 =	sld [smem:$0x3FDB];
	s0 =	simm.s32 @p2 $0x1  }
0x17: {  	s4 =	simm.s32 $0x1BF5;
	[smem:$0x3FB9] =	sst s0  }
0x18: {  	s0 =	sld [smem:$0x3F9C];
	_ =	swait.ge [sflag:s4], $0x0  }
0x19: {  	s7 =	sld [smem:$0x3F9D]  }
0x1a: {  	s8 =	sadd.s32 $0xFFFFE003, lr  }
0x1b: {  	s9 =	sadd.s32 $0xFFFFFEF7, lr;
	s5 =	simm.s32 $0xFFFFFFFF;
	p2 =	slt.u32 s8, $0xFFFFF086  }
0x1c: {  	p1 =	slt.u32 s9, $0xF7A;
	s5 =	simm.s32 @!p2 $0x0  }
0x1d: {  	s5 =	simm.s32 @p1 $0x1;
	p0 =	seq.s32 s7, s2  }
0x1e: {  	s7 =	smul.u32 @!p0 $0xF7A, s2;
	p2 =	seq.s32 @!p0 s5, $0x0  }
0x1f: {  	s9 =	smul.u32 $0xF7A, s1;
	s8 =	simm.s32 @!p0 $0x1BF5;
	p2 =	por !p2, p0  }
0x20: {  	[sflag:s8] =	ssyncset.s32 @!p0 $0xFFFFF086;
	s6 =	sadd.s32 @!p0 s3, s7;
	s7 =	simm.s32 @!p0 $0x108  }
0x21: {  	s3 =	sadd.s32 s3, s9;
	s6 =	sadd.s32 @!p0 $0x88, s6;
	s7 =	simm.s32 @p2 $0x1082  }
0x22: {  	[simem:s7], [sflag:s8] =	dma.local @!p0 [hbm:s6], $0xF7A  }
0x23: {  	s9 =	sor.u32 $0xD0000000, s2;
	s6 =	simm.s32 $0x108;
	_ =	swait.ge @!p0 [sflag:s8], $0x0  }
0x24: {  	s3 =	sadd.s32 $0x88, s3;
	s6 =	simm.s32 @!p1 $0x1082;
	[sflag:s4] =	ssyncset.s32 $0xFFFFF086  }
0x25: {  	[simem:s6], [sflag:s4] =	dma.local [hbm:s3], $0xF7A  }
0x26: {  	[smem:$0x3F9D] =	sst s1;
	(tag) =	ssettag s2;
	_ =	strace s9  }
0x27: {  	s1 =	sld [smem:$0x3FAD]  }
0x28: {  	s2 =	sld [smem:$0x3FAE]  }
0x29: {  	s4 =	sld [smem:$0x3FB0]  }
0x2a: {  	p0 =	seq.s32 s5, $0x0;
	s5 =	sld [smem:$0x3FB1]  }
0x2b: {  	s6 =	sld [smem:$0x3FB2]  }
0x2c: {  	s7 =	sld [smem:$0x3FB3]  }
0x2d: {  	s3 =	simm.s32 $0x108;
	s8 =	sld [smem:$0x3FB4]  }
0x2e: {  	s3 =	simm.s32 @!p0 $0x1082;
	s9 =	sld [smem:$0x3FB5]  }
0x2f: {  	lr =	sadd.s32 s0, s3;
	s0 =	sld [smem:$0x3FAC]  }
0x30: {  	s3 =	sld [smem:$0x3FAF]  }
0x31: {  	[smem:$0x3FB8] =	sst s10  }
0x32: {  	s10 =	sld [smem:$0x3FB6];
	_ =	sdelay $0x3  }
0x33: {  	p0 =	seq.s32 s10, $0x1;
	s10 =	sld [smem:$0x3FB8];
	_ =	sdelay $0x3  }
0x34: {  	[smem:$0x3FB8] =	sst s10  }
0x35: {  	s10 =	sld [smem:$0x3FB7];
	_ =	sdelay $0x3  }
0x36: {  	p1 =	seq.s32 s10, $0x1;
	s10 =	sld [smem:$0x3FB8];
	_ =	sdelay $0x3  }
0x37: {  	[smem:$0x3FB8] =	sst s10  }
0x38: {  	s10 =	sld [smem:$0x3FB9]  }
0x39: {  	_ = 	snop;
	(pc) =	sbr.ind lr, $3  }
0x3a: {  	_ = 	snop  }
0x3b: {  	_ = 	snop  }
0x3c: {  	p2 =	seq.s32 s10, $0x1;
	s10 =	sld [smem:$0x3FB8]  }
0x3d: {  	_ =	shalt  }
0x3e: {  	_ =	shalt  }
0x3f: {  	_ =	shalt  }
0x40: {  	_ =	shalt  }
0x41: {  	_ =	shalt  }
0x42: {  	_ =	shalt  }
0x43: {  	_ =	shalt  }
0x44: {  	_ =	shalt  }
0x45: {  	_ =	shalt  }
0x46: {  	_ =	shalt  }
0x47: {  	_ =	shalt  }
0x48: {  	_ =	shalt  }
0x49: {  	_ =	shalt  }
0x4a: {  	_ =	shalt  }
0x4b: {  	_ =	shalt  }
0x4c: {  	_ =	shalt  }
0x4d: {  	_ =	shalt  }
0x4e: {  	_ =	shalt  }
0x4f: {  	_ =	shalt  }
0x50: {  	_ =	shalt  }
0x51: {  	_ =	shalt  }
0x52: {  	_ =	shalt  }
0x53: {  	_ =	shalt  }
0x54: {  	_ =	shalt  }
0x55: {  	_ =	shalt  }
0x56: {  	_ =	shalt  }
0x57: {  	_ =	shalt  }
0x58: {  	_ =	shalt  }
0x59: {  	_ =	shalt  }
0x5a: {  	_ =	shalt  }
0x5b: {  	_ =	shalt  }
0x5c: {  	_ =	shalt  }
0x5d: {  	_ =	shalt  }
0x5e: {  	_ =	shalt  }
0x5f: {  	_ =	shalt  }
0x60: {  	_ =	shalt  }
0x61: {  	_ =	shalt  }
0x62: {  	_ =	shalt  }
0x63: {  	_ =	shalt  }
0x64: {  	_ =	shalt  }
0x65: {  	_ =	shalt  }
0x66: {  	_ =	shalt  }
0x67: {  	_ =	shalt  }
0x68: {  	_ =	shalt  }
0x69: {  	_ =	shalt  }
0x6a: {  	_ =	shalt  }
0x6b: {  	_ =	shalt  }
0x6c: {  	_ =	shalt  }
0x6d: {  	_ =	shalt  }
0x6e: {  	_ =	shalt  }
0x6f: {  	_ =	shalt  }
0x70: {  	_ =	shalt  }
0x71: {  	_ =	shalt  }
0x72: {  	_ =	shalt  }
0x73: {  	_ =	shalt  }
0x74: {  	_ =	shalt  }
0x75: {  	_ =	shalt  }
0x76: {  	_ =	shalt  }
0x77: {  	_ =	shalt  }
0x78: {  	_ =	shalt  }
0x79: {  	_ =	shalt  }
0x7a: {  	_ =	shalt  }
0x7b: {  	_ =	shalt  }
0x7c: {  	_ =	shalt  }
0x7d: {  	_ =	shalt  }
0x7e: {  	_ =	shalt  }
0x7f: {  	_ =	shalt  }
0x80: {  	_ =	shalt  }
0x81: {  	_ =	shalt  }
0x82: {  	_ =	shalt  }
0x83: {  	_ =	shalt  }
0x84: {  	_ =	shalt  }
0x85: {  	_ =	shalt  }
0x86: {  	_ =	shalt  }
0x87: {  	_ =	shalt  }
.Lfunc_end0:
.L_simem_size_0:
called_computation.1_lowered:
.L_overlay_start_0:
0x88: {  	s2 =	sld [smem:$0x3FD9]  }
0x89: {  	s3 =	sld [smem:$0x3FFE];
	_ =	sdelay $0x1  }
0x8a: {  	s1 =	srdreg.scid  }
0x8b: {  	s0 =	sand.u32 $0x1, s1  }
0x8c: {  	s16 =	sshll.u32 s0, $0xA;
	s2 =	sadd.s32 s3, s2  }
0x8d: {  	s2 =	sadd.s32 s2, s16  }
0x8e: {  	[smem:$0x3FC4] =	sst s2  }
0x8f: {  	_ = 	snop  }
0x90: {  	(tm) =	ssettm $0x1  }
0x91: {  	s17 =	sld [smem:$0x3FFB];
	_ =	sdelay $0x3  }
0x92: {  	_ =	strace s17  }
0x93: {  	s2 =	sld [smem:$0x3FFC];
	_ =	sdelay $0x3  }
0x94: {  	_ =	strace s2  }
0x95: {  	s2 =	sld [smem:$0x3FFD];
	_ =	sdelay $0x3  }
0x96: {  	_ =	strace s2  }
0x97: {  	_ =	strace $0x8FFFFFFF  }
0x98: {  	s18 =	sld [smem:$0x3FDB];
	_ =	sdelay $0x1  }
0x99: {  	s19 =	simm.s32 $_scs_section_size  }
0x9a: {  	s4 =	simm.s32 $_size__tile_overlayer_lowered;
	s5 =	simm.s32 $_tile_overlayer_lowered  }
0x9b: {  	s22 =	simm.s32 $0x1BFF;
	s21 =	sshll.u32 s5, $0x1;
	s2 =	sadd.s32 s19, s18  }
0x9c: {  	s6 =	simm.s32 $0x0;
	s20 =	sshll.u32 s4, $0x1;
	s4 =	sadd.s32 s21, s2  }
0x9d: {  	[timem:s6], [sflag:s22] =	dma.local [hbm:s4], s20  }
0x9e: {  	_ =	swait.ge [sflag:s22], s20  }
0x9f: {  	s3 =	ssub.s32 $0x0, s20;
	[sflag:s22] =	ssyncset.done $0x0  }
0xa0: {  	[sflag:s22] =	ssyncadd.s32 s3;
	_ =	sdelay $0x1  }
0xa1: {  	s23 =	simm.s32 $0x1B8B  }
0xa2: {  	_ =	swait.ge [sflag:s23], $0x1  }
0xa3: {  	[sflag:s23] =	ssyncset.done $0x0  }
0xa4: {  	s25 =	simm.s32 $0x1B8E;
	s24 =	sld [smem:$0x3FFE];
	[sflag:s23] =	ssyncadd.s32 $0xFFFFFFFF  }
0xa5: {  	s26 =	simm.s32 $execute0_lowered;
	[smem:$0x3FD2] =	sst s25  }
0xa6: {  	s4 =	sshll.u32 s26, $0x1;
	_ =	strace $0x80000046;
	[dreg:$0x1] =	wrdreg $0xFFFFFFFF  }
0xa7: {  	s28 =	simm.s32 $_size_execute0_lowered;
	s2 =	sadd.s32 s2, s4;
	[dreg:$0x0] =	wrdreg $0x0  }
0xa8: {  	s4 =	sshll.u32 s28, $0x1;
	[dreg:$0x2] =	wrdreg s2  }
0xa9: {  	[dreg:$0x3] =	wrdreg s4  }
0xaa: {  	[dreg:$0x4] =	wrdreg $0xC0  }
0xab: {  	_ =	task [dreg:s6], $0x5FFFF  }
0xac: {  	[dreg:$0x1] =	wrdreg $0xFFFFFFFF  }
0xad: {  	[dreg:$0x0] =	wrdreg $0x60  }
0xae: {  	[dreg:$0x2] =	wrdreg s24  }
0xaf: {  	[dreg:$0x3] =	wrdreg $0x115800  }
0xb0: {  	[dreg:$0x4] =	wrdreg $0x118000  }
0xb1: {  	[dreg:$0x5] =	wrdreg $0x11A800  }
0xb2: {  	[dreg:$0x6] =	wrdreg $0xA  }
0xb3: {  	_ =	task.clear_ibuf [dreg:s6], $0x7FFFF;
	_ =	strace $0x90000046  }
0xb4: {  	s29 =	simm.s32 $0xA;
	_ =	strace $0x80000048  }
0xb5: {  	_ =	swait.ge [sflag:s29], $0x1  }
0xb6: {  	[sflag:s29] =	ssyncadd.s32 $0xFFFFFFFF  }
0xb7: {  	_ =	strace $0x90000048  }
0xb8: {  	_ =	sfence  }
0xb9: {  	s30 =	sld [smem:$0x0];
	_ =	sdelay $0x2  }
0xba: {  	s31 =	sshll.u32 s1, $0xD;
	s1 =	sshrl.u32 s1, $0x2  }
0xbb: {  	s3 =	sand.u32 $0x4000, s31;
	s1 =	sadd.s32 s1, s30  }
0xbc: {  	s0 =	sor.u32 s3, s0;
	s1 =	sshll.u32 s1, $0x11  }
0xbd: {  	s0 =	sor.u32 s1, s0  }
0xbe: {  	s0 =	sadd.s32 $0x8F2B, s0  }
0xbf: {  	[sflag:s0] =	ssyncadd.remote.s32 $0x1  }
0xc0: {  	_ =	sfence.sel $0xFFFF  }
0xc1: {  	[dreg:$0x0] =	wrdreg $0xFFFFFFFF;
	(pc) =	sbr.abs _section_cstart, $3  }
0xc2: {  	[dreg:$0x1] =	wrdreg $0xFFFFFFFF  }
0xc3: {  	_ =	task.clear_ibuf [dreg:s6], $0x2FFFF;
	_ =	strace $0x9FFFFFFF  }
0xc4: {  	(tm) =	ssettm $0x7FFFFFFF  }
0xc5: {  	_ =	shalt  }
tec
execute0_lowered:
.L_overlay_start_1:
0x0: {  	(tag) =	ssettag $0x1  }
0x1: {  	s6 =	rddreg [dreg:$0x0]  }
0x2: {  	s1 =	rddreg [dreg:$0x1]  }
0x3: {  	s3 =	rddreg [dreg:$0x2]  }
0x4: {  	s4 =	rddreg [dreg:$0x3]  }
0x5: {  	s0 =	rddreg [dreg:$0x4];
	s5 =	simm.s32 $0x0;
	s2 =	stileid.u32  }
0x6: {  	s7 =	srdreg.scid;
	s15 =	simm.s32 $0x4E80;
	s16 =	simm.s32 $0x1  }
0x7: {  	s17 =	simm.s32 $0x9D00;
	s18 =	simm.s32 $0x50;
	s19 =	simm.s32 $0x11500  }
0x8: {  	s20 =	simm.s32 $0x3;
	s21 =	simm.s32 $0xED00;
	s22 =	simm.s32 $0x2  }
0x9: {  	s23 =	simm.s32 $0xC500;
	s24 =	simm.s32 $0x0;
	[smem:$0x7FF] =	sst s5  }
0xa: {  	s8 =	smul.u32 $0x9C4, s2;
	s7 =	sand.u32 $0x1, s7;
	s10 =	sshll.u32 s2, $0x7  }
0xb: {  	p0 =	slt.u32 s2, $0xA;
	s31 =	sshll.u32 s2, $0xA;
	_ =	strace $0x80000047  }
0xc: {  	s9 =	ssub.s32 $0x2, s7;
	s13 =	sadd.s32 s10, s6;
	p1 =	seq.s32 s7, $0x0  }
0xd: {  	s10 =	sadd.s32 s31, s4;
	s8 =	sadd.s32 s8, s6;
	s11 =	sshrl.u32 s9, $0x1  }
0xe: {  	p0 =	por !p1, !p0;
	s12 =	sadd.s32 $0x16200, s13;
	p1 =	sgt.u32 s2, $0x9  }
0xf: {  	v0 =	vlaneseq.u32;
	s14 =	ssub.s32 s9, s11;
	s6 =	sadd.s32 $0xC400, s8;
	s7 =	sadd.s32 $0x2600, s8  }
0x10: {  	v1 =	vimm.f32 $0.0e+00;
	v6 =	vimm.f32 $1.000000000e+00;
	v2 =	vor.u32 $0x10, v0;
	s8 =	sadd.s32 s31, s1;
	s9 =	sadd.s32 s31, s3;
	p0 =	por !p0, !p0  }
0x11: {  	v3 =	vor.u32 $0x20, v0;
	v4 =	vor.u32 $0x30, v0;
	v5 =	vor.u32 $0x40, v0;
	s11 =	sadd.s32 $0x16E00, s13;
	s13 =	sadd.s32 $0x16800, s13;
	s14 =	smax.u32 s14, $0x1  }
.LBB2_1:
0x12: {  	[tilespmem:s5], [sflag:$0x1] =	stream.linear.gather [hbm4b:s6+s5], $0x4E20, $0x38;
	[tilespmem:$0x11D00] =	vst v63  }
0x13: {  	s25 =	simm.s32 $0x70;
	s26 =	simm.s32 $0x3C0  }
0x14: {  	[tilespmem:s15], [sflag:$0x2] =	stream.linear.gather [hbm4b:s7+s5], $0x4E20, $0x38;
	[tilespmem:$0x11D00] =	vst v63  }
.LBB2_2:
0x15: {  	p2 =	sne.s32 s26, $0x9FC0;
	[tilespmem:s25+$0x9D00] =	vst v1  }
0x16: {  	[tilespmem:s25+$0x9C90] =	vst v1  }
0x17: {  	[tilespmem:s25+$0x9CA0] =	vst v1  }
.Ltmp0:
0x18: {  	[tilespmem:s25+$0x9CB0] =	vst v1;
	(pc) =	sbr.rel @p2 .LBB2_2-.Ltmp0, $4  }
0x19: {  	[tilespmem:s25+$0x9CC0] =	vst v1  }
0x1a: {  	[tilespmem:s25+$0x9CD0] =	vst v1  }
0x1b: {  	[tilespmem:s25+$0x9CE0] =	vst v1  }
0x1c: {  	[tilespmem:s25+$0x9CF0] =	vst v1;
	s25 =	sshra.s32 s26, $0x2;
	s26 =	sadd.s32 $0x200, s26  }
0x1d: {  	[tilespmem:s25+$0x9D00] =	vst v1  }
0x1e: {  	[tilespmem:s25+$0x9C90] =	vst v1  }
0x1f: {  	[tilespmem:s25+$0x9CA0] =	vst v1  }
0x20: {  	[tilespmem:s25+$0x9CB0] =	vst v1  }
0x21: {  	[tilespmem:s25+$0x9CC0] =	vst v1  }
0x22: {  	[tilespmem:s25+$0x9CD0] =	vst v1  }
0x23: {  	[tilespmem:s25+$0x9CE0] =	vst v1  }
0x24: {  	[tilespmem:s25+$0x9CF0] =	vst v1;
	s25 =	simm.s32 $0x70;
	s26 =	simm.s32 $0x3C0  }
.LBB2_4:
0x25: {  	p2 =	sne.s32 s26, $0x9FC0;
	[tilespmem:s25+$0xC500] =	vst v1  }
0x26: {  	[tilespmem:s25+$0xC490] =	vst v1  }
0x27: {  	[tilespmem:s25+$0xC4A0] =	vst v1  }
.Ltmp1:
0x28: {  	[tilespmem:s25+$0xC4B0] =	vst v1;
	(pc) =	sbr.rel @p2 .LBB2_4-.Ltmp1, $4  }
0x29: {  	[tilespmem:s25+$0xC4C0] =	vst v1  }
0x2a: {  	[tilespmem:s25+$0xC4D0] =	vst v1  }
0x2b: {  	[tilespmem:s25+$0xC4E0] =	vst v1  }
0x2c: {  	[tilespmem:s25+$0xC4F0] =	vst v1;
	s25 =	sshra.s32 s26, $0x2;
	s26 =	sadd.s32 $0x200, s26  }
0x2d: {  	[tilespmem:s25+$0xC500] =	vst v1  }
0x2e: {  	[tilespmem:s25+$0xC490] =	vst v1  }
0x2f: {  	[tilespmem:s25+$0xC4A0] =	vst v1  }
0x30: {  	[tilespmem:s25+$0xC4B0] =	vst v1  }
0x31: {  	[tilespmem:s25+$0xC4C0] =	vst v1  }
0x32: {  	[tilespmem:s25+$0xC4D0] =	vst v1  }
0x33: {  	[tilespmem:s25+$0xC4E0] =	vst v1  }
0x34: {  	[tilespmem:s25+$0xC4F0] =	vst v1  }
0x35: {  	[tilespmem:$0x11500] =	vst v0  }
0x36: {  	[tilespmem:$0x11510] =	vst v2  }
0x37: {  	[tilespmem:$0x11520] =	vst v3  }
0x38: {  	[tilespmem:$0x11530] =	vst v4  }
0x39: {  	s25 =	simm.s32 @!p1 $0x9D00;
	s26 =	simm.s32 @!p1 $0x3;
	[tilespmem:$0x11540] =	vst v5  }
0x3a: {  	[spmem:s8] =	stream.linear.scatter @!p1 [tilespmem:s25], [sflag:$0x3], $0x400, $0x38;
	[tilespmem:$0x11D00] =	vst v63  }
0x3b: {  	_ =	swait.ge @!p1 [sflag:s26], $0x400  }
0x3c: {  	[sflag:s26] =	ssyncset.done @!p1 $0x0  }
0x3d: {  	[sflag:s26] =	ssyncadd.s32 @!p1 $0xFFFFFC00  }
0x3e: {  	[spmem:s9] =	stream.linear.scatter @!p1 [tilespmem:s25], [sflag:$0x3], $0x400, $0x38;
	[tilespmem:$0x11D00] =	vst v63  }
0x3f: {  	_ =	swait.ge @!p1 [sflag:s26], $0x400  }
0x40: {  	[sflag:s26] =	ssyncset.done @!p1 $0x0  }
0x41: {  	[sflag:s26] =	ssyncadd.s32 @!p1 $0xFFFFFC00  }
0x42: {  	[spmem:s10] =	stream.linear.scatter @!p1 [tilespmem:s25], [sflag:$0x3], $0x400, $0x38;
	[tilespmem:$0x11D00] =	vst v63  }
0x43: {  	_ =	swait.ge @!p1 [sflag:s26], $0x400  }
0x44: {  	[sflag:s26] =	ssyncset.done @!p1 $0x0  }
0x45: {  	[sflag:s26] =	ssyncadd.s32 @!p1 $0xFFFFFC00  }
0x46: {  	_ =	swait.ge [sflag:s16], $0x4E20  }
0x47: {  	[sflag:s16] =	ssyncset.done $0x0  }
0x48: {  	[sflag:s16] =	ssyncadd.s32 $0xFFFFB1E0  }
0x49: {  	s25 =	simm.s32 $0x40;
	s26 =	simm.s32 $0x0;
	[bflag:$0x0] =	sbarrier.arrive $0xFFFF  }
.LBB2_6:
0x4a: {  	p2 =	sne.s32 s25, $0x13840;
	v7 =	vld [tilespmem:s26+$0x0];
	_ =	sdelay $0x3  }
.Ltmp2:
0x4b: {  	(pc) =	sbr.rel @p2 .LBB2_6-.Ltmp2, $2  }
0x4c: {  	_ =	sdelay $0x2  }
0x4d: {  	s26 =	sshra.s32 s25, $0x2;
	s25 =	sadd.s32 $0x40, s25;
	[tilespmem:v7+s17+$0x0] =	vst.idx.add.f32.msk $0xffff, v6  }
0x4e: {  	v7 =	vld [tilespmem:s26+$0x0];
	_ =	sdelay $0x7  }
0x4f: {  	[tilespmem:v7+s17+$0x0] =	vst.idx.add.f32.msk $0xffff, v6  }
0x50: {  	[spmem:s1] =	stream.indirect.scatter.add.f32 [tilespmem:s17], [sflag:$0x3], $0x80, s19, s18, $0xb8;
	[tilespmem:$0x11D00] =	vst v63  }
0x51: {  	_ =	swait.ge [sflag:s20], $0x2800  }
0x52: {  	[sflag:s20] =	ssyncset.done $0x0  }
0x53: {  	[sflag:s20] =	ssyncadd.s32 $0xFFFFD800  }
0x54: {  	[bflag:$0x0] =	sbarrier.arrive $0xFFFF  }
0x55: {  	[tilespmem:s21], [sflag:$0x3] =	stream.linear.gather [spmem:s1], $0x2800, $0x38;
	[tilespmem:$0x11D00] =	vst v63  }
0x56: {  	_ =	swait.ge [sflag:s20], $0x2800  }
0x57: {  	[sflag:s20] =	ssyncset.done $0x0  }
0x58: {  	s25 =	simm.s32 $0x70;
	s26 =	simm.s32 $0x3C0;
	[sflag:s20] =	ssyncadd.s32 $0xFFFFD800  }
.LBB2_8:
0x59: {  	p2 =	sne.s32 s26, $0x9FC0;
	[tilespmem:s25+$0x9D00] =	vst v1  }
0x5a: {  	[tilespmem:s25+$0x9C90] =	vst v1  }
0x5b: {  	[tilespmem:s25+$0x9CA0] =	vst v1  }
.Ltmp3:
0x5c: {  	[tilespmem:s25+$0x9CB0] =	vst v1;
	(pc) =	sbr.rel @p2 .LBB2_8-.Ltmp3, $4  }
0x5d: {  	[tilespmem:s25+$0x9CC0] =	vst v1  }
0x5e: {  	[tilespmem:s25+$0x9CD0] =	vst v1  }
0x5f: {  	[tilespmem:s25+$0x9CE0] =	vst v1  }
0x60: {  	[tilespmem:s25+$0x9CF0] =	vst v1;
	s25 =	sshra.s32 s26, $0x2;
	s26 =	sadd.s32 $0x200, s26  }
0x61: {  	[tilespmem:s25+$0x9D00] =	vst v1  }
0x62: {  	[tilespmem:s25+$0x9C90] =	vst v1  }
0x63: {  	[tilespmem:s25+$0x9CA0] =	vst v1  }
0x64: {  	[tilespmem:s25+$0x9CB0] =	vst v1  }
0x65: {  	[tilespmem:s25+$0x9CC0] =	vst v1  }
0x66: {  	[tilespmem:s25+$0x9CD0] =	vst v1  }
0x67: {  	[tilespmem:s25+$0x9CE0] =	vst v1  }
0x68: {  	[tilespmem:s25+$0x9CF0] =	vst v1  }
0x69: {  	_ =	swait.ge [sflag:s22], $0x4E20  }
0x6a: {  	[sflag:s22] =	ssyncset.done $0x0  }
0x6b: {  	s31 =	simm.s32 $0x0;
	[sflag:s22] =	ssyncadd.s32 $0xFFFFB1E0  }
0x6c: {  	v7 =	vld [tilespmem:s31+$0x4E80]  }
0x6d: {  	v8 =	vld [tilespmem:s31+$0x0];
	_ =	sdelay $0x6  }
0x6e: {  	[tilespmem:v7+s17+$0x0] =	vst.idx.add.f32.msk $0xffff, v6  }
0x6f: {  	s25 =	simm.s32 $0x40;
	s26 =	simm.s32 $0x80;
	v8 =	vld.idx.msk [tilespmem:v8+s21+$0x0], $0xffff  }
.LBB2_10:
0x70: {  	_ =	sdelay $0x2  }
0x71: {  	p2 =	sne.s32 s26, $0x13840  }
0x72: {  	s28 =	sshra.s32 s25, $0x2;
	s25 =	smov.u32 s26;
	s26 =	sadd.s32 $0x40, s26;
	[tilespmem:v7+s23+$0x0] =	vst.idx.add.f32.msk $0xffff, v8  }
0x73: {  	v7 =	vld [tilespmem:s28+$0x4E80]  }
0x74: {  	v8 =	vld [tilespmem:s28+$0x0];
	_ =	sdelay $0x3  }
.Ltmp4:
0x75: {  	(pc) =	sbr.rel @p2 .LBB2_10-.Ltmp4, $3  }
0x76: {  	_ =	sdelay $0x1  }
0x77: {  	[tilespmem:v7+s17+$0x0] =	vst.idx.add.f32.msk $0xffff, v6  }
0x78: {  	v8 =	vld.idx.msk [tilespmem:v8+s21+$0x0], $0xffff  }
0x79: {  	_ =	sdelay $0x3  }
0x7a: {  	s25 =	sshra.s32 s25, $0x2;
	[tilespmem:v7+s23+$0x0] =	vst.idx.add.f32.msk $0xffff, v8  }
0x7b: {  	v7 =	vld [tilespmem:s25+$0x4E80]  }
0x7c: {  	v8 =	vld [tilespmem:s25+$0x0];
	_ =	sdelay $0x6  }
0x7d: {  	[tilespmem:v7+s17+$0x0] =	vst.idx.add.f32.msk $0xffff, v6  }
0x7e: {  	v8 =	vld.idx.msk [tilespmem:v8+s21+$0x0], $0xffff;
	_ =	sdelay $0x4  }
0x7f: {  	[tilespmem:v7+s23+$0x0] =	vst.idx.add.f32.msk $0xffff, v8  }
0x80: {  	[spmem:s3] =	stream.indirect.scatter.add.f32 [tilespmem:s17], [sflag:$0x3], $0x80, s19, s18, $0xb8;
	[tilespmem:$0x11D00] =	vst v63  }
0x81: {  	_ =	swait.ge [sflag:s20], $0x2800  }
0x82: {  	[sflag:s20] =	ssyncset.done $0x0  }
0x83: {  	[sflag:s20] =	ssyncadd.s32 $0xFFFFD800  }
0x84: {  	[spmem:s4] =	stream.indirect.scatter.add.f32 [tilespmem:s23], [sflag:$0x3], $0x80, s19, s18, $0xb8;
	[tilespmem:$0x11D00] =	vst v63  }
0x85: {  	_ =	swait.ge [sflag:s20], $0x2800  }
0x86: {  	[sflag:s20] =	ssyncset.done $0x0  }
0x87: {  	s25 =	sshll.u32 @p0 s2, $0x6;
	[sflag:s20] =	ssyncadd.s32 $0xFFFFD800  }
0x88: {  	s26 =	sshrl.u32 @p0 s8, $0x3;
	s25 =	sor.u32 @p0 $0x1C03, s25;
	[bflag:$0x0] =	sbarrier.arrive $0xFFFF  }
0x89: {  	[hbm:s11], [sflag:s25] =	dma.local @p0 [spmem:s26], $0x80  }
0x8a: {  	s26 =	simm.s32 @p0 $0x3  }
0x8b: {  	_ =	swait.ge @p0 [sflag:s26], $0x80  }
0x8c: {  	[sflag:s26] =	ssyncset.done @p0 $0x0  }
0x8d: {  	s28 =	sshrl.u32 @p0 s9, $0x3;
	[sflag:s26] =	ssyncadd.s32 @p0 $0xFFFFFF80  }
0x8e: {  	[hbm:s12], [sflag:s25] =	dma.local @p0 [spmem:s28], $0x80  }
0x8f: {  	s24 =	sadd.s32 $0x1, s24;
	_ =	swait.ge @p0 [sflag:s26], $0x80  }
0x90: {  	p2 =	sne.s32 s24, s14;
	[sflag:s26] =	ssyncset.done @p0 $0x0  }
.Ltmp5:
0x91: {  	s28 =	sshrl.u32 @p0 s10, $0x3;
	[sflag:s26] =	ssyncadd.s32 @p0 $0xFFFFFF80;
	(pc) =	sbr.rel @p2 .LBB2_1-.Ltmp5, $4  }
0x92: {  	[hbm:s13], [sflag:s25] =	dma.local @p0 [spmem:s28], $0x80  }
0x93: {  	_ =	swait.ge @p0 [sflag:s26], $0x80  }
0x94: {  	[sflag:s26] =	ssyncset.done @p0 $0x0  }
0x95: {  	[sflag:s26] =	ssyncadd.s32 @p0 $0xFFFFFF80  }
0x96: {  	_ =	sfence.sel $0x180000  }
0x97: {  	[bflag:$0x0] =	sbarrier.arrive $0xFFFF  }
0x98: {  	p0 =	sne.s32 s2, $0x0;
	_ =	strace $0x90000047  }
0x99: {  	s0 =	sadd.s32 @!p0 $0x100000, s0;
	[bflag:$0x2] =	sbarrier.arrive $0xFFFF  }
0x9a: {  	[sflag:s0] =	ssyncadd.tile.s32 @!p0 $0x1;
	_ =	shalt  }
.Lfunc_end2:
_tile_overlayer_lowered:
.L_overlay_start_2:
0x9b: {  	(tag) =	ssettag $0x2  }
0x9c: {  	s0 =	rddreg [dreg:$0x0];
	s2 =	stileid.u32  }
0x9d: {  	s1 =	rddreg [dreg:$0x1];
	p0 =	sne.s32 s2, $0x0  }
0x9e: {  	s3 =	rddreg [dreg:$0x2];
	[bflag:$0x3] =	sbarrier.arrive $0xFFFF;
	s2 =	simm.s32 @!p0 $0x1C03  }
0x9f: {  	[timem:s3], [sflag:s2] =	dma.local @!p0 [hbm:s0], s1  }
0xa0: {  	s0 =	simm.s32 @!p0 $0x3  }
0xa1: {  	_ =	swait.ge @!p0 [sflag:s0], s1  }
0xa2: {  	s1 =	ssub.s32 @!p0 $0x0, s1;
	[sflag:s0] =	ssyncset.done @!p0 $0x0  }
0xa3: {  	[sflag:s0] =	ssyncadd.s32 @!p0 s1  }
0xa4: {  	[bflag:$0x3] =	sbarrier.arrive $0xFFFF  }
0xa5: {  	_ =	shalt  }

// kernel: kernel.14.cloned.1.call-start
scs
__scs_entry_jumppad:
0x0: {  	(pc) =	sbr.rel $0x88, $3  }
0x1: {  	(tag) =	ssettag $0x0;
	lr =	simm.s32 $0x1  }
0x2: {  	[smem:$0x3F9D] =	sst lr;
	_ =	strace $0xD0000000  }
0x3: {  	_ = 	snop  }
0x4: {  	_ = 	snop  }
0x5: {  	_ = 	snop  }
0x6: {  	_ = 	snop  }
0x7: {  	_ = 	snop  }
__scs_overlays_trampoline_lowered:
0x8: {  	[smem:$0x3FAC] =	sst s0  }
0x9: {  	[smem:$0x3FAD] =	sst s1  }
0xa: {  	[smem:$0x3FAE] =	sst s2  }
0xb: {  	[smem:$0x3FAF] =	sst s3  }
0xc: {  	[smem:$0x3FB0] =	sst s4  }
0xd: {  	[smem:$0x3FB1] =	sst s5  }
0xe: {  	[smem:$0x3FB2] =	sst s6  }
0xf: {  	[smem:$0x3FB3] =	sst s7  }
0x10: {  	[smem:$0x3FB4] =	sst s8  }
0x11: {  	[smem:$0x3FB5] =	sst s9;
	s0 =	simm.s32 @!p0 $0x0  }
0x12: {  	s1 =	sld [smem:$0x3F9B];
	s0 =	simm.s32 @p0 $0x1  }
0x13: {  	[smem:$0x3FB6] =	sst s0;
	s0 =	simm.s32 @!p1 $0x0  }
0x14: {  	s2 =	sld [smem:$0x3F9A];
	s0 =	simm.s32 @p1 $0x1  }
0x15: {  	[smem:$0x3FB7] =	sst s0;
	s0 =	simm.s32 @!p2 $0x0  }
0x16: {  	s3 =	sld [smem:$0x3FDB];
	s0 =	simm.s32 @p2 $0x1  }
0x17: {  	s4 =	simm.s32 $0x1BF5;
	[smem:$0x3FB9] =	sst s0  }
0x18: {  	s0 =	sld [smem:$0x3F9C];
	_ =	swait.ge [sflag:s4], $0x0  }
0x19: {  	s7 =	sld [smem:$0x3F9D]  }
0x1a: {  	s8 =	sadd.s32 $0xFFFFE003, lr  }
0x1b: {  	s9 =	sadd.s32 $0xFFFFFEF7, lr;
	s5 =	simm.s32 $0xFFFFFFFF;
	p2 =	slt.u32 s8, $0xFFFFF086  }
0x1c: {  	p1 =	slt.u32 s9, $0xF7A;
	s5 =	simm.s32 @!p2 $0x0  }
0x1d: {  	s5 =	simm.s32 @p1 $0x1;
	p0 =	seq.s32 s7, s2  }
0x1e: {  	s7 =	smul.u32 @!p0 $0xF7A, s2;
	p2 =	seq.s32 @!p0 s5, $0x0  }
0x1f: {  	s9 =	smul.u32 $0xF7A, s1;
	s8 =	simm.s32 @!p0 $0x1BF5;
	p2 =	por !p2, p0  }
0x20: {  	[sflag:s8] =	ssyncset.s32 @!p0 $0xFFFFF086;
	s6 =	sadd.s32 @!p0 s3, s7;
	s7 =	simm.s32 @!p0 $0x108  }
0x21: {  	s3 =	sadd.s32 s3, s9;
	s6 =	sadd.s32 @!p0 $0x88, s6;
	s7 =	simm.s32 @p2 $0x1082  }
0x22: {  	[simem:s7], [sflag:s8] =	dma.local @!p0 [hbm:s6], $0xF7A  }
0x23: {  	s9 =	sor.u32 $0xD0000000, s2;
	s6 =	simm.s32 $0x108;
	_ =	swait.ge @!p0 [sflag:s8], $0x0  }
0x24: {  	s3 =	sadd.s32 $0x88, s3;
	s6 =	simm.s32 @!p1 $0x1082;
	[sflag:s4] =	ssyncset.s32 $0xFFFFF086  }
0x25: {  	[simem:s6], [sflag:s4] =	dma.local [hbm:s3], $0xF7A  }
0x26: {  	[smem:$0x3F9D] =	sst s1;
	(tag) =	ssettag s2;
	_ =	strace s9  }
0x27: {  	s1 =	sld [smem:$0x3FAD]  }
0x28: {  	s2 =	sld [smem:$0x3FAE]  }
0x29: {  	s4 =	sld [smem:$0x3FB0]  }
0x2a: {  	p0 =	seq.s32 s5, $0x0;
	s5 =	sld [smem:$0x3FB1]  }
0x2b: {  	s6 =	sld [smem:$0x3FB2]  }
0x2c: {  	s7 =	sld [smem:$0x3FB3]  }
0x2d: {  	s3 =	simm.s32 $0x108;
	s8 =	sld [smem:$0x3FB4]  }
0x2e: {  	s3 =	simm.s32 @!p0 $0x1082;
	s9 =	sld [smem:$0x3FB5]  }
0x2f: {  	lr =	sadd.s32 s0, s3;
	s0 =	sld [smem:$0x3FAC]  }
0x30: {  	s3 =	sld [smem:$0x3FAF]  }
0x31: {  	[smem:$0x3FB8] =	sst s10  }
0x32: {  	s10 =	sld [smem:$0x3FB6];
	_ =	sdelay $0x3  }
0x33: {  	p0 =	seq.s32 s10, $0x1;
	s10 =	sld [smem:$0x3FB8];
	_ =	sdelay $0x3  }
0x34: {  	[smem:$0x3FB8] =	sst s10  }
0x35: {  	s10 =	sld [smem:$0x3FB7];
	_ =	sdelay $0x3  }
0x36: {  	p1 =	seq.s32 s10, $0x1;
	s10 =	sld [smem:$0x3FB8];
	_ =	sdelay $0x3  }
0x37: {  	[smem:$0x3FB8] =	sst s10  }
0x38: {  	s10 =	sld [smem:$0x3FB9]  }
0x39: {  	_ = 	snop;
	(pc) =	sbr.ind lr, $3  }
0x3a: {  	_ = 	snop  }
0x3b: {  	_ = 	snop  }
0x3c: {  	p2 =	seq.s32 s10, $0x1;
	s10 =	sld [smem:$0x3FB8]  }
0x3d: {  	_ =	shalt  }
0x3e: {  	_ =	shalt  }
0x3f: {  	_ =	shalt  }
0x40: {  	_ =	shalt  }
0x41: {  	_ =	shalt  }
0x42: {  	_ =	shalt  }
0x43: {  	_ =	shalt  }
0x44: {  	_ =	shalt  }
0x45: {  	_ =	shalt  }
0x46: {  	_ =	shalt  }
0x47: {  	_ =	shalt  }
0x48: {  	_ =	shalt  }
0x49: {  	_ =	shalt  }
0x4a: {  	_ =	shalt  }
0x4b: {  	_ =	shalt  }
0x4c: {  	_ =	shalt  }
0x4d: {  	_ =	shalt  }
0x4e: {  	_ =	shalt  }
0x4f: {  	_ =	shalt  }
0x50: {  	_ =	shalt  }
0x51: {  	_ =	shalt  }
0x52: {  	_ =	shalt  }
0x53: {  	_ =	shalt  }
0x54: {  	_ =	shalt  }
0x55: {  	_ =	shalt  }
0x56: {  	_ =	shalt  }
0x57: {  	_ =	shalt  }
0x58: {  	_ =	shalt  }
0x59: {  	_ =	shalt  }
0x5a: {  	_ =	shalt  }
0x5b: {  	_ =	shalt  }
0x5c: {  	_ =	shalt  }
0x5d: {  	_ =	shalt  }
0x5e: {  	_ =	shalt  }
0x5f: {  	_ =	shalt  }
0x60: {  	_ =	shalt  }
0x61: {  	_ =	shalt  }
0x62: {  	_ =	shalt  }
0x63: {  	_ =	shalt  }
0x64: {  	_ =	shalt  }
0x65: {  	_ =	shalt  }
0x66: {  	_ =	shalt  }
0x67: {  	_ =	shalt  }
0x68: {  	_ =	shalt  }
0x69: {  	_ =	shalt  }
0x6a: {  	_ =	shalt  }
0x6b: {  	_ =	shalt  }
0x6c: {  	_ =	shalt  }
0x6d: {  	_ =	shalt  }
0x6e: {  	_ =	shalt  }
0x6f: {  	_ =	shalt  }
0x70: {  	_ =	shalt  }
0x71: {  	_ =	shalt  }
0x72: {  	_ =	shalt  }
0x73: {  	_ =	shalt  }
0x74: {  	_ =	shalt  }
0x75: {  	_ =	shalt  }
0x76: {  	_ =	shalt  }
0x77: {  	_ =	shalt  }
0x78: {  	_ =	shalt  }
0x79: {  	_ =	shalt  }
0x7a: {  	_ =	shalt  }
0x7b: {  	_ =	shalt  }
0x7c: {  	_ =	shalt  }
0x7d: {  	_ =	shalt  }
0x7e: {  	_ =	shalt  }
0x7f: {  	_ =	shalt  }
0x80: {  	_ =	shalt  }
0x81: {  	_ =	shalt  }
0x82: {  	_ =	shalt  }
0x83: {  	_ =	shalt  }
0x84: {  	_ =	shalt  }
0x85: {  	_ =	shalt  }
0x86: {  	_ =	shalt  }
0x87: {  	_ =	shalt  }
.Lfunc_end0:
.L_simem_size_0:
called_computation.2_lowered:
.L_overlay_start_0:
0x88: {  	s2 =	sld [smem:$0x3FD9]  }
0x89: {  	s3 =	sld [smem:$0x3FFE];
	_ =	sdelay $0x1  }
0x8a: {  	s1 =	srdreg.scid  }
0x8b: {  	s0 =	sand.u32 $0x1, s1  }
0x8c: {  	s17 =	sshll.u32 s0, $0xA;
	s2 =	sadd.s32 s3, s2  }
0x8d: {  	s2 =	sadd.s32 s2, s17  }
0x8e: {  	[smem:$0x3FC4] =	sst s2  }
0x8f: {  	_ = 	snop  }
0x90: {  	s2 =	sld [smem:$0x3FD0];
	(tm) =	ssettm $0x1  }
0x91: {  	s18 =	sld [smem:$0x3FFB];
	_ =	sdelay $0x3  }
0x92: {  	_ =	strace s18  }
0x93: {  	s3 =	sld [smem:$0x3FFC];
	_ =	sdelay $0x3  }
0x94: {  	_ =	strace s3  }
0x95: {  	s3 =	sld [smem:$0x3FFD];
	_ =	sdelay $0x3  }
0x96: {  	_ =	strace s3  }
0x97: {  	_ =	strace $0x8FFFFFFF  }
0x98: {  	s19 =	sld [smem:$0x3FDB];
	_ =	sdelay $0x1  }
0x99: {  	s4 =	simm.s32 $_scs_section_size  }
0x9a: {  	s5 =	simm.s32 $_size__tile_overlayer_lowered;
	s6 =	simm.s32 $_tile_overlayer_lowered  }
0x9b: {  	s22 =	simm.s32 $0x1BFF;
	s21 =	sshll.u32 s6, $0x1;
	s3 =	sadd.s32 s4, s19  }
0x9c: {  	s7 =	simm.s32 $0x0;
	s20 =	sshll.u32 s5, $0x1;
	s5 =	sadd.s32 s21, s3  }
0x9d: {  	[timem:s7], [sflag:s22] =	dma.local [hbm:s5], s20  }
0x9e: {  	_ =	swait.ge [sflag:s22], s20  }
0x9f: {  	s4 =	ssub.s32 $0x0, s20;
	[sflag:s22] =	ssyncset.done $0x0  }
0xa0: {  	[sflag:s22] =	ssyncadd.s32 s4;
	_ =	sdelay $0x1  }
0xa1: {  	s23 =	simm.s32 $0x1B8B  }
0xa2: {  	_ =	swait.ge [sflag:s23], $0x1  }
0xa3: {  	[sflag:s23] =	ssyncset.done $0x0  }
0xa4: {  	s25 =	simm.s32 $0x1B8E;
	s24 =	sld [smem:$0x3FFE];
	[sflag:s23] =	ssyncadd.s32 $0xFFFFFFFF  }
0xa5: {  	s26 =	simm.s32 $execute0_lowered;
	[smem:$0x3FD2] =	sst s25  }
0xa6: {  	s5 =	sshll.u32 s26, $0x1;
	_ =	strace $0x8000004C;
	[dreg:$0x1] =	wrdreg $0xFFFFFFFF  }
0xa7: {  	s28 =	simm.s32 $_size_execute0_lowered;
	s3 =	sadd.s32 s3, s5;
	[dreg:$0x0] =	wrdreg $0x0  }
0xa8: {  	s5 =	sshll.u32 s28, $0x1;
	[dreg:$0x2] =	wrdreg s3  }
0xa9: {  	[dreg:$0x3] =	wrdreg s5  }
0xaa: {  	[dreg:$0x4] =	wrdreg $0xC0  }
0xab: {  	_ =	task [dreg:s7], $0x5FFFF  }
0xac: {  	[dreg:$0x1] =	wrdreg $0xFFFFFFFF  }
0xad: {  	[dreg:$0x0] =	wrdreg $0x60  }
0xae: {  	[dreg:$0x2] =	wrdreg s24  }
0xaf: {  	[dreg:$0x3] =	wrdreg s2  }
0xb0: {  	[dreg:$0x4] =	wrdreg $0x84000  }
0xb1: {  	[dreg:$0x5] =	wrdreg $0x9  }
0xb2: {  	_ =	task.clear_ibuf [dreg:s7], $0x6FFFF;
	_ =	strace $0x9000004C  }
0xb3: {  	s29 =	simm.s32 $0x9;
	_ =	strace $0x8000004E  }
0xb4: {  	_ =	swait.ge [sflag:s29], $0x1  }
0xb5: {  	[sflag:s29] =	ssyncadd.s32 $0xFFFFFFFF  }
0xb6: {  	_ =	strace $0x9000004E  }
0xb7: {  	_ =	sfence  }
0xb8: {  	s30 =	sld [smem:$0x0];
	_ =	sdelay $0x2  }
0xb9: {  	s31 =	sshll.u32 s1, $0xD;
	s1 =	sshrl.u32 s1, $0x2  }
0xba: {  	s3 =	sand.u32 $0x4000, s31;
	s1 =	sadd.s32 s1, s30  }
0xbb: {  	s0 =	sor.u32 s3, s0;
	s1 =	sshll.u32 s1, $0x11  }
0xbc: {  	s0 =	sor.u32 s1, s0  }
0xbd: {  	s0 =	sadd.s32 $0x8F2B, s0  }
0xbe: {  	[sflag:s0] =	ssyncadd.remote.s32 $0x1  }
0xbf: {  	_ =	sfence.sel $0xFFFF  }
0xc0: {  	[dreg:$0x0] =	wrdreg $0xFFFFFFFF;
	(pc) =	sbr.abs _section_cstart, $3  }
0xc1: {  	[dreg:$0x1] =	wrdreg $0xFFFFFFFF  }
0xc2: {  	_ =	task.clear_ibuf [dreg:s7], $0x2FFFF;
	_ =	strace $0x9FFFFFFF  }
0xc3: {  	(tm) =	ssettm $0x7FFFFFFF  }
tec
execute0_lowered:
.L_overlay_start_1:
0x0: {  	(tag) =	ssettag $0x1  }
0x1: {  	s0 =	rddreg [dreg:$0x0]  }
0x2: {  	s2 =	rddreg [dreg:$0x1]  }
0x3: {  	s1 =	rddreg [dreg:$0x2]  }
0x4: {  	s3 =	srdreg.scid;
	s11 =	stileid.u32;
	s28 =	simm.s32 $0x1  }
0x5: {  	s29 =	simm.s32 $0x9;
	s30 =	simm.s32 $0x5;
	s31 =	simm.s32 $0x2  }
0x6: {  	s5 =	sand.u32 $0x1, s3;
	s3 =	simm.s32 $0x0;
	s7 =	smul.u32 $0x2800, s11  }
0x7: {  	s4 =	sadd.s32 $0x17400, s0;
	s9 =	sshll.u32 s11, $0x5;
	s11 =	smul.u32 $0x50000, s11  }
0x8: {  	s8 =	sadd.s32 $0x3F400, s0;
	s6 =	smul.u32 $0x28000, s5;
	[smem:$0x7FF] =	sst s3  }
0x9: {  	s12 =	ssub.s32 $0x2, s5;
	s5 =	sshll.u32 s5, $0x4;
	s24 =	sadd.s32 s9, s2  }
0xa: {  	s26 =	sadd.s32 s9, s8;
	_ =	strace $0x8000004D;
	s13 =	sshrl.u32 s12, $0x1  }
0xb: {  	s10 =	sor.u32 s5, s9;
	s18 =	sshrl.u32 s11, $0x2;
	s9 =	simm.s32 $0x3  }
0xc: {  	s6 =	sadd.s32 s7, s6;
	s14 =	sor.u32 $0x200, s10;
	s15 =	sadd.s32 s8, s10  }
0xd: {  	s17 =	sor.u32 $0x400, s10;
	s0 =	sadd.s32 s6, s0;
	s6 =	ssub.s32 s12, s13  }
0xe: {  	s12 =	sadd.s32 s2, s10;
	[dreg:$0x5] =	wrdreg s15;
	s16 =	sadd.s32 s2, s14  }
0xf: {  	s7 =	sadd.s32 s8, s14;
	s19 =	sadd.s32 s2, s17;
	[dreg:$0x4] =	wrdreg s12  }
0x10: {  	s2 =	simm.s32 $0x180;
	s10 =	simm.s32 $0x7;
	[dreg:$0x6] =	wrdreg s16  }
0x11: {  	s13 =	simm.s32 $0x4;
	s14 =	simm.s32 $0x8;
	[dreg:$0x7] =	wrdreg s7  }
0x12: {  	s15 =	simm.s32 $0x0;
	[dreg:$0x8] =	wrdreg s19;
	s7 =	sadd.s32 s8, s17  }
0x13: {  	s17 =	sadd.s32 s18, s1;
	s0 =	sadd.s32 $0x49400, s0;
	s20 =	smax.u32 s6, $0x1  }
0x14: {  	s18 =	sadd.s32 s5, s24;
	s19 =	sadd.s32 s5, s26;
	[dreg:$0x9] =	wrdreg s7  }
0x15: {  	s24 =	simm.s32 $0x300;
	s5 =	simm.s32 $0x380;
	[dreg:$0xb] =	wrdreg s0  }
0x16: {  	s6 =	simm.s32 $0xA;
	s8 =	simm.s32 $0xB;
	[dreg:$0xc] =	wrdreg s20  }
0x17: {  	s12 =	simm.s32 $0xC;
	s21 =	sadd.s32 $0x4000, s17;
	[dreg:$0xa] =	wrdreg s17  }
.Ltmp0:
0x18: {  	s22 =	sadd.s32 $0x8000, s17;
	[dreg:$0xd] =	wrdreg s21;
	(pc) =	sbr.rel .LBB2_1-.Ltmp0, $4  }
0x19: {  	s23 =	sadd.s32 $0xC000, s17;
	s25 =	sadd.s32 $0x10000, s17;
	[dreg:$0xe] =	wrdreg s22  }
0x1a: {  	s20 =	simm.s32 $0xD;
	s0 =	simm.s32 $0x4400;
	[dreg:$0xf] =	wrdreg s23  }
0x1b: {  	s7 =	simm.s32 $0x6;
	[dreg:$0x10] =	wrdreg s25;
	s21 =	simm.s32 $0x80  }
0x1c: {  	v0 =	vimm.f32 $0.0e+00;
	s22 =	simm.s32 $0x280;
	s23 =	simm.s32 $0x100;
	s25 =	simm.s32 $0x400  }
.LBB2_6:
0x1d: {  	_ =	swait.ge [sflag:s6], $0x4000  }
0x1e: {  	[sflag:s6] =	ssyncset.done $0x0  }
0x1f: {  	[sflag:s6] =	ssyncadd.s32 $0xFFFFC000  }
0x20: {  	_ =	swait.ge [sflag:s14], $0x80  }
0x21: {  	[sflag:s14] =	ssyncset.done $0x0  }
0x22: {  	[sflag:s14] =	ssyncadd.s32 $0xFFFFFF80  }
0x23: {  	[spmem:s1] =	stream.indirect.scatter.add.f32 [tilespmem:s0], [sflag:$0xC], $0x80, s5, s21, $0xb8;
	[tilespmem:$0x1C400] =	vst v63  }
0x24: {  	_ =	swait.ge [sflag:s8], $0x4000  }
0x25: {  	[sflag:s8] =	ssyncset.done $0x0  }
0x26: {  	[sflag:s8] =	ssyncadd.s32 $0xFFFFC000  }
0x27: {  	_ =	swait.ge [sflag:s12], $0x4000  }
0x28: {  	[sflag:s12] =	ssyncset.done $0x0  }
0x29: {  	[sflag:s12] =	ssyncadd.s32 $0xFFFFC000  }
0x2a: {  	s11 =	stileid.u32;
	[bflag:$0x0] =	sbarrier.arrive $0xFFFF  }
0x2b: {  	s20 =	simm.s32 $0xD;
	s11 =	sshll.u32 s11, $0x6;
	s17 =	rddreg [dreg:$0xa]  }
0x2c: {  	s11 =	sor.u32 $0x1C0D, s11;
	s16 =	rddreg [dreg:$0xb];
	s15 =	sshrl.u32 s17, $0x3  }
0x2d: {  	[hbm:s16], [sflag:s11] =	dma.local [spmem:s15], $0x2800  }
0x2e: {  	_ =	swait.ge [sflag:s20], $0x2800  }
0x2f: {  	s16 =	rddreg [dreg:$0x11]  }
0x30: {  	s26 =	rddreg [dreg:$0xc];
	s15 =	sadd.s32 $0x1, s16  }
0x31: {  	p0 =	sne.s32 s15, s26  }
.Ltmp1:
0x32: {  	_ = 	snop;
	(pc) =	sbr.rel @!p0 .LBB2_7-.Ltmp1, $3  }
0x33: {  	_ =	sdelay $0x1  }
0x34: {  	[sflag:s20] =	ssyncset.done $0x0  }
0x35: {  	[sflag:s20] =	ssyncadd.s32 $0xFFFFD800  }
.LBB2_1:
0x36: {  	[dreg:$0x11] =	wrdreg s15  }
0x37: {  	s11 =	rddreg [dreg:$0x4]  }
0x38: {  	[tilespmem:s3], [sflag:$0x1] =	stream.linear.gather [hbm4b:s11+s3], $0x80, $0x38;
	[tilespmem:$0x1C400] =	vst v63  }
0x39: {  	s15 =	rddreg [dreg:$0x5];
	s16 =	simm.s32 $0x200  }
0x3a: {  	[tilespmem:s16], [sflag:$0x5] =	stream.linear.gather [hbm4b:s15+s3], $0x80, $0x38;
	[tilespmem:$0x1C400] =	vst v63  }
0x3b: {  	s26 =	rddreg [dreg:$0x6]  }
0x3c: {  	[tilespmem:s21], [sflag:$0x2] =	stream.linear.gather [hbm4b:s26+s3], $0x80, $0x38;
	[tilespmem:$0x1C400] =	vst v63  }
0x3d: {  	s15 =	rddreg [dreg:$0x7]  }
0x3e: {  	[tilespmem:s22], [sflag:$0x6] =	stream.linear.gather [hbm4b:s15+s3], $0x80, $0x38;
	[tilespmem:$0x1C400] =	vst v63  }
0x3f: {  	s16 =	rddreg [dreg:$0x8]  }
0x40: {  	[tilespmem:s23], [sflag:$0x3] =	stream.linear.gather [hbm4b:s16+s3], $0x80, $0x38;
	[tilespmem:$0x1C400] =	vst v63  }
0x41: {  	s11 =	simm.s32 $0x0;
	s26 =	rddreg [dreg:$0x9];
	s16 =	simm.s32 $0x200  }
0x42: {  	[tilespmem:s24], [sflag:$0x7] =	stream.linear.gather [hbm4b:s26+s3], $0x80, $0x38;
	[tilespmem:$0x1C400] =	vst v63  }
.LBB2_2:
0x43: {  	p0 =	sne.s32 s16, $0xFE00;
	[tilespmem:s11+$0x470] =	vst v0  }
0x44: {  	[tilespmem:s11+$0x400] =	vst v0  }
0x45: {  	[tilespmem:s11+$0x410] =	vst v0  }
.Ltmp2:
0x46: {  	[tilespmem:s11+$0x420] =	vst v0;
	(pc) =	sbr.rel @p0 .LBB2_2-.Ltmp2, $4  }
0x47: {  	[tilespmem:s11+$0x430] =	vst v0  }
0x48: {  	[tilespmem:s11+$0x440] =	vst v0  }
0x49: {  	[tilespmem:s11+$0x450] =	vst v0  }
0x4a: {  	[tilespmem:s11+$0x460] =	vst v0;
	s11 =	sshra.s32 s16, $0x2;
	s16 =	sadd.s32 $0x200, s16  }
0x4b: {  	[tilespmem:s11+$0x470] =	vst v0  }
0x4c: {  	[tilespmem:s11+$0x400] =	vst v0  }
0x4d: {  	[tilespmem:s11+$0x410] =	vst v0  }
0x4e: {  	[tilespmem:s11+$0x420] =	vst v0  }
0x4f: {  	[tilespmem:s11+$0x430] =	vst v0  }
0x50: {  	[tilespmem:s11+$0x440] =	vst v0  }
0x51: {  	[tilespmem:s11+$0x450] =	vst v0  }
0x52: {  	[tilespmem:s11+$0x460] =	vst v0  }
0x53: {  	[spmem:s17] =	stream.linear.scatter [tilespmem:s25], [sflag:$0xD], $0x4000, $0x38;
	[tilespmem:$0x1C400] =	vst v63  }
0x54: {  	_ =	swait.ge [sflag:s20], $0x4000  }
0x55: {  	[sflag:s20] =	ssyncset.done $0x0  }
0x56: {  	s15 =	rddreg [dreg:$0xd];
	[sflag:s20] =	ssyncadd.s32 $0xFFFFC000  }
0x57: {  	[spmem:s15] =	stream.linear.scatter [tilespmem:s25], [sflag:$0xD], $0x4000, $0x38;
	[tilespmem:$0x1C400] =	vst v63  }
0x58: {  	_ =	swait.ge [sflag:s20], $0x4000  }
0x59: {  	[sflag:s20] =	ssyncset.done $0x0  }
0x5a: {  	s16 =	rddreg [dreg:$0xe];
	[sflag:s20] =	ssyncadd.s32 $0xFFFFC000  }
0x5b: {  	[spmem:s16] =	stream.linear.scatter [tilespmem:s25], [sflag:$0xD], $0x4000, $0x38;
	[tilespmem:$0x1C400] =	vst v63  }
0x5c: {  	_ =	swait.ge [sflag:s20], $0x4000  }
0x5d: {  	[sflag:s20] =	ssyncset.done $0x0  }
0x5e: {  	s17 =	rddreg [dreg:$0xf];
	[sflag:s20] =	ssyncadd.s32 $0xFFFFC000  }
0x5f: {  	[spmem:s17] =	stream.linear.scatter [tilespmem:s25], [sflag:$0xD], $0x4000, $0x38;
	[tilespmem:$0x1C400] =	vst v63  }
0x60: {  	_ =	swait.ge [sflag:s20], $0x4000  }
0x61: {  	[sflag:s20] =	ssyncset.done $0x0  }
0x62: {  	s26 =	rddreg [dreg:$0x10];
	[sflag:s20] =	ssyncadd.s32 $0xFFFFC000  }
0x63: {  	[spmem:s26] =	stream.linear.scatter [tilespmem:s25], [sflag:$0xD], $0x4000, $0x38;
	[tilespmem:$0x1C400] =	vst v63  }
0x64: {  	_ =	swait.ge [sflag:s20], $0x4000  }
0x65: {  	[sflag:s20] =	ssyncset.done $0x0  }
0x66: {  	[sflag:s20] =	ssyncadd.s32 $0xFFFFC000  }
0x67: {  	[bflag:$0x0] =	sbarrier.arrive $0xFFFF  }
0x68: {  	_ =	swait.ge [sflag:s28], $0x80  }
0x69: {  	[sflag:s28] =	ssyncset.done $0x0  }
0x6a: {  	s16 =	simm.s32 $0x0;
	[sflag:s28] =	ssyncadd.s32 $0xFFFFFF80  }
0x6b: {  	[tilespmem:s25], [sflag:$0x9] =	stream.indirect.gather [hbm4b:s4+s21], $0x80, s16, s21, $0xb8;
	[tilespmem:$0x1C400] =	vst v63  }
.LBB2_4:
0x6c: {  	_ =	swait.ge [sflag:s29], $0x4000  }
0x6d: {  	[sflag:s29] =	ssyncset.done $0x0  }
0x6e: {  	[sflag:s29] =	ssyncadd.s32 $0xFFFFC000  }
0x6f: {  	_ =	swait.ge [sflag:s30], $0x80  }
0x70: {  	[sflag:s30] =	ssyncset.done $0x0  }
0x71: {  	s11 =	simm.s32 $0x200;
	p0 =	seq.s32 s16, $0x0;
	[sflag:s30] =	ssyncadd.s32 $0xFFFFFF80  }
0x72: {  	[spmem:s1] =	stream.indirect.scatter.add.f32 [tilespmem:s25], [sflag:$0xB], $0x80, s11, s21, $0xb8;
	[tilespmem:$0x1C400] =	vst v63  }
0x73: {  	s11 =	simm.s32 @!p0 $0xC  }
0x74: {  	_ =	swait.ge @!p0 [sflag:s11], $0x4000  }
0x75: {  	[sflag:s11] =	ssyncset.done @!p0 $0x0  }
0x76: {  	[sflag:s11] =	ssyncadd.s32 @!p0 $0xFFFFC000  }
0x77: {  	_ =	swait.ge [sflag:s31], $0x80  }
0x78: {  	[sflag:s31] =	ssyncset.done $0x0  }
0x79: {  	s17 =	sadd.s32 s16, s18;
	[sflag:s31] =	ssyncadd.s32 $0xFFFFFF80  }
0x7a: {  	[tilespmem:s0], [sflag:$0xA] =	stream.indirect.gather [hbm4b:s4+s21], $0x80, s21, s21, $0xb8;
	[tilespmem:$0x1C400] =	vst v63  }
0x7b: {  	s26 =	sadd.s32 $0x600, s17;
	s11 =	sadd.s32 s16, s19  }
0x7c: {  	[tilespmem:s2], [sflag:$0x4] =	stream.linear.gather [hbm4b:s26+s3], $0x80, $0x38;
	[tilespmem:$0x1C400] =	vst v63  }
0x7d: {  	s15 =	sadd.s32 $0x600, s11  }
0x7e: {  	[tilespmem:s5], [sflag:$0x8] =	stream.linear.gather [hbm4b:s15+s3], $0x80, $0x38;
	[tilespmem:$0x1C400] =	vst v63  }
0x7f: {  	_ =	swait.ge [sflag:s6], $0x4000  }
0x80: {  	[sflag:s6] =	ssyncset.done $0x0  }
0x81: {  	[sflag:s6] =	ssyncadd.s32 $0xFFFFC000  }
0x82: {  	_ =	swait.ge [sflag:s7], $0x80  }
0x83: {  	[sflag:s7] =	ssyncset.done $0x0  }
0x84: {  	[sflag:s7] =	ssyncadd.s32 $0xFFFFFF80  }
0x85: {  	[spmem:s1] =	stream.indirect.scatter.add.f32 [tilespmem:s0], [sflag:$0xC], $0x80, s22, s21, $0xb8;
	[tilespmem:$0x1C400] =	vst v63  }
0x86: {  	_ =	swait.ge [sflag:s8], $0x4000  }
0x87: {  	[sflag:s8] =	ssyncset.done $0x0  }
0x88: {  	[sflag:s8] =	ssyncadd.s32 $0xFFFFC000  }
0x89: {  	_ =	swait.ge [sflag:s9], $0x80  }
0x8a: {  	p0 =	seq.s32 s16, $0x9800;
	[sflag:s9] =	ssyncset.done $0x0  }
0x8b: {  	s15 =	sadd.s32 @!p0 s16, s18;
	[sflag:s9] =	ssyncadd.s32 $0xFFFFFF80  }
0x8c: {  	[tilespmem:s25], [sflag:$0x9] =	stream.indirect.gather [hbm4b:s4+s21], $0x80, s23, s21, $0xb8;
	[tilespmem:$0x1C400] =	vst v63  }
0x8d: {  	s26 =	simm.s32 @!p0 $0x0;
	s15 =	sadd.s32 @!p0 $0x800, s15  }
0x8e: {  	[tilespmem:s26], [sflag:$0x1] =	stream.linear.gather @!p0 [hbm4b:s15+s26], $0x80, $0x38;
	[tilespmem:$0x1C400] =	vst v63  }
0x8f: {  	s15 =	sadd.s32 @!p0 s16, s19  }
0x90: {  	s20 =	simm.s32 @!p0 $0x200;
	s15 =	sadd.s32 @!p0 $0x800, s15  }
0x91: {  	[tilespmem:s20], [sflag:$0x5] =	stream.linear.gather @!p0 [hbm4b:s15+s26], $0x80, $0x38;
	[tilespmem:$0x1C400] =	vst v63  }
0x92: {  	_ =	swait.ge [sflag:s29], $0x4000  }
0x93: {  	[sflag:s29] =	ssyncset.done $0x0  }
0x94: {  	[sflag:s29] =	ssyncadd.s32 $0xFFFFC000  }
0x95: {  	_ =	swait.ge [sflag:s10], $0x80  }
0x96: {  	[sflag:s10] =	ssyncset.done $0x0  }
0x97: {  	[sflag:s10] =	ssyncadd.s32 $0xFFFFFF80  }
0x98: {  	[spmem:s1] =	stream.indirect.scatter.add.f32 [tilespmem:s25], [sflag:$0xB], $0x80, s24, s21, $0xb8;
	[tilespmem:$0x1C400] =	vst v63  }
0x99: {  	_ =	swait.ge [sflag:s12], $0x4000  }
0x9a: {  	[sflag:s12] =	ssyncset.done $0x0  }
.Ltmp3:
0x9b: {  	[sflag:s12] =	ssyncadd.s32 $0xFFFFC000;
	(pc) =	sbr.rel @p0 .LBB2_6-.Ltmp3, $4  }
0x9c: {  	_ =	swait.ge [sflag:s13], $0x80  }
0x9d: {  	[sflag:s13] =	ssyncset.done $0x0  }
0x9e: {  	[sflag:s13] =	ssyncadd.s32 $0xFFFFFF80  }
0x9f: {  	[tilespmem:s0], [sflag:$0xA] =	stream.indirect.gather [hbm4b:s4+s21], $0x80, s2, s21, $0xb8;
	[tilespmem:$0x1C400] =	vst v63  }
0xa0: {  	s15 =	sadd.s32 $0xA00, s17  }
0xa1: {  	[tilespmem:s21], [sflag:$0x2] =	stream.linear.gather [hbm4b:s15+s3], $0x80, $0x38;
	[tilespmem:$0x1C400] =	vst v63  }
0xa2: {  	s26 =	sadd.s32 $0xA00, s11  }
0xa3: {  	[tilespmem:s22], [sflag:$0x6] =	stream.linear.gather [hbm4b:s26+s3], $0x80, $0x38;
	[tilespmem:$0x1C400] =	vst v63  }
0xa4: {  	_ =	swait.ge [sflag:s6], $0x4000  }
0xa5: {  	[sflag:s6] =	ssyncset.done $0x0  }
0xa6: {  	[sflag:s6] =	ssyncadd.s32 $0xFFFFC000  }
0xa7: {  	_ =	swait.ge [sflag:s14], $0x80  }
0xa8: {  	[sflag:s14] =	ssyncset.done $0x0  }
0xa9: {  	[sflag:s14] =	ssyncadd.s32 $0xFFFFFF80  }
0xaa: {  	[spmem:s1] =	stream.indirect.scatter.add.f32 [tilespmem:s0], [sflag:$0xC], $0x80, s5, s21, $0xb8;
	[tilespmem:$0x1C400] =	vst v63  }
0xab: {  	_ =	swait.ge [sflag:s8], $0x4000  }
0xac: {  	[sflag:s8] =	ssyncset.done $0x0  }
0xad: {  	[sflag:s8] =	ssyncadd.s32 $0xFFFFC000  }
0xae: {  	_ =	swait.ge [sflag:s28], $0x80  }
0xaf: {  	[sflag:s28] =	ssyncset.done $0x0  }
0xb0: {  	[sflag:s28] =	ssyncadd.s32 $0xFFFFFF80  }
0xb1: {  	[tilespmem:s25], [sflag:$0x9] =	stream.indirect.gather [hbm4b:s4+s21], $0x80, s3, s21, $0xb8;
	[tilespmem:$0x1C400] =	vst v63  }
.Ltmp4:
0xb2: {  	_ = 	snop;
	(pc) =	sbr.rel .LBB2_4-.Ltmp4, $4  }
0xb3: {  	s20 =	sadd.s32 $0xC00, s17  }
0xb4: {  	[tilespmem:s23], [sflag:$0x3] =	stream.linear.gather [hbm4b:s20+s3], $0x80, $0x38;
	[tilespmem:$0x1C400] =	vst v63  }
0xb5: {  	s16 =	sadd.s32 $0x800, s16;
	s26 =	sadd.s32 $0xC00, s11  }
0xb6: {  	[tilespmem:s24], [sflag:$0x7] =	stream.linear.gather [hbm4b:s26+s3], $0x80, $0x38;
	[tilespmem:$0x1C400] =	vst v63  }
.LBB2_7:
0xb7: {  	_ =	sfence.sel $0x180000  }
0xb8: {  	[bflag:$0x0] =	sbarrier.arrive $0xFFFF  }
0xb9: {  	_ =	strace $0x9000004D  }
0xba: {  	s0 =	stileid.u32;
	[bflag:$0x2] =	sbarrier.arrive $0xFFFF  }
0xbb: {  	p0 =	sne.s32 s0, $0x0;
	s0 =	rddreg [dreg:$0x3]  }
0xbc: {  	s0 =	sadd.s32 @!p0 $0x100000, s0  }
0xbd: {  	[sflag:s0] =	ssyncadd.tile.s32 @!p0 $0x1;
	_ =	shalt  }
.Lfunc_end2:
_tile_overlayer_lowered:
.L_overlay_start_2:
0xbe: {  	(tag) =	ssettag $0x2  }
0xbf: {  	s0 =	rddreg [dreg:$0x0];
	s2 =	stileid.u32  }
0xc0: {  	s1 =	rddreg [dreg:$0x1];
	p0 =	sne.s32 s2, $0x0  }
0xc1: {  	s3 =	rddreg [dreg:$0x2];
	[bflag:$0x3] =	sbarrier.arrive $0xFFFF;
	s2 =	simm.s32 @!p0 $0x1C0D  }
0xc2: {  	[timem:s3], [sflag:s2] =	dma.local @!p0 [hbm:s0], s1  }
0xc3: {  	s0 =	simm.s32 @!p0 $0xD  }
0xc4: {  	_ =	swait.ge @!p0 [sflag:s0], s1  }
0xc5: {  	s1 =	ssub.s32 @!p0 $0x0, s1;
	[sflag:s0] =	ssyncset.done @!p0 $0x0  }
0xc6: {  	[sflag:s0] =	ssyncadd.s32 @!p0 s1  }
0xc7: {  	[bflag:$0x3] =	sbarrier.arrive $0xFFFF  }
0xc8: {  	_ =	shalt  }

// kernel: kernel.8.cloned.1.call-start
scs
__scs_entry_jumppad:
0x0: {  	(pc) =	sbr.rel $0x88, $3  }
0x1: {  	(tag) =	ssettag $0x0;
	lr =	simm.s32 $0x1  }
0x2: {  	[smem:$0x3F9D] =	sst lr;
	_ =	strace $0xD0000000  }
0x3: {  	_ = 	snop  }
0x4: {  	_ = 	snop  }
0x5: {  	_ = 	snop  }
0x6: {  	_ = 	snop  }
0x7: {  	_ = 	snop  }
__scs_overlays_trampoline_lowered:
0x8: {  	[smem:$0x3FAC] =	sst s0  }
0x9: {  	[smem:$0x3FAD] =	sst s1  }
0xa: {  	[smem:$0x3FAE] =	sst s2  }
0xb: {  	[smem:$0x3FAF] =	sst s3  }
0xc: {  	[smem:$0x3FB0] =	sst s4  }
0xd: {  	[smem:$0x3FB1] =	sst s5  }
0xe: {  	[smem:$0x3FB2] =	sst s6  }
0xf: {  	[smem:$0x3FB3] =	sst s7  }
0x10: {  	[smem:$0x3FB4] =	sst s8  }
0x11: {  	[smem:$0x3FB5] =	sst s9;
	s0 =	simm.s32 @!p0 $0x0  }
0x12: {  	s1 =	sld [smem:$0x3F9B];
	s0 =	simm.s32 @p0 $0x1  }
0x13: {  	[smem:$0x3FB6] =	sst s0;
	s0 =	simm.s32 @!p1 $0x0  }
0x14: {  	s2 =	sld [smem:$0x3F9A];
	s0 =	simm.s32 @p1 $0x1  }
0x15: {  	[smem:$0x3FB7] =	sst s0;
	s0 =	simm.s32 @!p2 $0x0  }
0x16: {  	s3 =	sld [smem:$0x3FDB];
	s0 =	simm.s32 @p2 $0x1  }
0x17: {  	s4 =	simm.s32 $0x1BF5;
	[smem:$0x3FB9] =	sst s0  }
0x18: {  	s0 =	sld [smem:$0x3F9C];
	_ =	swait.ge [sflag:s4], $0x0  }
0x19: {  	s7 =	sld [smem:$0x3F9D]  }
0x1a: {  	s8 =	sadd.s32 $0xFFFFE003, lr  }
0x1b: {  	s9 =	sadd.s32 $0xFFFFFEF7, lr;
	s5 =	simm.s32 $0xFFFFFFFF;
	p2 =	slt.u32 s8, $0xFFFFF086  }
0x1c: {  	p1 =	slt.u32 s9, $0xF7A;
	s5 =	simm.s32 @!p2 $0x0  }
0x1d: {  	s5 =	simm.s32 @p1 $0x1;
	p0 =	seq.s32 s7, s2  }
0x1e: {  	s7 =	smul.u32 @!p0 $0xF7A, s2;
	p2 =	seq.s32 @!p0 s5, $0x0  }
0x1f: {  	s9 =	smul.u32 $0xF7A, s1;
	s8 =	simm.s32 @!p0 $0x1BF5;
	p2 =	por !p2, p0  }
0x20: {  	[sflag:s8] =	ssyncset.s32 @!p0 $0xFFFFF086;
	s6 =	sadd.s32 @!p0 s3, s7;
	s7 =	simm.s32 @!p0 $0x108  }
0x21: {  	s3 =	sadd.s32 s3, s9;
	s6 =	sadd.s32 @!p0 $0x88, s6;
	s7 =	simm.s32 @p2 $0x1082  }
0x22: {  	[simem:s7], [sflag:s8] =	dma.local @!p0 [hbm:s6], $0xF7A  }
0x23: {  	s9 =	sor.u32 $0xD0000000, s2;
	s6 =	simm.s32 $0x108;
	_ =	swait.ge @!p0 [sflag:s8], $0x0  }
0x24: {  	s3 =	sadd.s32 $0x88, s3;
	s6 =	simm.s32 @!p1 $0x1082;
	[sflag:s4] =	ssyncset.s32 $0xFFFFF086  }
0x25: {  	[simem:s6], [sflag:s4] =	dma.local [hbm:s3], $0xF7A  }
0x26: {  	[smem:$0x3F9D] =	sst s1;
	(tag) =	ssettag s2;
	_ =	strace s9  }
0x27: {  	s1 =	sld [smem:$0x3FAD]  }
0x28: {  	s2 =	sld [smem:$0x3FAE]  }
0x29: {  	s4 =	sld [smem:$0x3FB0]  }
0x2a: {  	p0 =	seq.s32 s5, $0x0;
	s5 =	sld [smem:$0x3FB1]  }
0x2b: {  	s6 =	sld [smem:$0x3FB2]  }
0x2c: {  	s7 =	sld [smem:$0x3FB3]  }
0x2d: {  	s3 =	simm.s32 $0x108;
	s8 =	sld [smem:$0x3FB4]  }
0x2e: {  	s3 =	simm.s32 @!p0 $0x1082;
	s9 =	sld [smem:$0x3FB5]  }
0x2f: {  	lr =	sadd.s32 s0, s3;
	s0 =	sld [smem:$0x3FAC]  }
0x30: {  	s3 =	sld [smem:$0x3FAF]  }
0x31: {  	[smem:$0x3FB8] =	sst s10  }
0x32: {  	s10 =	sld [smem:$0x3FB6];
	_ =	sdelay $0x3  }
0x33: {  	p0 =	seq.s32 s10, $0x1;
	s10 =	sld [smem:$0x3FB8];
	_ =	sdelay $0x3  }
0x34: {  	[smem:$0x3FB8] =	sst s10  }
0x35: {  	s10 =	sld [smem:$0x3FB7];
	_ =	sdelay $0x3  }
0x36: {  	p1 =	seq.s32 s10, $0x1;
	s10 =	sld [smem:$0x3FB8];
	_ =	sdelay $0x3  }
0x37: {  	[smem:$0x3FB8] =	sst s10  }
0x38: {  	s10 =	sld [smem:$0x3FB9]  }
0x39: {  	_ = 	snop;
	(pc) =	sbr.ind lr, $3  }
0x3a: {  	_ = 	snop  }
0x3b: {  	_ = 	snop  }
0x3c: {  	p2 =	seq.s32 s10, $0x1;
	s10 =	sld [smem:$0x3FB8]  }
0x3d: {  	_ =	shalt  }
0x3e: {  	_ =	shalt  }
0x3f: {  	_ =	shalt  }
0x40: {  	_ =	shalt  }
0x41: {  	_ =	shalt  }
0x42: {  	_ =	shalt  }
0x43: {  	_ =	shalt  }
0x44: {  	_ =	shalt  }
0x45: {  	_ =	shalt  }
0x46: {  	_ =	shalt  }
0x47: {  	_ =	shalt  }
0x48: {  	_ =	shalt  }
0x49: {  	_ =	shalt  }
0x4a: {  	_ =	shalt  }
0x4b: {  	_ =	shalt  }
0x4c: {  	_ =	shalt  }
0x4d: {  	_ =	shalt  }
0x4e: {  	_ =	shalt  }
0x4f: {  	_ =	shalt  }
0x50: {  	_ =	shalt  }
0x51: {  	_ =	shalt  }
0x52: {  	_ =	shalt  }
0x53: {  	_ =	shalt  }
0x54: {  	_ =	shalt  }
0x55: {  	_ =	shalt  }
0x56: {  	_ =	shalt  }
0x57: {  	_ =	shalt  }
0x58: {  	_ =	shalt  }
0x59: {  	_ =	shalt  }
0x5a: {  	_ =	shalt  }
0x5b: {  	_ =	shalt  }
0x5c: {  	_ =	shalt  }
0x5d: {  	_ =	shalt  }
0x5e: {  	_ =	shalt  }
0x5f: {  	_ =	shalt  }
0x60: {  	_ =	shalt  }
0x61: {  	_ =	shalt  }
0x62: {  	_ =	shalt  }
0x63: {  	_ =	shalt  }
0x64: {  	_ =	shalt  }
0x65: {  	_ =	shalt  }
0x66: {  	_ =	shalt  }
0x67: {  	_ =	shalt  }
0x68: {  	_ =	shalt  }
0x69: {  	_ =	shalt  }
0x6a: {  	_ =	shalt  }
0x6b: {  	_ =	shalt  }
0x6c: {  	_ =	shalt  }
0x6d: {  	_ =	shalt  }
0x6e: {  	_ =	shalt  }
0x6f: {  	_ =	shalt  }
0x70: {  	_ =	shalt  }
0x71: {  	_ =	shalt  }
0x72: {  	_ =	shalt  }
0x73: {  	_ =	shalt  }
0x74: {  	_ =	shalt  }
0x75: {  	_ =	shalt  }
0x76: {  	_ =	shalt  }
0x77: {  	_ =	shalt  }
0x78: {  	_ =	shalt  }
0x79: {  	_ =	shalt  }
0x7a: {  	_ =	shalt  }
0x7b: {  	_ =	shalt  }
0x7c: {  	_ =	shalt  }
0x7d: {  	_ =	shalt  }
0x7e: {  	_ =	shalt  }
0x7f: {  	_ =	shalt  }
0x80: {  	_ =	shalt  }
0x81: {  	_ =	shalt  }
0x82: {  	_ =	shalt  }
0x83: {  	_ =	shalt  }
0x84: {  	_ =	shalt  }
0x85: {  	_ =	shalt  }
0x86: {  	_ =	shalt  }
0x87: {  	_ =	shalt  }
.Lfunc_end0:
.L_simem_size_0:
called_computation_lowered:
.L_overlay_start_0:
0x88: {  	s2 =	sld [smem:$0x3FD9]  }
0x89: {  	s3 =	sld [smem:$0x3FFE];
	_ =	sdelay $0x1  }
0x8a: {  	s1 =	srdreg.scid  }
0x8b: {  	s0 =	sand.u32 $0x1, s1  }
0x8c: {  	s17 =	sshll.u32 s0, $0xA;
	s2 =	sadd.s32 s3, s2  }
0x8d: {  	s2 =	sadd.s32 s2, s17  }
0x8e: {  	[smem:$0x3FC4] =	sst s2  }
0x8f: {  	_ = 	snop  }
0x90: {  	s18 =	sld [smem:$0x3FD0];
	(tm) =	ssettm $0x1  }
0x91: {  	s19 =	sld [smem:$0x3FFB];
	_ =	sdelay $0x3  }
0x92: {  	_ =	strace s19  }
0x93: {  	s2 =	sld [smem:$0x3FFC];
	_ =	sdelay $0x3  }
0x94: {  	_ =	strace s2  }
0x95: {  	s2 =	sld [smem:$0x3FFD];
	_ =	sdelay $0x3  }
0x96: {  	_ =	strace s2  }
0x97: {  	_ =	strace $0x8FFFFFFF  }
0x98: {  	s20 =	sld [smem:$0x3FDB];
	_ =	sdelay $0x1  }
0x99: {  	s4 =	simm.s32 $_scs_section_size  }
0x9a: {  	s5 =	simm.s32 $_size__tile_overlayer_lowered;
	s6 =	simm.s32 $_tile_overlayer_lowered  }
0x9b: {  	s7 =	simm.s32 $0x1BFF;
	s21 =	sshll.u32 s6, $0x1;
	s4 =	sadd.s32 s4, s20  }
0x9c: {  	s22 =	simm.s32 $0x0;
	s5 =	sshll.u32 s5, $0x1;
	s6 =	sadd.s32 s21, s4  }
0x9d: {  	[timem:s22], [sflag:s7] =	dma.local [hbm:s6], s5  }
0x9e: {  	_ =	swait.ge [sflag:s7], s5  }
0x9f: {  	s5 =	ssub.s32 $0x0, s5;
	[sflag:s7] =	ssyncset.done $0x0  }
0xa0: {  	[sflag:s7] =	ssyncadd.s32 s5;
	_ =	sdelay $0x1  }
0xa1: {  	s23 =	simm.s32 $0x1B8B  }
0xa2: {  	_ =	swait.ge [sflag:s23], $0x1  }
0xa3: {  	[sflag:s23] =	ssyncset.done $0x0  }
0xa4: {  	[sflag:s23] =	ssyncadd.s32 $0xFFFFFFFF  }
0xa5: {  	s5 =	sld [smem:$0x0]  }
0xa6: {  	s6 =	sand.u32 $0xFFFFFFFE, s1  }
0xa7: {  	p0 =	sne.s32 s1, s6  }
0xa8: {  	s6 =	sshll.u32 @p0 s6, $0xE  }
0xa9: {  	s6 =	sadd.s32 @p0 $0x11B8D, s6;
	s7 =	sshll.u32 @p0 s5, $0x11  }
0xaa: {  	s6 =	sor.u32 @p0 s7, s6  }
0xab: {  	[sflag:s6] =	ssyncadd.remote.s32 @p0 $0x1;
	_ =	sdelay $0x1  }
0xac: {  	s6 =	simm.s32 @p0 $0x1B8D  }
0xad: {  	_ =	swait.eq @p0 [sflag:s6], $0x1  }
0xae: {  	[sflag:s6] =	ssyncadd.s32 @p0 $0xFFFFFFFF  }
0xaf: {  	s7 =	sshll.u32 @!p0 s1, $0xE  }
0xb0: {  	s7 =	sor.u32 @!p0 $0x4000, s7;
	s6 =	simm.s32 @!p0 $0x1B8D  }
0xb1: {  	s5 =	sshll.u32 @!p0 s5, $0x11;
	s7 =	sadd.s32 @!p0 $0x11B8D, s7;
	_ =	swait.eq @!p0 [sflag:s6], $0x1  }
0xb2: {  	s5 =	sor.u32 @!p0 s5, s7;
	[sflag:s6] =	ssyncadd.s32 @!p0 $0xFFFFFFFF  }
0xb3: {  	s25 =	simm.s32 $0x1B8E;
	s24 =	sld [smem:$0x3FFE];
	[sflag:s5] =	ssyncadd.remote.s32 @!p0 $0x1  }
0xb4: {  	s26 =	simm.s32 $execute0_lowered;
	[smem:$0x3FD2] =	sst s25  }
0xb5: {  	s6 =	sshll.u32 s26, $0x1;
	_ =	strace $0x80000049;
	[dreg:$0x1] =	wrdreg $0xFFFFFFFF  }
0xb6: {  	s28 =	simm.s32 $_size_execute0_lowered;
	s4 =	sadd.s32 s4, s6;
	[dreg:$0x0] =	wrdreg $0x0  }
0xb7: {  	s6 =	sshll.u32 s28, $0x1;
	[dreg:$0x2] =	wrdreg s4  }
0xb8: {  	[dreg:$0x3] =	wrdreg s6  }
0xb9: {  	[dreg:$0x4] =	wrdreg $0xC0  }
0xba: {  	_ =	task [dreg:s22], $0x5FFFF  }
0xbb: {  	[dreg:$0x1] =	wrdreg $0xFFFFFFFF  }
0xbc: {  	[dreg:$0x0] =	wrdreg $0x60  }
0xbd: {  	[dreg:$0x2] =	wrdreg s24  }
0xbe: {  	[dreg:$0x3] =	wrdreg s18  }
0xbf: {  	[dreg:$0x4] =	wrdreg $0x84000  }
0xc0: {  	[dreg:$0x5] =	wrdreg $0x9  }
0xc1: {  	_ =	task.clear_ibuf [dreg:s22], $0x6FFFF;
	_ =	strace $0x90000049  }
0xc2: {  	s29 =	simm.s32 $0x9;
	_ =	strace $0x8000004B  }
0xc3: {  	_ =	swait.ge [sflag:s29], $0x1  }
0xc4: {  	[sflag:s29] =	ssyncadd.s32 $0xFFFFFFFF  }
0xc5: {  	_ =	strace $0x9000004B  }
0xc6: {  	_ =	sfence  }
0xc7: {  	s30 =	sld [smem:$0x0];
	_ =	sdelay $0x2  }
0xc8: {  	s31 =	sshll.u32 s1, $0xD;
	s1 =	sshrl.u32 s1, $0x2  }
0xc9: {  	s4 =	sand.u32 $0x4000, s31;
	s1 =	sadd.s32 s1, s30  }
0xca: {  	s0 =	sor.u32 s4, s0;
	s1 =	sshll.u32 s1, $0x11  }
0xcb: {  	s0 =	sor.u32 s1, s0  }
0xcc: {  	s0 =	sadd.s32 $0x8F2B, s0  }
0xcd: {  	[sflag:s0] =	ssyncadd.remote.s32 $0x1  }
0xce: {  	_ =	sfence.sel $0xFFFF  }
0xcf: {  	[dreg:$0x0] =	wrdreg $0xFFFFFFFF;
	(pc) =	sbr.abs _section_cstart, $3  }
0xd0: {  	[dreg:$0x1] =	wrdreg $0xFFFFFFFF  }
0xd1: {  	_ =	task.clear_ibuf [dreg:s22], $0x2FFFF;
	_ =	strace $0x9FFFFFFF  }
0xd2: {  	(tm) =	ssettm $0x7FFFFFFF  }
0xd3: {  	_ =	shalt  }
tec
execute0_lowered:
.L_overlay_start_1:
0x0: {  	(tag) =	ssettag $0x1  }
0x1: {  	s0 =	rddreg [dreg:$0x0]  }
0x2: {  	s2 =	rddreg [dreg:$0x1]  }
0x3: {  	s1 =	rddreg [dreg:$0x2]  }
0x4: {  	s3 =	srdreg.scid;
	s11 =	stileid.u32;
	s28 =	simm.s32 $0x1  }
0x5: {  	s29 =	simm.s32 $0x9;
	s30 =	simm.s32 $0x5;
	s31 =	simm.s32 $0x2  }
0x6: {  	s5 =	sand.u32 $0x1, s3;
	s3 =	simm.s32 $0x0;
	s7 =	smul.u32 $0x2800, s11  }
0x7: {  	s4 =	sadd.s32 $0x17400, s0;
	s9 =	sshll.u32 s11, $0x5;
	s11 =	smul.u32 $0x50000, s11  }
0x8: {  	s8 =	sadd.s32 $0x3F400, s0;
	s6 =	smul.u32 $0x28000, s5;
	[smem:$0x7FF] =	sst s3  }
0x9: {  	s12 =	ssub.s32 $0x2, s5;
	s5 =	sshll.u32 s5, $0x4;
	s24 =	sadd.s32 s9, s8  }
0xa: {  	s26 =	sadd.s32 s9, s2;
	_ =	strace $0x8000004A;
	s13 =	sshrl.u32 s12, $0x1  }
0xb: {  	s10 =	sor.u32 s5, s9;
	s18 =	sshrl.u32 s11, $0x2;
	s9 =	simm.s32 $0x3  }
0xc: {  	s6 =	sadd.s32 s7, s6;
	s14 =	sor.u32 $0x200, s10;
	s15 =	sadd.s32 s2, s10  }
0xd: {  	s17 =	sor.u32 $0x400, s10;
	s0 =	sadd.s32 s6, s0;
	s6 =	ssub.s32 s12, s13  }
0xe: {  	s12 =	sadd.s32 s8, s10;
	[dreg:$0x5] =	wrdreg s15;
	s16 =	sadd.s32 s8, s14  }
0xf: {  	s7 =	sadd.s32 s2, s14;
	s19 =	sadd.s32 s8, s17;
	[dreg:$0x4] =	wrdreg s12  }
0x10: {  	s8 =	simm.s32 $0xB;
	s10 =	simm.s32 $0x7;
	[dreg:$0x6] =	wrdreg s16  }
0x11: {  	s13 =	simm.s32 $0x4;
	s14 =	simm.s32 $0x8;
	[dreg:$0x7] =	wrdreg s7  }
0x12: {  	s15 =	simm.s32 $0x0;
	[dreg:$0x8] =	wrdreg s19;
	s7 =	sadd.s32 s2, s17  }
0x13: {  	s17 =	sadd.s32 s18, s1;
	s0 =	sadd.s32 $0x49400, s0;
	s20 =	smax.u32 s6, $0x1  }
0x14: {  	s18 =	sadd.s32 s5, s24;
	s19 =	sadd.s32 s5, s26;
	[dreg:$0x9] =	wrdreg s7  }
0x15: {  	s24 =	simm.s32 $0x300;
	s2 =	simm.s32 $0x180;
	[dreg:$0xb] =	wrdreg s0  }
0x16: {  	s5 =	simm.s32 $0x380;
	s6 =	simm.s32 $0xA;
	[dreg:$0xc] =	wrdreg s20  }
0x17: {  	s12 =	simm.s32 $0xC;
	s21 =	sadd.s32 $0x4000, s17;
	[dreg:$0xa] =	wrdreg s17  }
.Ltmp0:
0x18: {  	s22 =	sadd.s32 $0x8000, s17;
	[dreg:$0xd] =	wrdreg s21;
	(pc) =	sbr.rel .LBB2_1-.Ltmp0, $4  }
0x19: {  	s23 =	sadd.s32 $0xC000, s17;
	s25 =	sadd.s32 $0x10000, s17;
	[dreg:$0xe] =	wrdreg s22  }
0x1a: {  	s20 =	simm.s32 $0xD;
	s0 =	simm.s32 $0x4400;
	[dreg:$0xf] =	wrdreg s23  }
0x1b: {  	s7 =	simm.s32 $0x6;
	[dreg:$0x10] =	wrdreg s25;
	s21 =	simm.s32 $0x80  }
0x1c: {  	v0 =	vimm.f32 $0.0e+00;
	s22 =	simm.s32 $0x280;
	s23 =	simm.s32 $0x100;
	s25 =	simm.s32 $0x400  }
.LBB2_6:
0x1d: {  	_ =	swait.ge [sflag:s6], $0x4000  }
0x1e: {  	[sflag:s6] =	ssyncset.done $0x0  }
0x1f: {  	[sflag:s6] =	ssyncadd.s32 $0xFFFFC000  }
0x20: {  	_ =	swait.ge [sflag:s14], $0x80  }
0x21: {  	[sflag:s14] =	ssyncset.done $0x0  }
0x22: {  	[sflag:s14] =	ssyncadd.s32 $0xFFFFFF80  }
0x23: {  	[spmem:s1] =	stream.indirect.scatter.add.f32 [tilespmem:s0], [sflag:$0xC], $0x80, s5, s21, $0xb8;
	[tilespmem:$0x1C400] =	vst v63  }
0x24: {  	_ =	swait.ge [sflag:s8], $0x4000  }
0x25: {  	[sflag:s8] =	ssyncset.done $0x0  }
0x26: {  	[sflag:s8] =	ssyncadd.s32 $0xFFFFC000  }
0x27: {  	_ =	swait.ge [sflag:s12], $0x4000  }
0x28: {  	[sflag:s12] =	ssyncset.done $0x0  }
0x29: {  	[sflag:s12] =	ssyncadd.s32 $0xFFFFC000  }
0x2a: {  	s11 =	stileid.u32;
	[bflag:$0x0] =	sbarrier.arrive $0xFFFF  }
0x2b: {  	s20 =	simm.s32 $0xD;
	s11 =	sshll.u32 s11, $0x6;
	s17 =	rddreg [dreg:$0xa]  }
0x2c: {  	s11 =	sor.u32 $0x1C0D, s11;
	s16 =	rddreg [dreg:$0xb];
	s15 =	sshrl.u32 s17, $0x3  }
0x2d: {  	[hbm:s16], [sflag:s11] =	dma.local [spmem:s15], $0x2800  }
0x2e: {  	_ =	swait.ge [sflag:s20], $0x2800  }
0x2f: {  	s16 =	rddreg [dreg:$0x11]  }
0x30: {  	s26 =	rddreg [dreg:$0xc];
	s15 =	sadd.s32 $0x1, s16  }
0x31: {  	p0 =	sne.s32 s15, s26  }
.Ltmp1:
0x32: {  	_ = 	snop;
	(pc) =	sbr.rel @!p0 .LBB2_7-.Ltmp1, $3  }
0x33: {  	_ =	sdelay $0x1  }
0x34: {  	[sflag:s20] =	ssyncset.done $0x0  }
0x35: {  	[sflag:s20] =	ssyncadd.s32 $0xFFFFD800  }
.LBB2_1:
0x36: {  	[dreg:$0x11] =	wrdreg s15  }
0x37: {  	s11 =	rddreg [dreg:$0x4]  }
0x38: {  	[tilespmem:s3], [sflag:$0x1] =	stream.linear.gather [hbm4b:s11+s3], $0x80, $0x38;
	[tilespmem:$0x1C400] =	vst v63  }
0x39: {  	s15 =	rddreg [dreg:$0x5];
	s16 =	simm.s32 $0x200  }
0x3a: {  	[tilespmem:s16], [sflag:$0x5] =	stream.linear.gather [hbm4b:s15+s3], $0x80, $0x38;
	[tilespmem:$0x1C400] =	vst v63  }
0x3b: {  	s26 =	rddreg [dreg:$0x6]  }
0x3c: {  	[tilespmem:s21], [sflag:$0x2] =	stream.linear.gather [hbm4b:s26+s3], $0x80, $0x38;
	[tilespmem:$0x1C400] =	vst v63  }
0x3d: {  	s15 =	rddreg [dreg:$0x7]  }
0x3e: {  	[tilespmem:s22], [sflag:$0x6] =	stream.linear.gather [hbm4b:s15+s3], $0x80, $0x38;
	[tilespmem:$0x1C400] =	vst v63  }
0x3f: {  	s16 =	rddreg [dreg:$0x8]  }
0x40: {  	[tilespmem:s23], [sflag:$0x3] =	stream.linear.gather [hbm4b:s16+s3], $0x80, $0x38;
	[tilespmem:$0x1C400] =	vst v63  }
0x41: {  	s11 =	simm.s32 $0x0;
	s26 =	rddreg [dreg:$0x9];
	s16 =	simm.s32 $0x200  }
0x42: {  	[tilespmem:s24], [sflag:$0x7] =	stream.linear.gather [hbm4b:s26+s3], $0x80, $0x38;
	[tilespmem:$0x1C400] =	vst v63  }
.LBB2_2:
0x43: {  	p0 =	sne.s32 s16, $0xFE00;
	[tilespmem:s11+$0x470] =	vst v0  }
0x44: {  	[tilespmem:s11+$0x400] =	vst v0  }
0x45: {  	[tilespmem:s11+$0x410] =	vst v0  }
.Ltmp2:
0x46: {  	[tilespmem:s11+$0x420] =	vst v0;
	(pc) =	sbr.rel @p0 .LBB2_2-.Ltmp2, $4  }
0x47: {  	[tilespmem:s11+$0x430] =	vst v0  }
0x48: {  	[tilespmem:s11+$0x440] =	vst v0  }
0x49: {  	[tilespmem:s11+$0x450] =	vst v0  }
0x4a: {  	[tilespmem:s11+$0x460] =	vst v0;
	s11 =	sshra.s32 s16, $0x2;
	s16 =	sadd.s32 $0x200, s16  }
0x4b: {  	[tilespmem:s11+$0x470] =	vst v0  }
0x4c: {  	[tilespmem:s11+$0x400] =	vst v0  }
0x4d: {  	[tilespmem:s11+$0x410] =	vst v0  }
0x4e: {  	[tilespmem:s11+$0x420] =	vst v0  }
0x4f: {  	[tilespmem:s11+$0x430] =	vst v0  }
0x50: {  	[tilespmem:s11+$0x440] =	vst v0  }
0x51: {  	[tilespmem:s11+$0x450] =	vst v0  }
0x52: {  	[tilespmem:s11+$0x460] =	vst v0  }
0x53: {  	[spmem:s17] =	stream.linear.scatter [tilespmem:s25], [sflag:$0xD], $0x4000, $0x38;
	[tilespmem:$0x1C400] =	vst v63  }
0x54: {  	_ =	swait.ge [sflag:s20], $0x4000  }
0x55: {  	[sflag:s20] =	ssyncset.done $0x0  }
0x56: {  	s15 =	rddreg [dreg:$0xd];
	[sflag:s20] =	ssyncadd.s32 $0xFFFFC000  }
0x57: {  	[spmem:s15] =	stream.linear.scatter [tilespmem:s25], [sflag:$0xD], $0x4000, $0x38;
	[tilespmem:$0x1C400] =	vst v63  }
0x58: {  	_ =	swait.ge [sflag:s20], $0x4000  }
0x59: {  	[sflag:s20] =	ssyncset.done $0x0  }
0x5a: {  	s16 =	rddreg [dreg:$0xe];
	[sflag:s20] =	ssyncadd.s32 $0xFFFFC000  }
0x5b: {  	[spmem:s16] =	stream.linear.scatter [tilespmem:s25], [sflag:$0xD], $0x4000, $0x38;
	[tilespmem:$0x1C400] =	vst v63  }
0x5c: {  	_ =	swait.ge [sflag:s20], $0x4000  }
0x5d: {  	[sflag:s20] =	ssyncset.done $0x0  }
0x5e: {  	s17 =	rddreg [dreg:$0xf];
	[sflag:s20] =	ssyncadd.s32 $0xFFFFC000  }
0x5f: {  	[spmem:s17] =	stream.linear.scatter [tilespmem:s25], [sflag:$0xD], $0x4000, $0x38;
	[tilespmem:$0x1C400] =	vst v63  }
0x60: {  	_ =	swait.ge [sflag:s20], $0x4000  }
0x61: {  	[sflag:s20] =	ssyncset.done $0x0  }
0x62: {  	s26 =	rddreg [dreg:$0x10];
	[sflag:s20] =	ssyncadd.s32 $0xFFFFC000  }
0x63: {  	[spmem:s26] =	stream.linear.scatter [tilespmem:s25], [sflag:$0xD], $0x4000, $0x38;
	[tilespmem:$0x1C400] =	vst v63  }
0x64: {  	_ =	swait.ge [sflag:s20], $0x4000  }
0x65: {  	[sflag:s20] =	ssyncset.done $0x0  }
0x66: {  	[sflag:s20] =	ssyncadd.s32 $0xFFFFC000  }
0x67: {  	[bflag:$0x0] =	sbarrier.arrive $0xFFFF  }
0x68: {  	_ =	swait.ge [sflag:s28], $0x80  }
0x69: {  	[sflag:s28] =	ssyncset.done $0x0  }
0x6a: {  	s16 =	simm.s32 $0x0;
	[sflag:s28] =	ssyncadd.s32 $0xFFFFFF80  }
0x6b: {  	[tilespmem:s25], [sflag:$0x9] =	stream.indirect.gather [hbm4b:s4+s21], $0x80, s16, s21, $0xb8;
	[tilespmem:$0x1C400] =	vst v63  }
.LBB2_4:
0x6c: {  	_ =	swait.ge [sflag:s29], $0x4000  }
0x6d: {  	[sflag:s29] =	ssyncset.done $0x0  }
0x6e: {  	[sflag:s29] =	ssyncadd.s32 $0xFFFFC000  }
0x6f: {  	_ =	swait.ge [sflag:s30], $0x80  }
0x70: {  	[sflag:s30] =	ssyncset.done $0x0  }
0x71: {  	s11 =	simm.s32 $0x200;
	p0 =	seq.s32 s16, $0x0;
	[sflag:s30] =	ssyncadd.s32 $0xFFFFFF80  }
0x72: {  	[spmem:s1] =	stream.indirect.scatter.add.f32 [tilespmem:s25], [sflag:$0xB], $0x80, s11, s21, $0xb8;
	[tilespmem:$0x1C400] =	vst v63  }
0x73: {  	s11 =	simm.s32 @!p0 $0xC  }
0x74: {  	_ =	swait.ge @!p0 [sflag:s11], $0x4000  }
0x75: {  	[sflag:s11] =	ssyncset.done @!p0 $0x0  }
0x76: {  	[sflag:s11] =	ssyncadd.s32 @!p0 $0xFFFFC000  }
0x77: {  	_ =	swait.ge [sflag:s31], $0x80  }
0x78: {  	[sflag:s31] =	ssyncset.done $0x0  }
0x79: {  	s17 =	sadd.s32 s16, s18;
	[sflag:s31] =	ssyncadd.s32 $0xFFFFFF80  }
0x7a: {  	[tilespmem:s0], [sflag:$0xA] =	stream.indirect.gather [hbm4b:s4+s21], $0x80, s21, s21, $0xb8;
	[tilespmem:$0x1C400] =	vst v63  }
0x7b: {  	s26 =	sadd.s32 $0x600, s17;
	s11 =	sadd.s32 s16, s19  }
0x7c: {  	[tilespmem:s2], [sflag:$0x4] =	stream.linear.gather [hbm4b:s26+s3], $0x80, $0x38;
	[tilespmem:$0x1C400] =	vst v63  }
0x7d: {  	s15 =	sadd.s32 $0x600, s11  }
0x7e: {  	[tilespmem:s5], [sflag:$0x8] =	stream.linear.gather [hbm4b:s15+s3], $0x80, $0x38;
	[tilespmem:$0x1C400] =	vst v63  }
0x7f: {  	_ =	swait.ge [sflag:s6], $0x4000  }
0x80: {  	[sflag:s6] =	ssyncset.done $0x0  }
0x81: {  	[sflag:s6] =	ssyncadd.s32 $0xFFFFC000  }
0x82: {  	_ =	swait.ge [sflag:s7], $0x80  }
0x83: {  	[sflag:s7] =	ssyncset.done $0x0  }
0x84: {  	[sflag:s7] =	ssyncadd.s32 $0xFFFFFF80  }
0x85: {  	[spmem:s1] =	stream.indirect.scatter.add.f32 [tilespmem:s0], [sflag:$0xC], $0x80, s22, s21, $0xb8;
	[tilespmem:$0x1C400] =	vst v63  }
0x86: {  	_ =	swait.ge [sflag:s8], $0x4000  }
0x87: {  	[sflag:s8] =	ssyncset.done $0x0  }
0x88: {  	[sflag:s8] =	ssyncadd.s32 $0xFFFFC000  }
0x89: {  	_ =	swait.ge [sflag:s9], $0x80  }
0x8a: {  	p0 =	seq.s32 s16, $0x9800;
	[sflag:s9] =	ssyncset.done $0x0  }
0x8b: {  	s15 =	sadd.s32 @!p0 s16, s18;
	[sflag:s9] =	ssyncadd.s32 $0xFFFFFF80  }
0x8c: {  	[tilespmem:s25], [sflag:$0x9] =	stream.indirect.gather [hbm4b:s4+s21], $0x80, s23, s21, $0xb8;
	[tilespmem:$0x1C400] =	vst v63  }
0x8d: {  	s26 =	simm.s32 @!p0 $0x0;
	s15 =	sadd.s32 @!p0 $0x800, s15  }
0x8e: {  	[tilespmem:s26], [sflag:$0x1] =	stream.linear.gather @!p0 [hbm4b:s15+s26], $0x80, $0x38;
	[tilespmem:$0x1C400] =	vst v63  }
0x8f: {  	s15 =	sadd.s32 @!p0 s16, s19  }
0x90: {  	s20 =	simm.s32 @!p0 $0x200;
	s15 =	sadd.s32 @!p0 $0x800, s15  }
0x91: {  	[tilespmem:s20], [sflag:$0x5] =	stream.linear.gather @!p0 [hbm4b:s15+s26], $0x80, $0x38;
	[tilespmem:$0x1C400] =	vst v63  }
0x92: {  	_ =	swait.ge [sflag:s29], $0x4000  }
0x93: {  	[sflag:s29] =	ssyncset.done $0x0  }
0x94: {  	[sflag:s29] =	ssyncadd.s32 $0xFFFFC000  }
0x95: {  	_ =	swait.ge [sflag:s10], $0x80  }
0x96: {  	[sflag:s10] =	ssyncset.done $0x0  }
0x97: {  	[sflag:s10] =	ssyncadd.s32 $0xFFFFFF80  }
0x98: {  	[spmem:s1] =	stream.indirect.scatter.add.f32 [tilespmem:s25], [sflag:$0xB], $0x80, s24, s21, $0xb8;
	[tilespmem:$0x1C400] =	vst v63  }
0x99: {  	_ =	swait.ge [sflag:s12], $0x4000  }
0x9a: {  	[sflag:s12] =	ssyncset.done $0x0  }
.Ltmp3:
0x9b: {  	[sflag:s12] =	ssyncadd.s32 $0xFFFFC000;
	(pc) =	sbr.rel @p0 .LBB2_6-.Ltmp3, $4  }
0x9c: {  	_ =	swait.ge [sflag:s13], $0x80  }
0x9d: {  	[sflag:s13] =	ssyncset.done $0x0  }
0x9e: {  	[sflag:s13] =	ssyncadd.s32 $0xFFFFFF80  }
0x9f: {  	[tilespmem:s0], [sflag:$0xA] =	stream.indirect.gather [hbm4b:s4+s21], $0x80, s2, s21, $0xb8;
	[tilespmem:$0x1C400] =	vst v63  }
0xa0: {  	s15 =	sadd.s32 $0xA00, s17  }
0xa1: {  	[tilespmem:s21], [sflag:$0x2] =	stream.linear.gather [hbm4b:s15+s3], $0x80, $0x38;
	[tilespmem:$0x1C400] =	vst v63  }
0xa2: {  	s26 =	sadd.s32 $0xA00, s11  }
0xa3: {  	[tilespmem:s22], [sflag:$0x6] =	stream.linear.gather [hbm4b:s26+s3], $0x80, $0x38;
	[tilespmem:$0x1C400] =	vst v63  }
0xa4: {  	_ =	swait.ge [sflag:s6], $0x4000  }
0xa5: {  	[sflag:s6] =	ssyncset.done $0x0  }
0xa6: {  	[sflag:s6] =	ssyncadd.s32 $0xFFFFC000  }
0xa7: {  	_ =	swait.ge [sflag:s14], $0x80  }
0xa8: {  	[sflag:s14] =	ssyncset.done $0x0  }
0xa9: {  	[sflag:s14] =	ssyncadd.s32 $0xFFFFFF80  }
0xaa: {  	[spmem:s1] =	stream.indirect.scatter.add.f32 [tilespmem:s0], [sflag:$0xC], $0x80, s5, s21, $0xb8;
	[tilespmem:$0x1C400] =	vst v63  }
0xab: {  	_ =	swait.ge [sflag:s8], $0x4000  }
0xac: {  	[sflag:s8] =	ssyncset.done $0x0  }
0xad: {  	[sflag:s8] =	ssyncadd.s32 $0xFFFFC000  }
0xae: {  	_ =	swait.ge [sflag:s28], $0x80  }
0xaf: {  	[sflag:s28] =	ssyncset.done $0x0  }
0xb0: {  	[sflag:s28] =	ssyncadd.s32 $0xFFFFFF80  }
0xb1: {  	[tilespmem:s25], [sflag:$0x9] =	stream.indirect.gather [hbm4b:s4+s21], $0x80, s3, s21, $0xb8;
	[tilespmem:$0x1C400] =	vst v63  }
.Ltmp4:
0xb2: {  	_ = 	snop;
	(pc) =	sbr.rel .LBB2_4-.Ltmp4, $4  }
0xb3: {  	s20 =	sadd.s32 $0xC00, s17  }
0xb4: {  	[tilespmem:s23], [sflag:$0x3] =	stream.linear.gather [hbm4b:s20+s3], $0x80, $0x38;
	[tilespmem:$0x1C400] =	vst v63  }
0xb5: {  	s16 =	sadd.s32 $0x800, s16;
	s26 =	sadd.s32 $0xC00, s11  }
0xb6: {  	[tilespmem:s24], [sflag:$0x7] =	stream.linear.gather [hbm4b:s26+s3], $0x80, $0x38;
	[tilespmem:$0x1C400] =	vst v63  }
.LBB2_7:
0xb7: {  	_ =	sfence.sel $0x180000  }
0xb8: {  	[bflag:$0x0] =	sbarrier.arrive $0xFFFF  }
0xb9: {  	_ =	strace $0x9000004A  }
0xba: {  	s0 =	stileid.u32;
	[bflag:$0x2] =	sbarrier.arrive $0xFFFF  }
0xbb: {  	p0 =	sne.s32 s0, $0x0;
	s0 =	rddreg [dreg:$0x3]  }
0xbc: {  	s0 =	sadd.s32 @!p0 $0x100000, s0  }
0xbd: {  	[sflag:s0] =	ssyncadd.tile.s32 @!p0 $0x1;
	_ =	shalt  }
.Lfunc_end2:
_tile_overlayer_lowered:
.L_overlay_start_2:
0xbe: {  	(tag) =	ssettag $0x2  }
0xbf: {  	s0 =	rddreg [dreg:$0x0];
	s2 =	stileid.u32  }
0xc0: {  	s1 =	rddreg [dreg:$0x1];
	p0 =	sne.s32 s2, $0x0  }
0xc1: {  	s3 =	rddreg [dreg:$0x2];
	[bflag:$0x3] =	sbarrier.arrive $0xFFFF;
	s2 =	simm.s32 @!p0 $0x1C0D  }
0xc2: {  	[timem:s3], [sflag:s2] =	dma.local @!p0 [hbm:s0], s1  }
0xc3: {  	s0 =	simm.s32 @!p0 $0xD  }
0xc4: {  	_ =	swait.ge @!p0 [sflag:s0], s1  }
0xc5: {  	s1 =	ssub.s32 @!p0 $0x0, s1;
	[sflag:s0] =	ssyncset.done @!p0 $0x0  }
0xc6: {  	[sflag:s0] =	ssyncadd.s32 @!p0 s1  }
0xc7: {  	[bflag:$0x3] =	sbarrier.arrive $0xFFFF  }
0xc8: {  	_ =	shalt  }

</sc_bundles>
